<compile_context>
chip_gen: v7x
topology: tpu7x:2x2x1
jax: 0.10.2.dev20260603
libtpu: 0.0.44.dev20260713+nightly
codegen_flags: <defaults>
</compile_context>

<pallas_src>
import jax
import jax.numpy as jnp
from jax import lax
from jax.experimental import pallas as pl
from jax.experimental.pallas import tpu as pltpu
from jax.experimental.pallas import tpu_sc as plsc

N_NODES = 10000
E_EDGES = 320000
D_FEAT = 128

NC = 2
NS = 16
NW = NC * NS

CHUNK = 112
EPW = E_EDGES // NW
NCHUNK = 90
EPW_PAD = NCHUNK * CHUNK
ACC_ROWS = 10112
RPT = ACC_ROWS // NS

BIG_C = 1
PHASE_B = 60
PHASE_S = 60
NCH_BIG = 2 * PHASE_B
NCH_SML = PHASE_S
IDXROWS = max(PHASE_B, PHASE_S)
E_BIG = NS * NCH_BIG * CHUNK
E_SML = NS * NCH_SML * CHUNK


_MESH = plsc.VectorSubcoreMesh(
    core_axis_name="c", subcore_axis_name="s", num_cores=NC, num_subcores=NS)
_PARAMS = pltpu.CompilerParams(use_tc_tiling_on_sc=False)


def _zero_init_slice(sp_ref, buf, s):
    kfull, rem = RPT // CHUNK, RPT % CHUNK
    for k in range(kfull):
        pltpu.sync_copy(buf, sp_ref.at[pl.ds(s * RPT + k * CHUNK, CHUNK)])
    pltpu.sync_copy(buf.at[pl.ds(0, rem)],
                    sp_ref.at[pl.ds(s * RPT + kfull * CHUNK, rem)])


def _make_seg_sum():
    scratch = [
        pltpu.VMEM_SHARED((ACC_ROWS, D_FEAT), jnp.float32),
        pltpu.VMEM((IDXROWS, CHUNK), jnp.int32),
        pltpu.VMEM((IDXROWS, CHUNK), jnp.int32),
        pltpu.VMEM((CHUNK, D_FEAT), jnp.float32),
        pltpu.VMEM((CHUNK, D_FEAT), jnp.float32),
        pltpu.SemaphoreType.DMA,
        pltpu.SemaphoreType.DMA,
    ]

    def body(table_hbm, srcb_hbm, dstb_hbm, srcs_hbm, dsts_hbm, zeros_hbm,
             part_hbm, acc_sp, src_v, dst_v, rows0, rows1, sem0, sem1):
        rows = (rows0, rows1)
        sems = (sem0, sem1)
        c = lax.axis_index("c")
        s = lax.axis_index("s")

        pltpu.sync_copy(zeros_hbm, rows0)
        _zero_init_slice(acc_sp, rows0, s)
        plsc.subcore_barrier()

        def run_phase(src_hbm_slice, dst_hbm_slice, nch):
            pltpu.sync_copy(src_hbm_slice, src_v.at[pl.ds(0, nch)])
            pltpu.sync_copy(dst_hbm_slice, dst_v.at[pl.ds(0, nch)])
            for b in range(2):
                pltpu.async_copy(table_hbm.at[src_v.at[b]], rows[b], sems[b])

            @pl.loop(0, nch, step=2)
            def _(j):
                for b in range(2):
                    pltpu.make_async_copy(
                        table_hbm.at[src_v.at[j + b]], rows[b], sems[b]).wait()
                    pltpu.sync_copy(rows[b], acc_sp.at[dst_v.at[j + b]],
                                    add=True)

                    @pl.when(j + b + 2 < nch)
                    def _():
                        pltpu.async_copy(
                            table_hbm.at[src_v.at[j + b + 2]], rows[b],
                            sems[b])

        @pl.when(c == BIG_C)
        def _():
            for p in range(2):
                run_phase(srcb_hbm.at[s, pl.ds(p * PHASE_B, PHASE_B)],
                          dstb_hbm.at[s, pl.ds(p * PHASE_B, PHASE_B)],
                          PHASE_B)

        @pl.when(c != BIG_C)
        def _():
            run_phase(srcs_hbm.at[s], dsts_hbm.at[s], PHASE_S)

        plsc.subcore_barrier()
        sl = pl.ds(s * RPT, RPT)
        pltpu.sync_copy(acc_sp.at[sl], part_hbm.at[c, sl])

    return pl.kernel(
        body,
        out_type=jax.ShapeDtypeStruct((NC, ACC_ROWS, D_FEAT), jnp.float32),
        mesh=_MESH, scratch_types=scratch, compiler_params=_PARAMS)


def _make_count():
    scratch = [
        pltpu.VMEM_SHARED((ACC_ROWS, 16), jnp.float32),
        pltpu.VMEM((NCHUNK, CHUNK), jnp.int32),
        pltpu.VMEM((CHUNK, 16), jnp.float32),
    ]

    def body(dst_hbm, zcnt_hbm, ones_hbm, cnt_hbm, cnt_sp, dst_v, ones_v):
        c = lax.axis_index("c")
        s = lax.axis_index("s")
        wid = c * NS + s

        pltpu.sync_copy(zcnt_hbm, ones_v)
        _zero_init_slice(cnt_sp, ones_v, s)
        pltpu.sync_copy(ones_hbm, ones_v)
        pltpu.sync_copy(dst_hbm.at[wid], dst_v)
        plsc.subcore_barrier()

        @pl.loop(0, NCHUNK)
        def _(j):
            pltpu.sync_copy(ones_v, cnt_sp.at[dst_v.at[j]], add=True)

        plsc.subcore_barrier()
        sl = pl.ds(s * RPT, RPT)
        pltpu.sync_copy(cnt_sp.at[sl], cnt_hbm.at[c, sl])

    return pl.kernel(
        body,
        out_type=jax.ShapeDtypeStruct((NC, ACC_ROWS, 16), jnp.float32),
        mesh=_MESH, scratch_types=scratch, compiler_params=_PARAMS)


_seg_sum = _make_seg_sum()
_count = _make_count()


def _wr_body(x, wr, b, o):
    o[...] = jnp.dot(x[...], wr[...],
                     preferred_element_type=jnp.float32) + b[...]


def _combine1_body(a0, a1, c0, c1, xr, wl, h_out):
    cnt = jnp.clip(c0[:, 0:1] + c1[:, 0:1], 1.0, None)
    agg = (a0[...] + a1[...]) / cnt
    h = jnp.dot(agg, wl[...], preferred_element_type=jnp.float32)
    h_out[...] = jnp.maximum(h + xr[...], 0.0)


def _bn(h, g, b, eps=1e-5):
    mu = jnp.mean(h, axis=0, keepdims=True)
    var = jnp.mean((h - mu) * (h - mu), axis=0, keepdims=True)
    return (h - mu) * lax.rsqrt(var + eps) * g + b


def _head_body(a0, a1, c0, c1, hr, wl,
               fc1_w, fc1_b, bn1_g, bn1_b, fc2_w, fc2_b, bn2_g, bn2_b,
               fc3_w, fc3_b, h2_out, out_out):
    cnt = jnp.clip(c0[:, 0:1] + c1[:, 0:1], 1.0, None)
    agg = (a0[...] + a1[...]) / cnt
    h = jnp.dot(agg, wl[...], preferred_element_type=jnp.float32)
    h2 = jnp.maximum(h + hr[...], 0.0)
    h2_out[...] = h2
    f = jnp.dot(h2, fc1_w[...], preferred_element_type=jnp.float32) + fc1_b[...]
    f = jnp.maximum(_bn(f, bn1_g[...], bn1_b[...]), 0.0)
    f = jnp.dot(f, fc2_w[...], preferred_element_type=jnp.float32) + fc2_b[...]
    f = jnp.maximum(_bn(f, bn2_g[...], bn2_b[...]), 0.0)
    o = jnp.dot(f, fc3_w[...], preferred_element_type=jnp.float32) + fc3_b[...]
    out_out[...] = o


def kernel(x, edge_index, conv1_wl, conv1_wr, conv1_b, conv2_wl, conv2_wr,
           conv2_b, fc1_w, fc1_b, bn1_g, bn1_b, fc2_w, fc2_b, bn2_g, bn2_b,
           fc3_w, fc3_b):
    x = x.reshape(x.shape[0], -1)

    def padded(n_total):
        pad = n_total - E_EDGES
        s_ = jnp.concatenate([edge_index[0], jnp.zeros((pad,), jnp.int32)])
        pad_dst = N_NODES + (jnp.arange(pad, dtype=jnp.int32)
                             % (ACC_ROWS - N_NODES))
        d_ = jnp.concatenate([edge_index[1], pad_dst])
        return s_, d_

    src_c, dst_c = padded(EPW_PAD * NW)
    dst_w = dst_c.reshape(NW, NCHUNK, CHUNK)
    src_a, dst_a = padded(E_BIG + E_SML)
    src_b = src_a[:E_BIG].reshape(NS, NCH_BIG, CHUNK)
    dst_b = dst_a[:E_BIG].reshape(NS, NCH_BIG, CHUNK)
    src_s = src_a[E_BIG:].reshape(NS, NCH_SML, CHUNK)
    dst_s = dst_a[E_BIG:].reshape(NS, NCH_SML, CHUNK)

    zeros = jnp.zeros((CHUNK, D_FEAT), jnp.float32)
    zcnt = jnp.zeros((CHUNK, 16), jnp.float32)
    ones = jnp.ones((CHUNK, 16), jnp.float32)

    cnt = _count(dst_w, zcnt, ones)

    _wr_call = pl.pallas_call(
        _wr_body, out_shape=jax.ShapeDtypeStruct((N_NODES, D_FEAT),
                                                 jnp.float32))

    part1 = _seg_sum(x, src_b, dst_b, src_s, dst_s, zeros)
    xr1 = _wr_call(x, conv1_wr, conv1_b.reshape(1, -1))

    h1 = pl.pallas_call(
        _combine1_body,
        out_shape=jax.ShapeDtypeStruct((N_NODES, D_FEAT), jnp.float32),
    )(part1[0, :N_NODES], part1[1, :N_NODES],
      cnt[0, :N_NODES], cnt[1, :N_NODES], xr1, conv1_wl)

    part2 = _seg_sum(h1, src_b, dst_b, src_s, dst_s, zeros)
    hr2 = _wr_call(h1, conv2_wr, conv2_b.reshape(1, -1))

    h2, out = pl.pallas_call(
        _head_body,
        out_shape=[
            jax.ShapeDtypeStruct((N_NODES, D_FEAT), jnp.float32),
            jax.ShapeDtypeStruct((N_NODES, 1), jnp.float32),
        ],
    )(part2[0, :N_NODES], part2[1, :N_NODES],
      cnt[0, :N_NODES], cnt[1, :N_NODES],
      hr2, conv2_wl,
      fc1_w, fc1_b.reshape(1, -1), bn1_g.reshape(1, -1), bn1_b.reshape(1, -1),
      fc2_w, fc2_b.reshape(1, -1), bn2_g.reshape(1, -1), bn2_b.reshape(1, -1),
      fc3_w, fc3_b.reshape(1, -1))

    return (out[:, 0], h1, h2)

# --- scband reference (transcript-rebuilt; emitter-appended) ---
"""Pipeline reference for scband-sage-one-hot-mlp-hetero-42150809043601 (READ-ONLY COPY).

The authoritative reference and input builder live on the scoring server;
editing this copy changes nothing except your own understanding.
"""

import jax, jax.numpy as jnp
import numpy as np

N = 10000
E = 320000
D = 128
H = 128
H1 = 128
H2 = 64


def setup_inputs(seed: int = 0) -> dict:
    key = jax.random.key(seed)
    ks = jax.random.split(key, 20)
    x = jax.random.normal(ks[0], (N, D), dtype=jnp.float32)
    edge_index = jax.random.randint(ks[1], (2, E), 0, N, dtype=jnp.int32)
    s = 0.05
    return {
        "x": x,
        "edge_index": edge_index,
        "conv1_wl": jax.random.normal(ks[2], (D, H), dtype=jnp.float32) * s,
        "conv1_wr": jax.random.normal(ks[3], (D, H), dtype=jnp.float32) * s,
        "conv1_b": jnp.zeros((H,), dtype=jnp.float32),
        "conv2_wl": jax.random.normal(ks[4], (H, H), dtype=jnp.float32) * s,
        "conv2_wr": jax.random.normal(ks[5], (H, H), dtype=jnp.float32) * s,
        "conv2_b": jnp.zeros((H,), dtype=jnp.float32),
        "fc1_w": jax.random.normal(ks[6], (H, H1), dtype=jnp.float32) * s,
        "fc1_b": jnp.zeros((H1,), dtype=jnp.float32),
        "bn1_g": jnp.ones((H1,), dtype=jnp.float32),
        "bn1_b": jnp.zeros((H1,), dtype=jnp.float32),
        "fc2_w": jax.random.normal(ks[7], (H1, H2), dtype=jnp.float32) * s,
        "fc2_b": jnp.zeros((H2,), dtype=jnp.float32),
        "bn2_g": jnp.ones((H2,), dtype=jnp.float32),
        "bn2_b": jnp.zeros((H2,), dtype=jnp.float32),
        "fc3_w": jax.random.normal(ks[8], (H2, 1), dtype=jnp.float32) * s,
        "fc3_b": jnp.zeros((1,), dtype=jnp.float32),
    }


def _sage_conv(x, edge_index, wl, wr, b):
    # PyG SAGEConv (mean aggr): out = mean_agg(x_src -> dst) @ W_l + b + x @ W_r
    src = edge_index[0]
    dst = edge_index[1]
    msg = x[src]                                   # gather [E, d]
    agg = jax.ops.segment_sum(msg, dst, num_segments=x.shape[0])
    cnt = jax.ops.segment_sum(jnp.ones((msg.shape[0],), dtype=x.dtype), dst, num_segments=x.shape[0])
    agg = agg / jnp.clip(cnt, 1.0, None)[:, None]  # mean aggregation
    return agg @ wl + b + x @ wr


def _batchnorm(h, g, b, eps=1e-5):
    mu = jnp.mean(h, axis=0)
    var = jnp.var(h, axis=0)
    return (h - mu) / jnp.sqrt(var + eps) * g + b


def reference(x, edge_index, conv1_wl, conv1_wr, conv1_b, conv2_wl, conv2_wr, conv2_b,
              fc1_w, fc1_b, bn1_g, bn1_b, fc2_w, fc2_b, bn2_g, bn2_b, fc3_w, fc3_b):
    x = x.reshape(x.shape[0], -1)
    h1 = jax.nn.relu(_sage_conv(x, edge_index, conv1_wl, conv1_wr, conv1_b))
    h2 = jax.nn.relu(_sage_conv(h1, edge_index, conv2_wl, conv2_wr, conv2_b))
    f = jax.nn.relu(_batchnorm(h2 @ fc1_w + fc1_b, bn1_g, bn1_b))
    f = jax.nn.relu(_batchnorm(f @ fc2_w + fc2_b, bn2_g, bn2_b))
    out = (f @ fc3_w + fc3_b).squeeze(-1)
    return (out, h1, h2)

if __name__ == "__main__":
    import jax
    _d = setup_inputs()
    print(jax.jit(kernel)(*tuple(_d.values())))

</pallas_src>

<mosaic_0001>
#map = affine_map<(d0, d1) -> (0, 0)>
#map1 = affine_map<(d0, d1) -> (0, 0, 0)>
module attributes {stable_mosaic.version = 14 : i64} {
  func.func @body(%arg0: i32, %arg1: i32, %arg2: memref<10000x128xf32, #tpu.memory_space<hbm>>, %arg3: memref<16x120x112xi32, #tpu.memory_space<hbm>>, %arg4: memref<16x120x112xi32, #tpu.memory_space<hbm>>, %arg5: memref<16x60x112xi32, #tpu.memory_space<hbm>>, %arg6: memref<16x60x112xi32, #tpu.memory_space<hbm>>, %arg7: memref<112x128xf32, #tpu.memory_space<hbm>>, %arg8: memref<2x10112x128xf32, #tpu.memory_space<hbm>>, %arg9: memref<10112x128xf32, #tpu.memory_space<vmem_shared>>, %arg10: memref<60x112xi32, #tpu.memory_space<vmem>>, %arg11: memref<60x112xi32, #tpu.memory_space<vmem>>, %arg12: memref<112x128xf32, #tpu.memory_space<vmem>>, %arg13: memref<112x128xf32, #tpu.memory_space<vmem>>, %arg14: memref<!tpu.dma_semaphore, #tpu.memory_space<semaphore_mem>>, %arg15: memref<!tpu.dma_semaphore, #tpu.memory_space<semaphore_mem>>) attributes {dimension_semantics = [#tpu.dimension_semantics<core_parallel>, #tpu.dimension_semantics<subcore_parallel>], iteration_bounds = array<i64: 2, 16>, scalar_prefetch = 0 : i64, scratch_operands = 7 : i64, tpu.core_type = #tpu.core_type<sc_vector_subcore>, window_params = [{transform_indices = #map}, {transform_indices = #map1}, {transform_indices = #map1}, {transform_indices = #map1}, {transform_indices = #map1}, {transform_indices = #map}, {transform_indices = #map1}]} {
    "tpu.region"() ({
      %run_scoped3A = tpu.sem_alloc : memref<!tpu.dma_semaphore, #tpu.memory_space<semaphore_mem>>
      tpu.enqueue_dma source(%arg7 : memref<112x128xf32, #tpu.memory_space<hbm>>) target(%arg12 : memref<112x128xf32, #tpu.memory_space<vmem>>) target_semaphore(%run_scoped3A : memref<!tpu.dma_semaphore, #tpu.memory_space<semaphore_mem>>)
      tpu.wait_dma2 semaphore(%run_scoped3A : memref<!tpu.dma_semaphore, #tpu.memory_space<semaphore_mem>>) src(%arg7 : memref<112x128xf32, #tpu.memory_space<hbm>>) dst(%arg12 : memref<112x128xf32, #tpu.memory_space<vmem>>)
      tpu.yield
    }) : () -> ()
    %mul3A = arith.constant 632 : i32
    %mul3A_0 = arith.muli %arg1, %mul3A : i32
    %add3A = arith.constant 0 : i32
    %add3A_1 = arith.addi %mul3A_0, %add3A : i32
    "tpu.region"() ({
      %run_scoped3A = tpu.sem_alloc : memref<!tpu.dma_semaphore, #tpu.memory_space<semaphore_mem>>
      %dma_start3A = arith.constant 0 : i32
      %dma_start3A_31 = tpu.memref_slice %arg9[%add3A_1, %dma_start3A] : memref<10112x128xf32, #tpu.memory_space<vmem_shared>> -> memref<112x128xf32, #tpu.memory_space<vmem_shared>>
      %dma_start3A_32 = arith.constant 0 : i32
      %dma_start3A_33 = tpu.memref_slice %arg9[%add3A_1, %dma_start3A_32] : memref<10112x128xf32, #tpu.memory_space<vmem_shared>> -> memref<112x128xf32, #tpu.memory_space<vmem_shared>>
      tpu.enqueue_dma source(%arg12 : memref<112x128xf32, #tpu.memory_space<vmem>>) target(%dma_start3A_33 : memref<112x128xf32, #tpu.memory_space<vmem_shared>>) target_semaphore(%run_scoped3A : memref<!tpu.dma_semaphore, #tpu.memory_space<semaphore_mem>>)
      %dma_wait3A = arith.constant 0 : i32
      %dma_wait3A_34 = tpu.memref_slice %arg9[%add3A_1, %dma_wait3A] : memref<10112x128xf32, #tpu.memory_space<vmem_shared>> -> memref<112x128xf32, #tpu.memory_space<vmem_shared>>
      %dma_wait3A_35 = arith.constant 0 : i32
      %dma_wait3A_36 = tpu.memref_slice %arg9[%add3A_1, %dma_wait3A_35] : memref<10112x128xf32, #tpu.memory_space<vmem_shared>> -> memref<112x128xf32, #tpu.memory_space<vmem_shared>>
      tpu.wait_dma2 semaphore(%run_scoped3A : memref<!tpu.dma_semaphore, #tpu.memory_space<semaphore_mem>>) src(%arg12 : memref<112x128xf32, #tpu.memory_space<vmem>>) dst(%dma_wait3A_36 : memref<112x128xf32, #tpu.memory_space<vmem_shared>>)
      tpu.yield
    }) : () -> ()
    %mul3A_2 = arith.constant 632 : i32
    %mul3A_3 = arith.muli %arg1, %mul3A_2 : i32
    %add3A_4 = arith.constant 112 : i32
    %add3A_5 = arith.addi %mul3A_3, %add3A_4 : i32
    "tpu.region"() ({
      %run_scoped3A = tpu.sem_alloc : memref<!tpu.dma_semaphore, #tpu.memory_space<semaphore_mem>>
      %dma_start3A = arith.constant 0 : i32
      %dma_start3A_31 = tpu.memref_slice %arg9[%add3A_5, %dma_start3A] : memref<10112x128xf32, #tpu.memory_space<vmem_shared>> -> memref<112x128xf32, #tpu.memory_space<vmem_shared>>
      %dma_start3A_32 = arith.constant 0 : i32
      %dma_start3A_33 = tpu.memref_slice %arg9[%add3A_5, %dma_start3A_32] : memref<10112x128xf32, #tpu.memory_space<vmem_shared>> -> memref<112x128xf32, #tpu.memory_space<vmem_shared>>
      tpu.enqueue_dma source(%arg12 : memref<112x128xf32, #tpu.memory_space<vmem>>) target(%dma_start3A_33 : memref<112x128xf32, #tpu.memory_space<vmem_shared>>) target_semaphore(%run_scoped3A : memref<!tpu.dma_semaphore, #tpu.memory_space<semaphore_mem>>)
      %dma_wait3A = arith.constant 0 : i32
      %dma_wait3A_34 = tpu.memref_slice %arg9[%add3A_5, %dma_wait3A] : memref<10112x128xf32, #tpu.memory_space<vmem_shared>> -> memref<112x128xf32, #tpu.memory_space<vmem_shared>>
      %dma_wait3A_35 = arith.constant 0 : i32
      %dma_wait3A_36 = tpu.memref_slice %arg9[%add3A_5, %dma_wait3A_35] : memref<10112x128xf32, #tpu.memory_space<vmem_shared>> -> memref<112x128xf32, #tpu.memory_space<vmem_shared>>
      tpu.wait_dma2 semaphore(%run_scoped3A : memref<!tpu.dma_semaphore, #tpu.memory_space<semaphore_mem>>) src(%arg12 : memref<112x128xf32, #tpu.memory_space<vmem>>) dst(%dma_wait3A_36 : memref<112x128xf32, #tpu.memory_space<vmem_shared>>)
      tpu.yield
    }) : () -> ()
    %mul3A_6 = arith.constant 632 : i32
    %mul3A_7 = arith.muli %arg1, %mul3A_6 : i32
    %add3A_8 = arith.constant 224 : i32
    %add3A_9 = arith.addi %mul3A_7, %add3A_8 : i32
    "tpu.region"() ({
      %run_scoped3A = tpu.sem_alloc : memref<!tpu.dma_semaphore, #tpu.memory_space<semaphore_mem>>
      %dma_start3A = arith.constant 0 : i32
      %dma_start3A_31 = tpu.memref_slice %arg9[%add3A_9, %dma_start3A] : memref<10112x128xf32, #tpu.memory_space<vmem_shared>> -> memref<112x128xf32, #tpu.memory_space<vmem_shared>>
      %dma_start3A_32 = arith.constant 0 : i32
      %dma_start3A_33 = tpu.memref_slice %arg9[%add3A_9, %dma_start3A_32] : memref<10112x128xf32, #tpu.memory_space<vmem_shared>> -> memref<112x128xf32, #tpu.memory_space<vmem_shared>>
      tpu.enqueue_dma source(%arg12 : memref<112x128xf32, #tpu.memory_space<vmem>>) target(%dma_start3A_33 : memref<112x128xf32, #tpu.memory_space<vmem_shared>>) target_semaphore(%run_scoped3A : memref<!tpu.dma_semaphore, #tpu.memory_space<semaphore_mem>>)
      %dma_wait3A = arith.constant 0 : i32
      %dma_wait3A_34 = tpu.memref_slice %arg9[%add3A_9, %dma_wait3A] : memref<10112x128xf32, #tpu.memory_space<vmem_shared>> -> memref<112x128xf32, #tpu.memory_space<vmem_shared>>
      %dma_wait3A_35 = arith.constant 0 : i32
      %dma_wait3A_36 = tpu.memref_slice %arg9[%add3A_9, %dma_wait3A_35] : memref<10112x128xf32, #tpu.memory_space<vmem_shared>> -> memref<112x128xf32, #tpu.memory_space<vmem_shared>>
      tpu.wait_dma2 semaphore(%run_scoped3A : memref<!tpu.dma_semaphore, #tpu.memory_space<semaphore_mem>>) src(%arg12 : memref<112x128xf32, #tpu.memory_space<vmem>>) dst(%dma_wait3A_36 : memref<112x128xf32, #tpu.memory_space<vmem_shared>>)
      tpu.yield
    }) : () -> ()
    %mul3A_10 = arith.constant 632 : i32
    %mul3A_11 = arith.muli %arg1, %mul3A_10 : i32
    %add3A_12 = arith.constant 336 : i32
    %add3A_13 = arith.addi %mul3A_11, %add3A_12 : i32
    "tpu.region"() ({
      %run_scoped3A = tpu.sem_alloc : memref<!tpu.dma_semaphore, #tpu.memory_space<semaphore_mem>>
      %dma_start3A = arith.constant 0 : i32
      %dma_start3A_31 = tpu.memref_slice %arg9[%add3A_13, %dma_start3A] : memref<10112x128xf32, #tpu.memory_space<vmem_shared>> -> memref<112x128xf32, #tpu.memory_space<vmem_shared>>
      %dma_start3A_32 = arith.constant 0 : i32
      %dma_start3A_33 = tpu.memref_slice %arg9[%add3A_13, %dma_start3A_32] : memref<10112x128xf32, #tpu.memory_space<vmem_shared>> -> memref<112x128xf32, #tpu.memory_space<vmem_shared>>
      tpu.enqueue_dma source(%arg12 : memref<112x128xf32, #tpu.memory_space<vmem>>) target(%dma_start3A_33 : memref<112x128xf32, #tpu.memory_space<vmem_shared>>) target_semaphore(%run_scoped3A : memref<!tpu.dma_semaphore, #tpu.memory_space<semaphore_mem>>)
      %dma_wait3A = arith.constant 0 : i32
      %dma_wait3A_34 = tpu.memref_slice %arg9[%add3A_13, %dma_wait3A] : memref<10112x128xf32, #tpu.memory_space<vmem_shared>> -> memref<112x128xf32, #tpu.memory_space<vmem_shared>>
      %dma_wait3A_35 = arith.constant 0 : i32
      %dma_wait3A_36 = tpu.memref_slice %arg9[%add3A_13, %dma_wait3A_35] : memref<10112x128xf32, #tpu.memory_space<vmem_shared>> -> memref<112x128xf32, #tpu.memory_space<vmem_shared>>
      tpu.wait_dma2 semaphore(%run_scoped3A : memref<!tpu.dma_semaphore, #tpu.memory_space<semaphore_mem>>) src(%arg12 : memref<112x128xf32, #tpu.memory_space<vmem>>) dst(%dma_wait3A_36 : memref<112x128xf32, #tpu.memory_space<vmem_shared>>)
      tpu.yield
    }) : () -> ()
    %mul3A_14 = arith.constant 632 : i32
    %mul3A_15 = arith.muli %arg1, %mul3A_14 : i32
    %add3A_16 = arith.constant 448 : i32
    %add3A_17 = arith.addi %mul3A_15, %add3A_16 : i32
    "tpu.region"() ({
      %run_scoped3A = tpu.sem_alloc : memref<!tpu.dma_semaphore, #tpu.memory_space<semaphore_mem>>
      %dma_start3A = arith.constant 0 : i32
      %dma_start3A_31 = tpu.memref_slice %arg9[%add3A_17, %dma_start3A] : memref<10112x128xf32, #tpu.memory_space<vmem_shared>> -> memref<112x128xf32, #tpu.memory_space<vmem_shared>>
      %dma_start3A_32 = arith.constant 0 : i32
      %dma_start3A_33 = tpu.memref_slice %arg9[%add3A_17, %dma_start3A_32] : memref<10112x128xf32, #tpu.memory_space<vmem_shared>> -> memref<112x128xf32, #tpu.memory_space<vmem_shared>>
      tpu.enqueue_dma source(%arg12 : memref<112x128xf32, #tpu.memory_space<vmem>>) target(%dma_start3A_33 : memref<112x128xf32, #tpu.memory_space<vmem_shared>>) target_semaphore(%run_scoped3A : memref<!tpu.dma_semaphore, #tpu.memory_space<semaphore_mem>>)
      %dma_wait3A = arith.constant 0 : i32
      %dma_wait3A_34 = tpu.memref_slice %arg9[%add3A_17, %dma_wait3A] : memref<10112x128xf32, #tpu.memory_space<vmem_shared>> -> memref<112x128xf32, #tpu.memory_space<vmem_shared>>
      %dma_wait3A_35 = arith.constant 0 : i32
      %dma_wait3A_36 = tpu.memref_slice %arg9[%add3A_17, %dma_wait3A_35] : memref<10112x128xf32, #tpu.memory_space<vmem_shared>> -> memref<112x128xf32, #tpu.memory_space<vmem_shared>>
      tpu.wait_dma2 semaphore(%run_scoped3A : memref<!tpu.dma_semaphore, #tpu.memory_space<semaphore_mem>>) src(%arg12 : memref<112x128xf32, #tpu.memory_space<vmem>>) dst(%dma_wait3A_36 : memref<112x128xf32, #tpu.memory_space<vmem_shared>>)
      tpu.yield
    }) : () -> ()
    %mul3A_18 = arith.constant 632 : i32
    %mul3A_19 = arith.muli %arg1, %mul3A_18 : i32
    %add3A_20 = arith.constant 560 : i32
    %add3A_21 = arith.addi %mul3A_19, %add3A_20 : i32
    "tpu.region"() ({
      %run_scoped3A = tpu.sem_alloc : memref<!tpu.dma_semaphore, #tpu.memory_space<semaphore_mem>>
      %dma_start3A = arith.constant 0 : i32
      %dma_start3A_31 = arith.constant 0 : i32
      %dma_start3A_32 = tpu.memref_slice %arg12[%dma_start3A, %dma_start3A_31] : memref<112x128xf32, #tpu.memory_space<vmem>> -> memref<72x128xf32, #tpu.memory_space<vmem>>
      %dma_start3A_33 = arith.constant 0 : i32
      %dma_start3A_34 = tpu.memref_slice %arg9[%add3A_21, %dma_start3A_33] : memref<10112x128xf32, #tpu.memory_space<vmem_shared>> -> memref<72x128xf32, #tpu.memory_space<vmem_shared>>
      %dma_start3A_35 = arith.constant 0 : i32
      %dma_start3A_36 = tpu.memref_slice %arg9[%add3A_21, %dma_start3A_35] : memref<10112x128xf32, #tpu.memory_space<vmem_shared>> -> memref<72x128xf32, #tpu.memory_space<vmem_shared>>
      %dma_start3A_37 = arith.constant 0 : i32
      %dma_start3A_38 = arith.constant 0 : i32
      %dma_start3A_39 = tpu.memref_slice %arg12[%dma_start3A_37, %dma_start3A_38] : memref<112x128xf32, #tpu.memory_space<vmem>> -> memref<72x128xf32, #tpu.memory_space<vmem>>
      tpu.enqueue_dma source(%dma_start3A_39 : memref<72x128xf32, #tpu.memory_space<vmem>>) target(%dma_start3A_36 : memref<72x128xf32, #tpu.memory_space<vmem_shared>>) target_semaphore(%run_scoped3A : memref<!tpu.dma_semaphore, #tpu.memory_space<semaphore_mem>>)
      %dma_wait3A = arith.constant 0 : i32
      %dma_wait3A_40 = arith.constant 0 : i32
      %dma_wait3A_41 = tpu.memref_slice %arg12[%dma_wait3A, %dma_wait3A_40] : memref<112x128xf32, #tpu.memory_space<vmem>> -> memref<72x128xf32, #tpu.memory_space<vmem>>
      %dma_wait3A_42 = arith.constant 0 : i32
      %dma_wait3A_43 = tpu.memref_slice %arg9[%add3A_21, %dma_wait3A_42] : memref<10112x128xf32, #tpu.memory_space<vmem_shared>> -> memref<72x128xf32, #tpu.memory_space<vmem_shared>>
      %dma_wait3A_44 = arith.constant 0 : i32
      %dma_wait3A_45 = tpu.memref_slice %arg9[%add3A_21, %dma_wait3A_44] : memref<10112x128xf32, #tpu.memory_space<vmem_shared>> -> memref<72x128xf32, #tpu.memory_space<vmem_shared>>
      %dma_wait3A_46 = arith.constant 0 : i32
      %dma_wait3A_47 = arith.constant 0 : i32
      %dma_wait3A_48 = tpu.memref_slice %arg12[%dma_wait3A_46, %dma_wait3A_47] : memref<112x128xf32, #tpu.memory_space<vmem>> -> memref<72x128xf32, #tpu.memory_space<vmem>>
      tpu.wait_dma2 semaphore(%run_scoped3A : memref<!tpu.dma_semaphore, #tpu.memory_space<semaphore_mem>>) src(%dma_wait3A_48 : memref<72x128xf32, #tpu.memory_space<vmem>>) dst(%dma_wait3A_45 : memref<72x128xf32, #tpu.memory_space<vmem_shared>>)
      tpu.yield
    }) : () -> ()
    %barrier3A = arith.constant 0 : index
    tpu.barrier barrier_id(%barrier3A)
    %eq3A = arith.constant 1 : i32
    %eq3A_22 = arith.cmpi eq, %arg0, %eq3A : i32
    %convert_element_type3A = arith.extui %eq3A_22 : i1 to i32
    %cond3A = arith.constant 0 : i32
    %cond3A_23 = arith.cmpi ne, %convert_element_type3A, %cond3A : i32
    scf.if %cond3A_23 {
      "tpu.region"() ({
        %run_scoped3A = tpu.sem_alloc : memref<!tpu.dma_semaphore, #tpu.memory_space<semaphore_mem>>
        %dma_start3A_67 = arith.constant 0 : i32
        %dma_start3A_68 = arith.constant 0 : i32
        %dma_start3A_69 = tpu.memref_slice %arg10[%dma_start3A_67, %dma_start3A_68] : memref<60x112xi32, #tpu.memory_space<vmem>> -> memref<60x112xi32, #tpu.memory_space<vmem>>
        %dma_start3A_70 = arith.constant 0 : i32
        %dma_start3A_71 = arith.constant 0 : i32
        %dma_start3A_72 = tpu.memref_slice %arg3[%arg1, %dma_start3A_70, %dma_start3A_71] : memref<16x120x112xi32, #tpu.memory_space<hbm>> -> memref<1x60x112xi32, #tpu.memory_space<hbm>>
        %dma_start3A_73 = tpu.memref_squeeze %dma_start3A_72 : memref<1x60x112xi32, #tpu.memory_space<hbm>> -> memref<60x112xi32, #tpu.memory_space<hbm>>
        %dma_start3A_74 = arith.constant 0 : i32
        %dma_start3A_75 = arith.constant 0 : i32
        %dma_start3A_76 = tpu.memref_slice %arg10[%dma_start3A_74, %dma_start3A_75] : memref<60x112xi32, #tpu.memory_space<vmem>> -> memref<60x112xi32, #tpu.memory_space<vmem>>
        %dma_start3A_77 = arith.constant 0 : i32
        %dma_start3A_78 = arith.constant 0 : i32
        %dma_start3A_79 = tpu.memref_slice %arg3[%arg1, %dma_start3A_77, %dma_start3A_78] : memref<16x120x112xi32, #tpu.memory_space<hbm>> -> memref<1x60x112xi32, #tpu.memory_space<hbm>>
        %dma_start3A_80 = tpu.memref_squeeze %dma_start3A_79 : memref<1x60x112xi32, #tpu.memory_space<hbm>> -> memref<60x112xi32, #tpu.memory_space<hbm>>
        tpu.enqueue_dma source(%dma_start3A_80 : memref<60x112xi32, #tpu.memory_space<hbm>>) target(%dma_start3A_76 : memref<60x112xi32, #tpu.memory_space<vmem>>) target_semaphore(%run_scoped3A : memref<!tpu.dma_semaphore, #tpu.memory_space<semaphore_mem>>)
        %dma_wait3A = arith.constant 0 : i32
        %dma_wait3A_81 = arith.constant 0 : i32
        %dma_wait3A_82 = tpu.memref_slice %arg10[%dma_wait3A, %dma_wait3A_81] : memref<60x112xi32, #tpu.memory_space<vmem>> -> memref<60x112xi32, #tpu.memory_space<vmem>>
        %dma_wait3A_83 = arith.constant 0 : i32
        %dma_wait3A_84 = arith.constant 0 : i32
        %dma_wait3A_85 = tpu.memref_slice %arg3[%arg1, %dma_wait3A_83, %dma_wait3A_84] : memref<16x120x112xi32, #tpu.memory_space<hbm>> -> memref<1x60x112xi32, #tpu.memory_space<hbm>>
        %dma_wait3A_86 = tpu.memref_squeeze %dma_wait3A_85 : memref<1x60x112xi32, #tpu.memory_space<hbm>> -> memref<60x112xi32, #tpu.memory_space<hbm>>
        %dma_wait3A_87 = arith.constant 0 : i32
        %dma_wait3A_88 = arith.constant 0 : i32
        %dma_wait3A_89 = tpu.memref_slice %arg10[%dma_wait3A_87, %dma_wait3A_88] : memref<60x112xi32, #tpu.memory_space<vmem>> -> memref<60x112xi32, #tpu.memory_space<vmem>>
        %dma_wait3A_90 = arith.constant 0 : i32
        %dma_wait3A_91 = arith.constant 0 : i32
        %dma_wait3A_92 = tpu.memref_slice %arg3[%arg1, %dma_wait3A_90, %dma_wait3A_91] : memref<16x120x112xi32, #tpu.memory_space<hbm>> -> memref<1x60x112xi32, #tpu.memory_space<hbm>>
        %dma_wait3A_93 = tpu.memref_squeeze %dma_wait3A_92 : memref<1x60x112xi32, #tpu.memory_space<hbm>> -> memref<60x112xi32, #tpu.memory_space<hbm>>
        tpu.wait_dma2 semaphore(%run_scoped3A : memref<!tpu.dma_semaphore, #tpu.memory_space<semaphore_mem>>) src(%dma_wait3A_93 : memref<60x112xi32, #tpu.memory_space<hbm>>) dst(%dma_wait3A_89 : memref<60x112xi32, #tpu.memory_space<vmem>>)
        tpu.yield
      }) : () -> ()
      "tpu.region"() ({
        %run_scoped3A = tpu.sem_alloc : memref<!tpu.dma_semaphore, #tpu.memory_space<semaphore_mem>>
        %dma_start3A_67 = arith.constant 0 : i32
        %dma_start3A_68 = arith.constant 0 : i32
        %dma_start3A_69 = tpu.memref_slice %arg11[%dma_start3A_67, %dma_start3A_68] : memref<60x112xi32, #tpu.memory_space<vmem>> -> memref<60x112xi32, #tpu.memory_space<vmem>>
        %dma_start3A_70 = arith.constant 0 : i32
        %dma_start3A_71 = arith.constant 0 : i32
        %dma_start3A_72 = tpu.memref_slice %arg4[%arg1, %dma_start3A_70, %dma_start3A_71] : memref<16x120x112xi32, #tpu.memory_space<hbm>> -> memref<1x60x112xi32, #tpu.memory_space<hbm>>
        %dma_start3A_73 = tpu.memref_squeeze %dma_start3A_72 : memref<1x60x112xi32, #tpu.memory_space<hbm>> -> memref<60x112xi32, #tpu.memory_space<hbm>>
        %dma_start3A_74 = arith.constant 0 : i32
        %dma_start3A_75 = arith.constant 0 : i32
        %dma_start3A_76 = tpu.memref_slice %arg11[%dma_start3A_74, %dma_start3A_75] : memref<60x112xi32, #tpu.memory_space<vmem>> -> memref<60x112xi32, #tpu.memory_space<vmem>>
        %dma_start3A_77 = arith.constant 0 : i32
        %dma_start3A_78 = arith.constant 0 : i32
        %dma_start3A_79 = tpu.memref_slice %arg4[%arg1, %dma_start3A_77, %dma_start3A_78] : memref<16x120x112xi32, #tpu.memory_space<hbm>> -> memref<1x60x112xi32, #tpu.memory_space<hbm>>
        %dma_start3A_80 = tpu.memref_squeeze %dma_start3A_79 : memref<1x60x112xi32, #tpu.memory_space<hbm>> -> memref<60x112xi32, #tpu.memory_space<hbm>>
        tpu.enqueue_dma source(%dma_start3A_80 : memref<60x112xi32, #tpu.memory_space<hbm>>) target(%dma_start3A_76 : memref<60x112xi32, #tpu.memory_space<vmem>>) target_semaphore(%run_scoped3A : memref<!tpu.dma_semaphore, #tpu.memory_space<semaphore_mem>>)
        %dma_wait3A = arith.constant 0 : i32
        %dma_wait3A_81 = arith.constant 0 : i32
        %dma_wait3A_82 = tpu.memref_slice %arg11[%dma_wait3A, %dma_wait3A_81] : memref<60x112xi32, #tpu.memory_space<vmem>> -> memref<60x112xi32, #tpu.memory_space<vmem>>
        %dma_wait3A_83 = arith.constant 0 : i32
        %dma_wait3A_84 = arith.constant 0 : i32
        %dma_wait3A_85 = tpu.memref_slice %arg4[%arg1, %dma_wait3A_83, %dma_wait3A_84] : memref<16x120x112xi32, #tpu.memory_space<hbm>> -> memref<1x60x112xi32, #tpu.memory_space<hbm>>
        %dma_wait3A_86 = tpu.memref_squeeze %dma_wait3A_85 : memref<1x60x112xi32, #tpu.memory_space<hbm>> -> memref<60x112xi32, #tpu.memory_space<hbm>>
        %dma_wait3A_87 = arith.constant 0 : i32
        %dma_wait3A_88 = arith.constant 0 : i32
        %dma_wait3A_89 = tpu.memref_slice %arg11[%dma_wait3A_87, %dma_wait3A_88] : memref<60x112xi32, #tpu.memory_space<vmem>> -> memref<60x112xi32, #tpu.memory_space<vmem>>
        %dma_wait3A_90 = arith.constant 0 : i32
        %dma_wait3A_91 = arith.constant 0 : i32
        %dma_wait3A_92 = tpu.memref_slice %arg4[%arg1, %dma_wait3A_90, %dma_wait3A_91] : memref<16x120x112xi32, #tpu.memory_space<hbm>> -> memref<1x60x112xi32, #tpu.memory_space<hbm>>
        %dma_wait3A_93 = tpu.memref_squeeze %dma_wait3A_92 : memref<1x60x112xi32, #tpu.memory_space<hbm>> -> memref<60x112xi32, #tpu.memory_space<hbm>>
        tpu.wait_dma2 semaphore(%run_scoped3A : memref<!tpu.dma_semaphore, #tpu.memory_space<semaphore_mem>>) src(%dma_wait3A_93 : memref<60x112xi32, #tpu.memory_space<hbm>>) dst(%dma_wait3A_89 : memref<60x112xi32, #tpu.memory_space<vmem>>)
        tpu.yield
      }) : () -> ()
      %dma_start3A = arith.constant 0 : i32
      %dma_start3A_31 = arith.constant 0 : i32
      %dma_start3A_32 = tpu.memref_slice %arg10[%dma_start3A, %dma_start3A_31] : memref<60x112xi32, #tpu.memory_space<vmem>> -> memref<1x112xi32, #tpu.memory_space<vmem>>
      %dma_start3A_33 = tpu.memref_squeeze %dma_start3A_32 : memref<1x112xi32, #tpu.memory_space<vmem>> -> memref<112xi32, #tpu.memory_space<vmem>>
      %dma_start3A_34 = arith.constant 0 : i32
      %dma_start3A_35 = arith.constant 0 : i32
      %dma_start3A_36 = tpu.memref_slice %arg2[%dma_start3A_34, %dma_start3A_35] : memref<10000x128xf32, #tpu.memory_space<hbm>> -> memref<10000x128xf32, #tpu.memory_space<hbm>>
      tpu.enqueue_indirect_dma source(%dma_start3A_36 : memref<10000x128xf32, #tpu.memory_space<hbm>>) target(%arg12 : memref<112x128xf32, #tpu.memory_space<vmem>>) offsets(%dma_start3A_33 : memref<112xi32, #tpu.memory_space<vmem>>) semaphore(%arg14 : memref<!tpu.dma_semaphore, #tpu.memory_space<semaphore_mem>>)
      %dma_start3A_37 = arith.constant 1 : i32
      %dma_start3A_38 = arith.constant 0 : i32
      %dma_start3A_39 = tpu.memref_slice %arg10[%dma_start3A_37, %dma_start3A_38] : memref<60x112xi32, #tpu.memory_space<vmem>> -> memref<1x112xi32, #tpu.memory_space<vmem>>
      %dma_start3A_40 = tpu.memref_squeeze %dma_start3A_39 : memref<1x112xi32, #tpu.memory_space<vmem>> -> memref<112xi32, #tpu.memory_space<vmem>>
      %dma_start3A_41 = arith.constant 0 : i32
      %dma_start3A_42 = arith.constant 0 : i32
      %dma_start3A_43 = tpu.memref_slice %arg2[%dma_start3A_41, %dma_start3A_42] : memref<10000x128xf32, #tpu.memory_space<hbm>> -> memref<10000x128xf32, #tpu.memory_space<hbm>>
      tpu.enqueue_indirect_dma source(%dma_start3A_43 : memref<10000x128xf32, #tpu.memory_space<hbm>>) target(%arg13 : memref<112x128xf32, #tpu.memory_space<vmem>>) offsets(%dma_start3A_40 : memref<112xi32, #tpu.memory_space<vmem>>) semaphore(%arg15 : memref<!tpu.dma_semaphore, #tpu.memory_space<semaphore_mem>>)
      %scan3A = arith.constant 0 : i32
      %scan3A_44 = arith.constant 30 : i32
      %scan3A_45 = arith.addi %scan3A, %scan3A_44 : i32
      %scan3A_46 = arith.constant 1 : i32
      scf.for %scan3A_67 = %scan3A to %scan3A_45 step %scan3A_46  : i32 {
        %mul3A_68 = arith.constant 2 : i32
        %mul3A_69 = arith.muli %scan3A_67, %mul3A_68 : i32
        %add3A_70 = arith.constant 0 : i32
        %add3A_71 = arith.addi %add3A_70, %mul3A_69 : i32
        %add3A_72 = arith.constant 0 : i32
        %add3A_73 = arith.addi %add3A_71, %add3A_72 : i32
        %dma_wait3A = arith.constant 0 : i32
        %dma_wait3A_74 = tpu.memref_slice %arg10[%add3A_73, %dma_wait3A] : memref<60x112xi32, #tpu.memory_space<vmem>> -> memref<1x112xi32, #tpu.memory_space<vmem>>
        %dma_wait3A_75 = tpu.memref_squeeze %dma_wait3A_74 : memref<1x112xi32, #tpu.memory_space<vmem>> -> memref<112xi32, #tpu.memory_space<vmem>>
        %dma_wait3A_76 = arith.constant 0 : i32
        %dma_wait3A_77 = arith.constant 0 : i32
        %dma_wait3A_78 = tpu.memref_slice %arg2[%dma_wait3A_76, %dma_wait3A_77] : memref<10000x128xf32, #tpu.memory_space<hbm>> -> memref<10000x128xf32, #tpu.memory_space<hbm>>
        tpu.wait_indirect_dma semaphore(%arg14 : memref<!tpu.dma_semaphore, #tpu.memory_space<semaphore_mem>>) src(%dma_wait3A_78 : memref<10000x128xf32, #tpu.memory_space<hbm>>) dst(%arg12 : memref<112x128xf32, #tpu.memory_space<vmem>>)
        %add3A_79 = arith.constant 0 : i32
        %add3A_80 = arith.addi %add3A_71, %add3A_79 : i32
        "tpu.region"() ({
          %run_scoped3A = tpu.sem_alloc : memref<!tpu.dma_semaphore, #tpu.memory_space<semaphore_mem>>
          %dma_start3A_108 = arith.constant 0 : i32
          %dma_start3A_109 = tpu.memref_slice %arg11[%add3A_80, %dma_start3A_108] : memref<60x112xi32, #tpu.memory_space<vmem>> -> memref<1x112xi32, #tpu.memory_space<vmem>>
          %dma_start3A_110 = tpu.memref_squeeze %dma_start3A_109 : memref<1x112xi32, #tpu.memory_space<vmem>> -> memref<112xi32, #tpu.memory_space<vmem>>
          %dma_start3A_111 = arith.constant 0 : i32
          %dma_start3A_112 = arith.constant 0 : i32
          %dma_start3A_113 = tpu.memref_slice %arg9[%dma_start3A_111, %dma_start3A_112] : memref<10112x128xf32, #tpu.memory_space<vmem_shared>> -> memref<10112x128xf32, #tpu.memory_space<vmem_shared>>
          tpu.enqueue_indirect_dma source(%arg12 : memref<112x128xf32, #tpu.memory_space<vmem>>) target(%dma_start3A_113 : memref<10112x128xf32, #tpu.memory_space<vmem_shared>>) offsets(%dma_start3A_110 : memref<112xi32, #tpu.memory_space<vmem>>) semaphore(%run_scoped3A : memref<!tpu.dma_semaphore, #tpu.memory_space<semaphore_mem>>) {add = true}
          %dma_wait3A_114 = arith.constant 0 : i32
          %dma_wait3A_115 = tpu.memref_slice %arg11[%add3A_80, %dma_wait3A_114] : memref<60x112xi32, #tpu.memory_space<vmem>> -> memref<1x112xi32, #tpu.memory_space<vmem>>
          %dma_wait3A_116 = tpu.memref_squeeze %dma_wait3A_115 : memref<1x112xi32, #tpu.memory_space<vmem>> -> memref<112xi32, #tpu.memory_space<vmem>>
          %dma_wait3A_117 = arith.constant 0 : i32
          %dma_wait3A_118 = arith.constant 0 : i32
          %dma_wait3A_119 = tpu.memref_slice %arg9[%dma_wait3A_117, %dma_wait3A_118] : memref<10112x128xf32, #tpu.memory_space<vmem_shared>> -> memref<10112x128xf32, #tpu.memory_space<vmem_shared>>
          tpu.wait_indirect_dma semaphore(%run_scoped3A : memref<!tpu.dma_semaphore, #tpu.memory_space<semaphore_mem>>) src(%arg12 : memref<112x128xf32, #tpu.memory_space<vmem>>) dst(%dma_wait3A_119 : memref<10112x128xf32, #tpu.memory_space<vmem_shared>>)
          tpu.yield
        }) : () -> ()
        %add3A_81 = arith.constant 0 : i32
        %add3A_82 = arith.addi %add3A_71, %add3A_81 : i32
        %add3A_83 = arith.constant 2 : i32
        %add3A_84 = arith.addi %add3A_82, %add3A_83 : i32
        %lt3A = arith.constant 60 : i32
        %lt3A_85 = arith.cmpi slt, %add3A_84, %lt3A : i32
        %convert_element_type3A_86 = arith.extui %lt3A_85 : i1 to i32
        %cond3A_87 = arith.constant 0 : i32
        %cond3A_88 = arith.cmpi ne, %convert_element_type3A_86, %cond3A_87 : i32
        scf.if %cond3A_88 {
          %add3A_108 = arith.constant 0 : i32
          %add3A_109 = arith.addi %add3A_71, %add3A_108 : i32
          %add3A_110 = arith.constant 2 : i32
          %add3A_111 = arith.addi %add3A_109, %add3A_110 : i32
          %dma_start3A_112 = arith.constant 0 : i32
          %dma_start3A_113 = tpu.memref_slice %arg10[%add3A_111, %dma_start3A_112] : memref<60x112xi32, #tpu.memory_space<vmem>> -> memref<1x112xi32, #tpu.memory_space<vmem>>
          %dma_start3A_114 = tpu.memref_squeeze %dma_start3A_113 : memref<1x112xi32, #tpu.memory_space<vmem>> -> memref<112xi32, #tpu.memory_space<vmem>>
          %dma_start3A_115 = arith.constant 0 : i32
          %dma_start3A_116 = arith.constant 0 : i32
          %dma_start3A_117 = tpu.memref_slice %arg2[%dma_start3A_115, %dma_start3A_116] : memref<10000x128xf32, #tpu.memory_space<hbm>> -> memref<10000x128xf32, #tpu.memory_space<hbm>>
          tpu.enqueue_indirect_dma source(%dma_start3A_117 : memref<10000x128xf32, #tpu.memory_space<hbm>>) target(%arg12 : memref<112x128xf32, #tpu.memory_space<vmem>>) offsets(%dma_start3A_114 : memref<112xi32, #tpu.memory_space<vmem>>) semaphore(%arg14 : memref<!tpu.dma_semaphore, #tpu.memory_space<semaphore_mem>>)
        } else {
        }
        %add3A_89 = arith.constant 1 : i32
        %add3A_90 = arith.addi %add3A_71, %add3A_89 : i32
        %dma_wait3A_91 = arith.constant 0 : i32
        %dma_wait3A_92 = tpu.memref_slice %arg10[%add3A_90, %dma_wait3A_91] : memref<60x112xi32, #tpu.memory_space<vmem>> -> memref<1x112xi32, #tpu.memory_space<vmem>>
        %dma_wait3A_93 = tpu.memref_squeeze %dma_wait3A_92 : memref<1x112xi32, #tpu.memory_space<vmem>> -> memref<112xi32, #tpu.memory_space<vmem>>
        %dma_wait3A_94 = arith.constant 0 : i32
        %dma_wait3A_95 = arith.constant 0 : i32
        %dma_wait3A_96 = tpu.memref_slice %arg2[%dma_wait3A_94, %dma_wait3A_95] : memref<10000x128xf32, #tpu.memory_space<hbm>> -> memref<10000x128xf32, #tpu.memory_space<hbm>>
        tpu.wait_indirect_dma semaphore(%arg15 : memref<!tpu.dma_semaphore, #tpu.memory_space<semaphore_mem>>) src(%dma_wait3A_96 : memref<10000x128xf32, #tpu.memory_space<hbm>>) dst(%arg13 : memref<112x128xf32, #tpu.memory_space<vmem>>)
        %add3A_97 = arith.constant 1 : i32
        %add3A_98 = arith.addi %add3A_71, %add3A_97 : i32
        "tpu.region"() ({
          %run_scoped3A = tpu.sem_alloc : memref<!tpu.dma_semaphore, #tpu.memory_space<semaphore_mem>>
          %dma_start3A_108 = arith.constant 0 : i32
          %dma_start3A_109 = tpu.memref_slice %arg11[%add3A_98, %dma_start3A_108] : memref<60x112xi32, #tpu.memory_space<vmem>> -> memref<1x112xi32, #tpu.memory_space<vmem>>
          %dma_start3A_110 = tpu.memref_squeeze %dma_start3A_109 : memref<1x112xi32, #tpu.memory_space<vmem>> -> memref<112xi32, #tpu.memory_space<vmem>>
          %dma_start3A_111 = arith.constant 0 : i32
          %dma_start3A_112 = arith.constant 0 : i32
          %dma_start3A_113 = tpu.memref_slice %arg9[%dma_start3A_111, %dma_start3A_112] : memref<10112x128xf32, #tpu.memory_space<vmem_shared>> -> memref<10112x128xf32, #tpu.memory_space<vmem_shared>>
          tpu.enqueue_indirect_dma source(%arg13 : memref<112x128xf32, #tpu.memory_space<vmem>>) target(%dma_start3A_113 : memref<10112x128xf32, #tpu.memory_space<vmem_shared>>) offsets(%dma_start3A_110 : memref<112xi32, #tpu.memory_space<vmem>>) semaphore(%run_scoped3A : memref<!tpu.dma_semaphore, #tpu.memory_space<semaphore_mem>>) {add = true}
          %dma_wait3A_114 = arith.constant 0 : i32
          %dma_wait3A_115 = tpu.memref_slice %arg11[%add3A_98, %dma_wait3A_114] : memref<60x112xi32, #tpu.memory_space<vmem>> -> memref<1x112xi32, #tpu.memory_space<vmem>>
          %dma_wait3A_116 = tpu.memref_squeeze %dma_wait3A_115 : memref<1x112xi32, #tpu.memory_space<vmem>> -> memref<112xi32, #tpu.memory_space<vmem>>
          %dma_wait3A_117 = arith.constant 0 : i32
          %dma_wait3A_118 = arith.constant 0 : i32
          %dma_wait3A_119 = tpu.memref_slice %arg9[%dma_wait3A_117, %dma_wait3A_118] : memref<10112x128xf32, #tpu.memory_space<vmem_shared>> -> memref<10112x128xf32, #tpu.memory_space<vmem_shared>>
          tpu.wait_indirect_dma semaphore(%run_scoped3A : memref<!tpu.dma_semaphore, #tpu.memory_space<semaphore_mem>>) src(%arg13 : memref<112x128xf32, #tpu.memory_space<vmem>>) dst(%dma_wait3A_119 : memref<10112x128xf32, #tpu.memory_space<vmem_shared>>)
          tpu.yield
        }) : () -> ()
        %add3A_99 = arith.constant 1 : i32
        %add3A_100 = arith.addi %add3A_71, %add3A_99 : i32
        %add3A_101 = arith.constant 2 : i32
        %add3A_102 = arith.addi %add3A_100, %add3A_101 : i32
        %lt3A_103 = arith.constant 60 : i32
        %lt3A_104 = arith.cmpi slt, %add3A_102, %lt3A_103 : i32
        %convert_element_type3A_105 = arith.extui %lt3A_104 : i1 to i32
        %cond3A_106 = arith.constant 0 : i32
        %cond3A_107 = arith.cmpi ne, %convert_element_type3A_105, %cond3A_106 : i32
        scf.if %cond3A_107 {
          %add3A_108 = arith.constant 1 : i32
          %add3A_109 = arith.addi %add3A_71, %add3A_108 : i32
          %add3A_110 = arith.constant 2 : i32
          %add3A_111 = arith.addi %add3A_109, %add3A_110 : i32
          %dma_start3A_112 = arith.constant 0 : i32
          %dma_start3A_113 = tpu.memref_slice %arg10[%add3A_111, %dma_start3A_112] : memref<60x112xi32, #tpu.memory_space<vmem>> -> memref<1x112xi32, #tpu.memory_space<vmem>>
          %dma_start3A_114 = tpu.memref_squeeze %dma_start3A_113 : memref<1x112xi32, #tpu.memory_space<vmem>> -> memref<112xi32, #tpu.memory_space<vmem>>
          %dma_start3A_115 = arith.constant 0 : i32
          %dma_start3A_116 = arith.constant 0 : i32
          %dma_start3A_117 = tpu.memref_slice %arg2[%dma_start3A_115, %dma_start3A_116] : memref<10000x128xf32, #tpu.memory_space<hbm>> -> memref<10000x128xf32, #tpu.memory_space<hbm>>
          tpu.enqueue_indirect_dma source(%dma_start3A_117 : memref<10000x128xf32, #tpu.memory_space<hbm>>) target(%arg13 : memref<112x128xf32, #tpu.memory_space<vmem>>) offsets(%dma_start3A_114 : memref<112xi32, #tpu.memory_space<vmem>>) semaphore(%arg15 : memref<!tpu.dma_semaphore, #tpu.memory_space<semaphore_mem>>)
        } else {
        }
      }
      %scan3A_47 = arith.constant 30 : i32
      "tpu.region"() ({
        %run_scoped3A = tpu.sem_alloc : memref<!tpu.dma_semaphore, #tpu.memory_space<semaphore_mem>>
        %dma_start3A_67 = arith.constant 0 : i32
        %dma_start3A_68 = arith.constant 0 : i32
        %dma_start3A_69 = tpu.memref_slice %arg10[%dma_start3A_67, %dma_start3A_68] : memref<60x112xi32, #tpu.memory_space<vmem>> -> memref<60x112xi32, #tpu.memory_space<vmem>>
        %dma_start3A_70 = arith.constant 60 : i32
        %dma_start3A_71 = arith.constant 0 : i32
        %dma_start3A_72 = tpu.memref_slice %arg3[%arg1, %dma_start3A_70, %dma_start3A_71] : memref<16x120x112xi32, #tpu.memory_space<hbm>> -> memref<1x60x112xi32, #tpu.memory_space<hbm>>
        %dma_start3A_73 = tpu.memref_squeeze %dma_start3A_72 : memref<1x60x112xi32, #tpu.memory_space<hbm>> -> memref<60x112xi32, #tpu.memory_space<hbm>>
        %dma_start3A_74 = arith.constant 0 : i32
        %dma_start3A_75 = arith.constant 0 : i32
        %dma_start3A_76 = tpu.memref_slice %arg10[%dma_start3A_74, %dma_start3A_75] : memref<60x112xi32, #tpu.memory_space<vmem>> -> memref<60x112xi32, #tpu.memory_space<vmem>>
        %dma_start3A_77 = arith.constant 60 : i32
        %dma_start3A_78 = arith.constant 0 : i32
        %dma_start3A_79 = tpu.memref_slice %arg3[%arg1, %dma_start3A_77, %dma_start3A_78] : memref<16x120x112xi32, #tpu.memory_space<hbm>> -> memref<1x60x112xi32, #tpu.memory_space<hbm>>
        %dma_start3A_80 = tpu.memref_squeeze %dma_start3A_79 : memref<1x60x112xi32, #tpu.memory_space<hbm>> -> memref<60x112xi32, #tpu.memory_space<hbm>>
        tpu.enqueue_dma source(%dma_start3A_80 : memref<60x112xi32, #tpu.memory_space<hbm>>) target(%dma_start3A_76 : memref<60x112xi32, #tpu.memory_space<vmem>>) target_semaphore(%run_scoped3A : memref<!tpu.dma_semaphore, #tpu.memory_space<semaphore_mem>>)
        %dma_wait3A = arith.constant 0 : i32
        %dma_wait3A_81 = arith.constant 0 : i32
        %dma_wait3A_82 = tpu.memref_slice %arg10[%dma_wait3A, %dma_wait3A_81] : memref<60x112xi32, #tpu.memory_space<vmem>> -> memref<60x112xi32, #tpu.memory_space<vmem>>
        %dma_wait3A_83 = arith.constant 60 : i32
        %dma_wait3A_84 = arith.constant 0 : i32
        %dma_wait3A_85 = tpu.memref_slice %arg3[%arg1, %dma_wait3A_83, %dma_wait3A_84] : memref<16x120x112xi32, #tpu.memory_space<hbm>> -> memref<1x60x112xi32, #tpu.memory_space<hbm>>
        %dma_wait3A_86 = tpu.memref_squeeze %dma_wait3A_85 : memref<1x60x112xi32, #tpu.memory_space<hbm>> -> memref<60x112xi32, #tpu.memory_space<hbm>>
        %dma_wait3A_87 = arith.constant 0 : i32
        %dma_wait3A_88 = arith.constant 0 : i32
        %dma_wait3A_89 = tpu.memref_slice %arg10[%dma_wait3A_87, %dma_wait3A_88] : memref<60x112xi32, #tpu.memory_space<vmem>> -> memref<60x112xi32, #tpu.memory_space<vmem>>
        %dma_wait3A_90 = arith.constant 60 : i32
        %dma_wait3A_91 = arith.constant 0 : i32
        %dma_wait3A_92 = tpu.memref_slice %arg3[%arg1, %dma_wait3A_90, %dma_wait3A_91] : memref<16x120x112xi32, #tpu.memory_space<hbm>> -> memref<1x60x112xi32, #tpu.memory_space<hbm>>
        %dma_wait3A_93 = tpu.memref_squeeze %dma_wait3A_92 : memref<1x60x112xi32, #tpu.memory_space<hbm>> -> memref<60x112xi32, #tpu.memory_space<hbm>>
        tpu.wait_dma2 semaphore(%run_scoped3A : memref<!tpu.dma_semaphore, #tpu.memory_space<semaphore_mem>>) src(%dma_wait3A_93 : memref<60x112xi32, #tpu.memory_space<hbm>>) dst(%dma_wait3A_89 : memref<60x112xi32, #tpu.memory_space<vmem>>)
        tpu.yield
      }) : () -> ()
      "tpu.region"() ({
        %run_scoped3A = tpu.sem_alloc : memref<!tpu.dma_semaphore, #tpu.memory_space<semaphore_mem>>
        %dma_start3A_67 = arith.constant 0 : i32
        %dma_start3A_68 = arith.constant 0 : i32
        %dma_start3A_69 = tpu.memref_slice %arg11[%dma_start3A_67, %dma_start3A_68] : memref<60x112xi32, #tpu.memory_space<vmem>> -> memref<60x112xi32, #tpu.memory_space<vmem>>
        %dma_start3A_70 = arith.constant 60 : i32
        %dma_start3A_71 = arith.constant 0 : i32
        %dma_start3A_72 = tpu.memref_slice %arg4[%arg1, %dma_start3A_70, %dma_start3A_71] : memref<16x120x112xi32, #tpu.memory_space<hbm>> -> memref<1x60x112xi32, #tpu.memory_space<hbm>>
        %dma_start3A_73 = tpu.memref_squeeze %dma_start3A_72 : memref<1x60x112xi32, #tpu.memory_space<hbm>> -> memref<60x112xi32, #tpu.memory_space<hbm>>
        %dma_start3A_74 = arith.constant 0 : i32
        %dma_start3A_75 = arith.constant 0 : i32
        %dma_start3A_76 = tpu.memref_slice %arg11[%dma_start3A_74, %dma_start3A_75] : memref<60x112xi32, #tpu.memory_space<vmem>> -> memref<60x112xi32, #tpu.memory_space<vmem>>
        %dma_start3A_77 = arith.constant 60 : i32
        %dma_start3A_78 = arith.constant 0 : i32
        %dma_start3A_79 = tpu.memref_slice %arg4[%arg1, %dma_start3A_77, %dma_start3A_78] : memref<16x120x112xi32, #tpu.memory_space<hbm>> -> memref<1x60x112xi32, #tpu.memory_space<hbm>>
        %dma_start3A_80 = tpu.memref_squeeze %dma_start3A_79 : memref<1x60x112xi32, #tpu.memory_space<hbm>> -> memref<60x112xi32, #tpu.memory_space<hbm>>
        tpu.enqueue_dma source(%dma_start3A_80 : memref<60x112xi32, #tpu.memory_space<hbm>>) target(%dma_start3A_76 : memref<60x112xi32, #tpu.memory_space<vmem>>) target_semaphore(%run_scoped3A : memref<!tpu.dma_semaphore, #tpu.memory_space<semaphore_mem>>)
        %dma_wait3A = arith.constant 0 : i32
        %dma_wait3A_81 = arith.constant 0 : i32
        %dma_wait3A_82 = tpu.memref_slice %arg11[%dma_wait3A, %dma_wait3A_81] : memref<60x112xi32, #tpu.memory_space<vmem>> -> memref<60x112xi32, #tpu.memory_space<vmem>>
        %dma_wait3A_83 = arith.constant 60 : i32
        %dma_wait3A_84 = arith.constant 0 : i32
        %dma_wait3A_85 = tpu.memref_slice %arg4[%arg1, %dma_wait3A_83, %dma_wait3A_84] : memref<16x120x112xi32, #tpu.memory_space<hbm>> -> memref<1x60x112xi32, #tpu.memory_space<hbm>>
        %dma_wait3A_86 = tpu.memref_squeeze %dma_wait3A_85 : memref<1x60x112xi32, #tpu.memory_space<hbm>> -> memref<60x112xi32, #tpu.memory_space<hbm>>
        %dma_wait3A_87 = arith.constant 0 : i32
        %dma_wait3A_88 = arith.constant 0 : i32
        %dma_wait3A_89 = tpu.memref_slice %arg11[%dma_wait3A_87, %dma_wait3A_88] : memref<60x112xi32, #tpu.memory_space<vmem>> -> memref<60x112xi32, #tpu.memory_space<vmem>>
        %dma_wait3A_90 = arith.constant 60 : i32
        %dma_wait3A_91 = arith.constant 0 : i32
        %dma_wait3A_92 = tpu.memref_slice %arg4[%arg1, %dma_wait3A_90, %dma_wait3A_91] : memref<16x120x112xi32, #tpu.memory_space<hbm>> -> memref<1x60x112xi32, #tpu.memory_space<hbm>>
        %dma_wait3A_93 = tpu.memref_squeeze %dma_wait3A_92 : memref<1x60x112xi32, #tpu.memory_space<hbm>> -> memref<60x112xi32, #tpu.memory_space<hbm>>
        tpu.wait_dma2 semaphore(%run_scoped3A : memref<!tpu.dma_semaphore, #tpu.memory_space<semaphore_mem>>) src(%dma_wait3A_93 : memref<60x112xi32, #tpu.memory_space<hbm>>) dst(%dma_wait3A_89 : memref<60x112xi32, #tpu.memory_space<vmem>>)
        tpu.yield
      }) : () -> ()
      %dma_start3A_48 = arith.constant 0 : i32
      %dma_start3A_49 = arith.constant 0 : i32
      %dma_start3A_50 = tpu.memref_slice %arg10[%dma_start3A_48, %dma_start3A_49] : memref<60x112xi32, #tpu.memory_space<vmem>> -> memref<1x112xi32, #tpu.memory_space<vmem>>
      %dma_start3A_51 = tpu.memref_squeeze %dma_start3A_50 : memref<1x112xi32, #tpu.memory_space<vmem>> -> memref<112xi32, #tpu.memory_space<vmem>>
      %dma_start3A_52 = arith.constant 0 : i32
      %dma_start3A_53 = arith.constant 0 : i32
      %dma_start3A_54 = tpu.memref_slice %arg2[%dma_start3A_52, %dma_start3A_53] : memref<10000x128xf32, #tpu.memory_space<hbm>> -> memref<10000x128xf32, #tpu.memory_space<hbm>>
      tpu.enqueue_indirect_dma source(%dma_start3A_54 : memref<10000x128xf32, #tpu.memory_space<hbm>>) target(%arg12 : memref<112x128xf32, #tpu.memory_space<vmem>>) offsets(%dma_start3A_51 : memref<112xi32, #tpu.memory_space<vmem>>) semaphore(%arg14 : memref<!tpu.dma_semaphore, #tpu.memory_space<semaphore_mem>>)
      %dma_start3A_55 = arith.constant 1 : i32
      %dma_start3A_56 = arith.constant 0 : i32
      %dma_start3A_57 = tpu.memref_slice %arg10[%dma_start3A_55, %dma_start3A_56] : memref<60x112xi32, #tpu.memory_space<vmem>> -> memref<1x112xi32, #tpu.memory_space<vmem>>
      %dma_start3A_58 = tpu.memref_squeeze %dma_start3A_57 : memref<1x112xi32, #tpu.memory_space<vmem>> -> memref<112xi32, #tpu.memory_space<vmem>>
      %dma_start3A_59 = arith.constant 0 : i32
      %dma_start3A_60 = arith.constant 0 : i32
      %dma_start3A_61 = tpu.memref_slice %arg2[%dma_start3A_59, %dma_start3A_60] : memref<10000x128xf32, #tpu.memory_space<hbm>> -> memref<10000x128xf32, #tpu.memory_space<hbm>>
      tpu.enqueue_indirect_dma source(%dma_start3A_61 : memref<10000x128xf32, #tpu.memory_space<hbm>>) target(%arg13 : memref<112x128xf32, #tpu.memory_space<vmem>>) offsets(%dma_start3A_58 : memref<112xi32, #tpu.memory_space<vmem>>) semaphore(%arg15 : memref<!tpu.dma_semaphore, #tpu.memory_space<semaphore_mem>>)
      %scan3A_62 = arith.constant 0 : i32
      %scan3A_63 = arith.constant 30 : i32
      %scan3A_64 = arith.addi %scan3A_62, %scan3A_63 : i32
      %scan3A_65 = arith.constant 1 : i32
      scf.for %scan3A_67 = %scan3A_62 to %scan3A_64 step %scan3A_65  : i32 {
        %mul3A_68 = arith.constant 2 : i32
        %mul3A_69 = arith.muli %scan3A_67, %mul3A_68 : i32
        %add3A_70 = arith.constant 0 : i32
        %add3A_71 = arith.addi %add3A_70, %mul3A_69 : i32
        %add3A_72 = arith.constant 0 : i32
        %add3A_73 = arith.addi %add3A_71, %add3A_72 : i32
        %dma_wait3A = arith.constant 0 : i32
        %dma_wait3A_74 = tpu.memref_slice %arg10[%add3A_73, %dma_wait3A] : memref<60x112xi32, #tpu.memory_space<vmem>> -> memref<1x112xi32, #tpu.memory_space<vmem>>
        %dma_wait3A_75 = tpu.memref_squeeze %dma_wait3A_74 : memref<1x112xi32, #tpu.memory_space<vmem>> -> memref<112xi32, #tpu.memory_space<vmem>>
        %dma_wait3A_76 = arith.constant 0 : i32
        %dma_wait3A_77 = arith.constant 0 : i32
        %dma_wait3A_78 = tpu.memref_slice %arg2[%dma_wait3A_76, %dma_wait3A_77] : memref<10000x128xf32, #tpu.memory_space<hbm>> -> memref<10000x128xf32, #tpu.memory_space<hbm>>
        tpu.wait_indirect_dma semaphore(%arg14 : memref<!tpu.dma_semaphore, #tpu.memory_space<semaphore_mem>>) src(%dma_wait3A_78 : memref<10000x128xf32, #tpu.memory_space<hbm>>) dst(%arg12 : memref<112x128xf32, #tpu.memory_space<vmem>>)
        %add3A_79 = arith.constant 0 : i32
        %add3A_80 = arith.addi %add3A_71, %add3A_79 : i32
        "tpu.region"() ({
          %run_scoped3A = tpu.sem_alloc : memref<!tpu.dma_semaphore, #tpu.memory_space<semaphore_mem>>
          %dma_start3A_108 = arith.constant 0 : i32
          %dma_start3A_109 = tpu.memref_slice %arg11[%add3A_80, %dma_start3A_108] : memref<60x112xi32, #tpu.memory_space<vmem>> -> memref<1x112xi32, #tpu.memory_space<vmem>>
          %dma_start3A_110 = tpu.memref_squeeze %dma_start3A_109 : memref<1x112xi32, #tpu.memory_space<vmem>> -> memref<112xi32, #tpu.memory_space<vmem>>
          %dma_start3A_111 = arith.constant 0 : i32
          %dma_start3A_112 = arith.constant 0 : i32
          %dma_start3A_113 = tpu.memref_slice %arg9[%dma_start3A_111, %dma_start3A_112] : memref<10112x128xf32, #tpu.memory_space<vmem_shared>> -> memref<10112x128xf32, #tpu.memory_space<vmem_shared>>
          tpu.enqueue_indirect_dma source(%arg12 : memref<112x128xf32, #tpu.memory_space<vmem>>) target(%dma_start3A_113 : memref<10112x128xf32, #tpu.memory_space<vmem_shared>>) offsets(%dma_start3A_110 : memref<112xi32, #tpu.memory_space<vmem>>) semaphore(%run_scoped3A : memref<!tpu.dma_semaphore, #tpu.memory_space<semaphore_mem>>) {add = true}
          %dma_wait3A_114 = arith.constant 0 : i32
          %dma_wait3A_115 = tpu.memref_slice %arg11[%add3A_80, %dma_wait3A_114] : memref<60x112xi32, #tpu.memory_space<vmem>> -> memref<1x112xi32, #tpu.memory_space<vmem>>
          %dma_wait3A_116 = tpu.memref_squeeze %dma_wait3A_115 : memref<1x112xi32, #tpu.memory_space<vmem>> -> memref<112xi32, #tpu.memory_space<vmem>>
          %dma_wait3A_117 = arith.constant 0 : i32
          %dma_wait3A_118 = arith.constant 0 : i32
          %dma_wait3A_119 = tpu.memref_slice %arg9[%dma_wait3A_117, %dma_wait3A_118] : memref<10112x128xf32, #tpu.memory_space<vmem_shared>> -> memref<10112x128xf32, #tpu.memory_space<vmem_shared>>
          tpu.wait_indirect_dma semaphore(%run_scoped3A : memref<!tpu.dma_semaphore, #tpu.memory_space<semaphore_mem>>) src(%arg12 : memref<112x128xf32, #tpu.memory_space<vmem>>) dst(%dma_wait3A_119 : memref<10112x128xf32, #tpu.memory_space<vmem_shared>>)
          tpu.yield
        }) : () -> ()
        %add3A_81 = arith.constant 0 : i32
        %add3A_82 = arith.addi %add3A_71, %add3A_81 : i32
        %add3A_83 = arith.constant 2 : i32
        %add3A_84 = arith.addi %add3A_82, %add3A_83 : i32
        %lt3A = arith.constant 60 : i32
        %lt3A_85 = arith.cmpi slt, %add3A_84, %lt3A : i32
        %convert_element_type3A_86 = arith.extui %lt3A_85 : i1 to i32
        %cond3A_87 = arith.constant 0 : i32
        %cond3A_88 = arith.cmpi ne, %convert_element_type3A_86, %cond3A_87 : i32
        scf.if %cond3A_88 {
          %add3A_108 = arith.constant 0 : i32
          %add3A_109 = arith.addi %add3A_71, %add3A_108 : i32
          %add3A_110 = arith.constant 2 : i32
          %add3A_111 = arith.addi %add3A_109, %add3A_110 : i32
          %dma_start3A_112 = arith.constant 0 : i32
          %dma_start3A_113 = tpu.memref_slice %arg10[%add3A_111, %dma_start3A_112] : memref<60x112xi32, #tpu.memory_space<vmem>> -> memref<1x112xi32, #tpu.memory_space<vmem>>
          %dma_start3A_114 = tpu.memref_squeeze %dma_start3A_113 : memref<1x112xi32, #tpu.memory_space<vmem>> -> memref<112xi32, #tpu.memory_space<vmem>>
          %dma_start3A_115 = arith.constant 0 : i32
          %dma_start3A_116 = arith.constant 0 : i32
          %dma_start3A_117 = tpu.memref_slice %arg2[%dma_start3A_115, %dma_start3A_116] : memref<10000x128xf32, #tpu.memory_space<hbm>> -> memref<10000x128xf32, #tpu.memory_space<hbm>>
          tpu.enqueue_indirect_dma source(%dma_start3A_117 : memref<10000x128xf32, #tpu.memory_space<hbm>>) target(%arg12 : memref<112x128xf32, #tpu.memory_space<vmem>>) offsets(%dma_start3A_114 : memref<112xi32, #tpu.memory_space<vmem>>) semaphore(%arg14 : memref<!tpu.dma_semaphore, #tpu.memory_space<semaphore_mem>>)
        } else {
        }
        %add3A_89 = arith.constant 1 : i32
        %add3A_90 = arith.addi %add3A_71, %add3A_89 : i32
        %dma_wait3A_91 = arith.constant 0 : i32
        %dma_wait3A_92 = tpu.memref_slice %arg10[%add3A_90, %dma_wait3A_91] : memref<60x112xi32, #tpu.memory_space<vmem>> -> memref<1x112xi32, #tpu.memory_space<vmem>>
        %dma_wait3A_93 = tpu.memref_squeeze %dma_wait3A_92 : memref<1x112xi32, #tpu.memory_space<vmem>> -> memref<112xi32, #tpu.memory_space<vmem>>
        %dma_wait3A_94 = arith.constant 0 : i32
        %dma_wait3A_95 = arith.constant 0 : i32
        %dma_wait3A_96 = tpu.memref_slice %arg2[%dma_wait3A_94, %dma_wait3A_95] : memref<10000x128xf32, #tpu.memory_space<hbm>> -> memref<10000x128xf32, #tpu.memory_space<hbm>>
        tpu.wait_indirect_dma semaphore(%arg15 : memref<!tpu.dma_semaphore, #tpu.memory_space<semaphore_mem>>) src(%dma_wait3A_96 : memref<10000x128xf32, #tpu.memory_space<hbm>>) dst(%arg13 : memref<112x128xf32, #tpu.memory_space<vmem>>)
        %add3A_97 = arith.constant 1 : i32
        %add3A_98 = arith.addi %add3A_71, %add3A_97 : i32
        "tpu.region"() ({
          %run_scoped3A = tpu.sem_alloc : memref<!tpu.dma_semaphore, #tpu.memory_space<semaphore_mem>>
          %dma_start3A_108 = arith.constant 0 : i32
          %dma_start3A_109 = tpu.memref_slice %arg11[%add3A_98, %dma_start3A_108] : memref<60x112xi32, #tpu.memory_space<vmem>> -> memref<1x112xi32, #tpu.memory_space<vmem>>
          %dma_start3A_110 = tpu.memref_squeeze %dma_start3A_109 : memref<1x112xi32, #tpu.memory_space<vmem>> -> memref<112xi32, #tpu.memory_space<vmem>>
          %dma_start3A_111 = arith.constant 0 : i32
          %dma_start3A_112 = arith.constant 0 : i32
          %dma_start3A_113 = tpu.memref_slice %arg9[%dma_start3A_111, %dma_start3A_112] : memref<10112x128xf32, #tpu.memory_space<vmem_shared>> -> memref<10112x128xf32, #tpu.memory_space<vmem_shared>>
          tpu.enqueue_indirect_dma source(%arg13 : memref<112x128xf32, #tpu.memory_space<vmem>>) target(%dma_start3A_113 : memref<10112x128xf32, #tpu.memory_space<vmem_shared>>) offsets(%dma_start3A_110 : memref<112xi32, #tpu.memory_space<vmem>>) semaphore(%run_scoped3A : memref<!tpu.dma_semaphore, #tpu.memory_space<semaphore_mem>>) {add = true}
          %dma_wait3A_114 = arith.constant 0 : i32
          %dma_wait3A_115 = tpu.memref_slice %arg11[%add3A_98, %dma_wait3A_114] : memref<60x112xi32, #tpu.memory_space<vmem>> -> memref<1x112xi32, #tpu.memory_space<vmem>>
          %dma_wait3A_116 = tpu.memref_squeeze %dma_wait3A_115 : memref<1x112xi32, #tpu.memory_space<vmem>> -> memref<112xi32, #tpu.memory_space<vmem>>
          %dma_wait3A_117 = arith.constant 0 : i32
          %dma_wait3A_118 = arith.constant 0 : i32
          %dma_wait3A_119 = tpu.memref_slice %arg9[%dma_wait3A_117, %dma_wait3A_118] : memref<10112x128xf32, #tpu.memory_space<vmem_shared>> -> memref<10112x128xf32, #tpu.memory_space<vmem_shared>>
          tpu.wait_indirect_dma semaphore(%run_scoped3A : memref<!tpu.dma_semaphore, #tpu.memory_space<semaphore_mem>>) src(%arg13 : memref<112x128xf32, #tpu.memory_space<vmem>>) dst(%dma_wait3A_119 : memref<10112x128xf32, #tpu.memory_space<vmem_shared>>)
          tpu.yield
        }) : () -> ()
        %add3A_99 = arith.constant 1 : i32
        %add3A_100 = arith.addi %add3A_71, %add3A_99 : i32
        %add3A_101 = arith.constant 2 : i32
        %add3A_102 = arith.addi %add3A_100, %add3A_101 : i32
        %lt3A_103 = arith.constant 60 : i32
        %lt3A_104 = arith.cmpi slt, %add3A_102, %lt3A_103 : i32
        %convert_element_type3A_105 = arith.extui %lt3A_104 : i1 to i32
        %cond3A_106 = arith.constant 0 : i32
        %cond3A_107 = arith.cmpi ne, %convert_element_type3A_105, %cond3A_106 : i32
        scf.if %cond3A_107 {
          %add3A_108 = arith.constant 1 : i32
          %add3A_109 = arith.addi %add3A_71, %add3A_108 : i32
          %add3A_110 = arith.constant 2 : i32
          %add3A_111 = arith.addi %add3A_109, %add3A_110 : i32
          %dma_start3A_112 = arith.constant 0 : i32
          %dma_start3A_113 = tpu.memref_slice %arg10[%add3A_111, %dma_start3A_112] : memref<60x112xi32, #tpu.memory_space<vmem>> -> memref<1x112xi32, #tpu.memory_space<vmem>>
          %dma_start3A_114 = tpu.memref_squeeze %dma_start3A_113 : memref<1x112xi32, #tpu.memory_space<vmem>> -> memref<112xi32, #tpu.memory_space<vmem>>
          %dma_start3A_115 = arith.constant 0 : i32
          %dma_start3A_116 = arith.constant 0 : i32
          %dma_start3A_117 = tpu.memref_slice %arg2[%dma_start3A_115, %dma_start3A_116] : memref<10000x128xf32, #tpu.memory_space<hbm>> -> memref<10000x128xf32, #tpu.memory_space<hbm>>
          tpu.enqueue_indirect_dma source(%dma_start3A_117 : memref<10000x128xf32, #tpu.memory_space<hbm>>) target(%arg13 : memref<112x128xf32, #tpu.memory_space<vmem>>) offsets(%dma_start3A_114 : memref<112xi32, #tpu.memory_space<vmem>>) semaphore(%arg15 : memref<!tpu.dma_semaphore, #tpu.memory_space<semaphore_mem>>)
        } else {
        }
      }
      %scan3A_66 = arith.constant 30 : i32
    } else {
    }
    %ne3A = arith.constant 1 : i32
    %ne3A_24 = arith.cmpi ne, %arg0, %ne3A : i32
    %convert_element_type3A_25 = arith.extui %ne3A_24 : i1 to i32
    %cond3A_26 = arith.constant 0 : i32
    %cond3A_27 = arith.cmpi ne, %convert_element_type3A_25, %cond3A_26 : i32
    scf.if %cond3A_27 {
      "tpu.region"() ({
        %run_scoped3A = tpu.sem_alloc : memref<!tpu.dma_semaphore, #tpu.memory_space<semaphore_mem>>
        %dma_start3A_48 = arith.constant 0 : i32
        %dma_start3A_49 = arith.constant 0 : i32
        %dma_start3A_50 = tpu.memref_slice %arg10[%dma_start3A_48, %dma_start3A_49] : memref<60x112xi32, #tpu.memory_space<vmem>> -> memref<60x112xi32, #tpu.memory_space<vmem>>
        %dma_start3A_51 = arith.constant 0 : i32
        %dma_start3A_52 = arith.constant 0 : i32
        %dma_start3A_53 = tpu.memref_slice %arg5[%arg1, %dma_start3A_51, %dma_start3A_52] : memref<16x60x112xi32, #tpu.memory_space<hbm>> -> memref<1x60x112xi32, #tpu.memory_space<hbm>>
        %dma_start3A_54 = tpu.memref_squeeze %dma_start3A_53 : memref<1x60x112xi32, #tpu.memory_space<hbm>> -> memref<60x112xi32, #tpu.memory_space<hbm>>
        %dma_start3A_55 = arith.constant 0 : i32
        %dma_start3A_56 = arith.constant 0 : i32
        %dma_start3A_57 = tpu.memref_slice %arg10[%dma_start3A_55, %dma_start3A_56] : memref<60x112xi32, #tpu.memory_space<vmem>> -> memref<60x112xi32, #tpu.memory_space<vmem>>
        %dma_start3A_58 = arith.constant 0 : i32
        %dma_start3A_59 = arith.constant 0 : i32
        %dma_start3A_60 = tpu.memref_slice %arg5[%arg1, %dma_start3A_58, %dma_start3A_59] : memref<16x60x112xi32, #tpu.memory_space<hbm>> -> memref<1x60x112xi32, #tpu.memory_space<hbm>>
        %dma_start3A_61 = tpu.memref_squeeze %dma_start3A_60 : memref<1x60x112xi32, #tpu.memory_space<hbm>> -> memref<60x112xi32, #tpu.memory_space<hbm>>
        tpu.enqueue_dma source(%dma_start3A_61 : memref<60x112xi32, #tpu.memory_space<hbm>>) target(%dma_start3A_57 : memref<60x112xi32, #tpu.memory_space<vmem>>) target_semaphore(%run_scoped3A : memref<!tpu.dma_semaphore, #tpu.memory_space<semaphore_mem>>)
        %dma_wait3A = arith.constant 0 : i32
        %dma_wait3A_62 = arith.constant 0 : i32
        %dma_wait3A_63 = tpu.memref_slice %arg10[%dma_wait3A, %dma_wait3A_62] : memref<60x112xi32, #tpu.memory_space<vmem>> -> memref<60x112xi32, #tpu.memory_space<vmem>>
        %dma_wait3A_64 = arith.constant 0 : i32
        %dma_wait3A_65 = arith.constant 0 : i32
        %dma_wait3A_66 = tpu.memref_slice %arg5[%arg1, %dma_wait3A_64, %dma_wait3A_65] : memref<16x60x112xi32, #tpu.memory_space<hbm>> -> memref<1x60x112xi32, #tpu.memory_space<hbm>>
        %dma_wait3A_67 = tpu.memref_squeeze %dma_wait3A_66 : memref<1x60x112xi32, #tpu.memory_space<hbm>> -> memref<60x112xi32, #tpu.memory_space<hbm>>
        %dma_wait3A_68 = arith.constant 0 : i32
        %dma_wait3A_69 = arith.constant 0 : i32
        %dma_wait3A_70 = tpu.memref_slice %arg10[%dma_wait3A_68, %dma_wait3A_69] : memref<60x112xi32, #tpu.memory_space<vmem>> -> memref<60x112xi32, #tpu.memory_space<vmem>>
        %dma_wait3A_71 = arith.constant 0 : i32
        %dma_wait3A_72 = arith.constant 0 : i32
        %dma_wait3A_73 = tpu.memref_slice %arg5[%arg1, %dma_wait3A_71, %dma_wait3A_72] : memref<16x60x112xi32, #tpu.memory_space<hbm>> -> memref<1x60x112xi32, #tpu.memory_space<hbm>>
        %dma_wait3A_74 = tpu.memref_squeeze %dma_wait3A_73 : memref<1x60x112xi32, #tpu.memory_space<hbm>> -> memref<60x112xi32, #tpu.memory_space<hbm>>
        tpu.wait_dma2 semaphore(%run_scoped3A : memref<!tpu.dma_semaphore, #tpu.memory_space<semaphore_mem>>) src(%dma_wait3A_74 : memref<60x112xi32, #tpu.memory_space<hbm>>) dst(%dma_wait3A_70 : memref<60x112xi32, #tpu.memory_space<vmem>>)
        tpu.yield
      }) : () -> ()
      "tpu.region"() ({
        %run_scoped3A = tpu.sem_alloc : memref<!tpu.dma_semaphore, #tpu.memory_space<semaphore_mem>>
        %dma_start3A_48 = arith.constant 0 : i32
        %dma_start3A_49 = arith.constant 0 : i32
        %dma_start3A_50 = tpu.memref_slice %arg11[%dma_start3A_48, %dma_start3A_49] : memref<60x112xi32, #tpu.memory_space<vmem>> -> memref<60x112xi32, #tpu.memory_space<vmem>>
        %dma_start3A_51 = arith.constant 0 : i32
        %dma_start3A_52 = arith.constant 0 : i32
        %dma_start3A_53 = tpu.memref_slice %arg6[%arg1, %dma_start3A_51, %dma_start3A_52] : memref<16x60x112xi32, #tpu.memory_space<hbm>> -> memref<1x60x112xi32, #tpu.memory_space<hbm>>
        %dma_start3A_54 = tpu.memref_squeeze %dma_start3A_53 : memref<1x60x112xi32, #tpu.memory_space<hbm>> -> memref<60x112xi32, #tpu.memory_space<hbm>>
        %dma_start3A_55 = arith.constant 0 : i32
        %dma_start3A_56 = arith.constant 0 : i32
        %dma_start3A_57 = tpu.memref_slice %arg11[%dma_start3A_55, %dma_start3A_56] : memref<60x112xi32, #tpu.memory_space<vmem>> -> memref<60x112xi32, #tpu.memory_space<vmem>>
        %dma_start3A_58 = arith.constant 0 : i32
        %dma_start3A_59 = arith.constant 0 : i32
        %dma_start3A_60 = tpu.memref_slice %arg6[%arg1, %dma_start3A_58, %dma_start3A_59] : memref<16x60x112xi32, #tpu.memory_space<hbm>> -> memref<1x60x112xi32, #tpu.memory_space<hbm>>
        %dma_start3A_61 = tpu.memref_squeeze %dma_start3A_60 : memref<1x60x112xi32, #tpu.memory_space<hbm>> -> memref<60x112xi32, #tpu.memory_space<hbm>>
        tpu.enqueue_dma source(%dma_start3A_61 : memref<60x112xi32, #tpu.memory_space<hbm>>) target(%dma_start3A_57 : memref<60x112xi32, #tpu.memory_space<vmem>>) target_semaphore(%run_scoped3A : memref<!tpu.dma_semaphore, #tpu.memory_space<semaphore_mem>>)
        %dma_wait3A = arith.constant 0 : i32
        %dma_wait3A_62 = arith.constant 0 : i32
        %dma_wait3A_63 = tpu.memref_slice %arg11[%dma_wait3A, %dma_wait3A_62] : memref<60x112xi32, #tpu.memory_space<vmem>> -> memref<60x112xi32, #tpu.memory_space<vmem>>
        %dma_wait3A_64 = arith.constant 0 : i32
        %dma_wait3A_65 = arith.constant 0 : i32
        %dma_wait3A_66 = tpu.memref_slice %arg6[%arg1, %dma_wait3A_64, %dma_wait3A_65] : memref<16x60x112xi32, #tpu.memory_space<hbm>> -> memref<1x60x112xi32, #tpu.memory_space<hbm>>
        %dma_wait3A_67 = tpu.memref_squeeze %dma_wait3A_66 : memref<1x60x112xi32, #tpu.memory_space<hbm>> -> memref<60x112xi32, #tpu.memory_space<hbm>>
        %dma_wait3A_68 = arith.constant 0 : i32
        %dma_wait3A_69 = arith.constant 0 : i32
        %dma_wait3A_70 = tpu.memref_slice %arg11[%dma_wait3A_68, %dma_wait3A_69] : memref<60x112xi32, #tpu.memory_space<vmem>> -> memref<60x112xi32, #tpu.memory_space<vmem>>
        %dma_wait3A_71 = arith.constant 0 : i32
        %dma_wait3A_72 = arith.constant 0 : i32
        %dma_wait3A_73 = tpu.memref_slice %arg6[%arg1, %dma_wait3A_71, %dma_wait3A_72] : memref<16x60x112xi32, #tpu.memory_space<hbm>> -> memref<1x60x112xi32, #tpu.memory_space<hbm>>
        %dma_wait3A_74 = tpu.memref_squeeze %dma_wait3A_73 : memref<1x60x112xi32, #tpu.memory_space<hbm>> -> memref<60x112xi32, #tpu.memory_space<hbm>>
        tpu.wait_dma2 semaphore(%run_scoped3A : memref<!tpu.dma_semaphore, #tpu.memory_space<semaphore_mem>>) src(%dma_wait3A_74 : memref<60x112xi32, #tpu.memory_space<hbm>>) dst(%dma_wait3A_70 : memref<60x112xi32, #tpu.memory_space<vmem>>)
        tpu.yield
      }) : () -> ()
      %dma_start3A = arith.constant 0 : i32
      %dma_start3A_31 = arith.constant 0 : i32
      %dma_start3A_32 = tpu.memref_slice %arg10[%dma_start3A, %dma_start3A_31] : memref<60x112xi32, #tpu.memory_space<vmem>> -> memref<1x112xi32, #tpu.memory_space<vmem>>
      %dma_start3A_33 = tpu.memref_squeeze %dma_start3A_32 : memref<1x112xi32, #tpu.memory_space<vmem>> -> memref<112xi32, #tpu.memory_space<vmem>>
      %dma_start3A_34 = arith.constant 0 : i32
      %dma_start3A_35 = arith.constant 0 : i32
      %dma_start3A_36 = tpu.memref_slice %arg2[%dma_start3A_34, %dma_start3A_35] : memref<10000x128xf32, #tpu.memory_space<hbm>> -> memref<10000x128xf32, #tpu.memory_space<hbm>>
      tpu.enqueue_indirect_dma source(%dma_start3A_36 : memref<10000x128xf32, #tpu.memory_space<hbm>>) target(%arg12 : memref<112x128xf32, #tpu.memory_space<vmem>>) offsets(%dma_start3A_33 : memref<112xi32, #tpu.memory_space<vmem>>) semaphore(%arg14 : memref<!tpu.dma_semaphore, #tpu.memory_space<semaphore_mem>>)
      %dma_start3A_37 = arith.constant 1 : i32
      %dma_start3A_38 = arith.constant 0 : i32
      %dma_start3A_39 = tpu.memref_slice %arg10[%dma_start3A_37, %dma_start3A_38] : memref<60x112xi32, #tpu.memory_space<vmem>> -> memref<1x112xi32, #tpu.memory_space<vmem>>
      %dma_start3A_40 = tpu.memref_squeeze %dma_start3A_39 : memref<1x112xi32, #tpu.memory_space<vmem>> -> memref<112xi32, #tpu.memory_space<vmem>>
      %dma_start3A_41 = arith.constant 0 : i32
      %dma_start3A_42 = arith.constant 0 : i32
      %dma_start3A_43 = tpu.memref_slice %arg2[%dma_start3A_41, %dma_start3A_42] : memref<10000x128xf32, #tpu.memory_space<hbm>> -> memref<10000x128xf32, #tpu.memory_space<hbm>>
      tpu.enqueue_indirect_dma source(%dma_start3A_43 : memref<10000x128xf32, #tpu.memory_space<hbm>>) target(%arg13 : memref<112x128xf32, #tpu.memory_space<vmem>>) offsets(%dma_start3A_40 : memref<112xi32, #tpu.memory_space<vmem>>) semaphore(%arg15 : memref<!tpu.dma_semaphore, #tpu.memory_space<semaphore_mem>>)
      %scan3A = arith.constant 0 : i32
      %scan3A_44 = arith.constant 30 : i32
      %scan3A_45 = arith.addi %scan3A, %scan3A_44 : i32
      %scan3A_46 = arith.constant 1 : i32
      scf.for %scan3A_48 = %scan3A to %scan3A_45 step %scan3A_46  : i32 {
        %mul3A_49 = arith.constant 2 : i32
        %mul3A_50 = arith.muli %scan3A_48, %mul3A_49 : i32
        %add3A_51 = arith.constant 0 : i32
        %add3A_52 = arith.addi %add3A_51, %mul3A_50 : i32
        %add3A_53 = arith.constant 0 : i32
        %add3A_54 = arith.addi %add3A_52, %add3A_53 : i32
        %dma_wait3A = arith.constant 0 : i32
        %dma_wait3A_55 = tpu.memref_slice %arg10[%add3A_54, %dma_wait3A] : memref<60x112xi32, #tpu.memory_space<vmem>> -> memref<1x112xi32, #tpu.memory_space<vmem>>
        %dma_wait3A_56 = tpu.memref_squeeze %dma_wait3A_55 : memref<1x112xi32, #tpu.memory_space<vmem>> -> memref<112xi32, #tpu.memory_space<vmem>>
        %dma_wait3A_57 = arith.constant 0 : i32
        %dma_wait3A_58 = arith.constant 0 : i32
        %dma_wait3A_59 = tpu.memref_slice %arg2[%dma_wait3A_57, %dma_wait3A_58] : memref<10000x128xf32, #tpu.memory_space<hbm>> -> memref<10000x128xf32, #tpu.memory_space<hbm>>
        tpu.wait_indirect_dma semaphore(%arg14 : memref<!tpu.dma_semaphore, #tpu.memory_space<semaphore_mem>>) src(%dma_wait3A_59 : memref<10000x128xf32, #tpu.memory_space<hbm>>) dst(%arg12 : memref<112x128xf32, #tpu.memory_space<vmem>>)
        %add3A_60 = arith.constant 0 : i32
        %add3A_61 = arith.addi %add3A_52, %add3A_60 : i32
        "tpu.region"() ({
          %run_scoped3A = tpu.sem_alloc : memref<!tpu.dma_semaphore, #tpu.memory_space<semaphore_mem>>
          %dma_start3A_89 = arith.constant 0 : i32
          %dma_start3A_90 = tpu.memref_slice %arg11[%add3A_61, %dma_start3A_89] : memref<60x112xi32, #tpu.memory_space<vmem>> -> memref<1x112xi32, #tpu.memory_space<vmem>>
          %dma_start3A_91 = tpu.memref_squeeze %dma_start3A_90 : memref<1x112xi32, #tpu.memory_space<vmem>> -> memref<112xi32, #tpu.memory_space<vmem>>
          %dma_start3A_92 = arith.constant 0 : i32
          %dma_start3A_93 = arith.constant 0 : i32
          %dma_start3A_94 = tpu.memref_slice %arg9[%dma_start3A_92, %dma_start3A_93] : memref<10112x128xf32, #tpu.memory_space<vmem_shared>> -> memref<10112x128xf32, #tpu.memory_space<vmem_shared>>
          tpu.enqueue_indirect_dma source(%arg12 : memref<112x128xf32, #tpu.memory_space<vmem>>) target(%dma_start3A_94 : memref<10112x128xf32, #tpu.memory_space<vmem_shared>>) offsets(%dma_start3A_91 : memref<112xi32, #tpu.memory_space<vmem>>) semaphore(%run_scoped3A : memref<!tpu.dma_semaphore, #tpu.memory_space<semaphore_mem>>) {add = true}
          %dma_wait3A_95 = arith.constant 0 : i32
          %dma_wait3A_96 = tpu.memref_slice %arg11[%add3A_61, %dma_wait3A_95] : memref<60x112xi32, #tpu.memory_space<vmem>> -> memref<1x112xi32, #tpu.memory_space<vmem>>
          %dma_wait3A_97 = tpu.memref_squeeze %dma_wait3A_96 : memref<1x112xi32, #tpu.memory_space<vmem>> -> memref<112xi32, #tpu.memory_space<vmem>>
          %dma_wait3A_98 = arith.constant 0 : i32
          %dma_wait3A_99 = arith.constant 0 : i32
          %dma_wait3A_100 = tpu.memref_slice %arg9[%dma_wait3A_98, %dma_wait3A_99] : memref<10112x128xf32, #tpu.memory_space<vmem_shared>> -> memref<10112x128xf32, #tpu.memory_space<vmem_shared>>
          tpu.wait_indirect_dma semaphore(%run_scoped3A : memref<!tpu.dma_semaphore, #tpu.memory_space<semaphore_mem>>) src(%arg12 : memref<112x128xf32, #tpu.memory_space<vmem>>) dst(%dma_wait3A_100 : memref<10112x128xf32, #tpu.memory_space<vmem_shared>>)
          tpu.yield
        }) : () -> ()
        %add3A_62 = arith.constant 0 : i32
        %add3A_63 = arith.addi %add3A_52, %add3A_62 : i32
        %add3A_64 = arith.constant 2 : i32
        %add3A_65 = arith.addi %add3A_63, %add3A_64 : i32
        %lt3A = arith.constant 60 : i32
        %lt3A_66 = arith.cmpi slt, %add3A_65, %lt3A : i32
        %convert_element_type3A_67 = arith.extui %lt3A_66 : i1 to i32
        %cond3A_68 = arith.constant 0 : i32
        %cond3A_69 = arith.cmpi ne, %convert_element_type3A_67, %cond3A_68 : i32
        scf.if %cond3A_69 {
          %add3A_89 = arith.constant 0 : i32
          %add3A_90 = arith.addi %add3A_52, %add3A_89 : i32
          %add3A_91 = arith.constant 2 : i32
          %add3A_92 = arith.addi %add3A_90, %add3A_91 : i32
          %dma_start3A_93 = arith.constant 0 : i32
          %dma_start3A_94 = tpu.memref_slice %arg10[%add3A_92, %dma_start3A_93] : memref<60x112xi32, #tpu.memory_space<vmem>> -> memref<1x112xi32, #tpu.memory_space<vmem>>
          %dma_start3A_95 = tpu.memref_squeeze %dma_start3A_94 : memref<1x112xi32, #tpu.memory_space<vmem>> -> memref<112xi32, #tpu.memory_space<vmem>>
          %dma_start3A_96 = arith.constant 0 : i32
          %dma_start3A_97 = arith.constant 0 : i32
          %dma_start3A_98 = tpu.memref_slice %arg2[%dma_start3A_96, %dma_start3A_97] : memref<10000x128xf32, #tpu.memory_space<hbm>> -> memref<10000x128xf32, #tpu.memory_space<hbm>>
          tpu.enqueue_indirect_dma source(%dma_start3A_98 : memref<10000x128xf32, #tpu.memory_space<hbm>>) target(%arg12 : memref<112x128xf32, #tpu.memory_space<vmem>>) offsets(%dma_start3A_95 : memref<112xi32, #tpu.memory_space<vmem>>) semaphore(%arg14 : memref<!tpu.dma_semaphore, #tpu.memory_space<semaphore_mem>>)
        } else {
        }
        %add3A_70 = arith.constant 1 : i32
        %add3A_71 = arith.addi %add3A_52, %add3A_70 : i32
        %dma_wait3A_72 = arith.constant 0 : i32
        %dma_wait3A_73 = tpu.memref_slice %arg10[%add3A_71, %dma_wait3A_72] : memref<60x112xi32, #tpu.memory_space<vmem>> -> memref<1x112xi32, #tpu.memory_space<vmem>>
        %dma_wait3A_74 = tpu.memref_squeeze %dma_wait3A_73 : memref<1x112xi32, #tpu.memory_space<vmem>> -> memref<112xi32, #tpu.memory_space<vmem>>
        %dma_wait3A_75 = arith.constant 0 : i32
        %dma_wait3A_76 = arith.constant 0 : i32
        %dma_wait3A_77 = tpu.memref_slice %arg2[%dma_wait3A_75, %dma_wait3A_76] : memref<10000x128xf32, #tpu.memory_space<hbm>> -> memref<10000x128xf32, #tpu.memory_space<hbm>>
        tpu.wait_indirect_dma semaphore(%arg15 : memref<!tpu.dma_semaphore, #tpu.memory_space<semaphore_mem>>) src(%dma_wait3A_77 : memref<10000x128xf32, #tpu.memory_space<hbm>>) dst(%arg13 : memref<112x128xf32, #tpu.memory_space<vmem>>)
        %add3A_78 = arith.constant 1 : i32
        %add3A_79 = arith.addi %add3A_52, %add3A_78 : i32
        "tpu.region"() ({
          %run_scoped3A = tpu.sem_alloc : memref<!tpu.dma_semaphore, #tpu.memory_space<semaphore_mem>>
          %dma_start3A_89 = arith.constant 0 : i32
          %dma_start3A_90 = tpu.memref_slice %arg11[%add3A_79, %dma_start3A_89] : memref<60x112xi32, #tpu.memory_space<vmem>> -> memref<1x112xi32, #tpu.memory_space<vmem>>
          %dma_start3A_91 = tpu.memref_squeeze %dma_start3A_90 : memref<1x112xi32, #tpu.memory_space<vmem>> -> memref<112xi32, #tpu.memory_space<vmem>>
          %dma_start3A_92 = arith.constant 0 : i32
          %dma_start3A_93 = arith.constant 0 : i32
          %dma_start3A_94 = tpu.memref_slice %arg9[%dma_start3A_92, %dma_start3A_93] : memref<10112x128xf32, #tpu.memory_space<vmem_shared>> -> memref<10112x128xf32, #tpu.memory_space<vmem_shared>>
          tpu.enqueue_indirect_dma source(%arg13 : memref<112x128xf32, #tpu.memory_space<vmem>>) target(%dma_start3A_94 : memref<10112x128xf32, #tpu.memory_space<vmem_shared>>) offsets(%dma_start3A_91 : memref<112xi32, #tpu.memory_space<vmem>>) semaphore(%run_scoped3A : memref<!tpu.dma_semaphore, #tpu.memory_space<semaphore_mem>>) {add = true}
          %dma_wait3A_95 = arith.constant 0 : i32
          %dma_wait3A_96 = tpu.memref_slice %arg11[%add3A_79, %dma_wait3A_95] : memref<60x112xi32, #tpu.memory_space<vmem>> -> memref<1x112xi32, #tpu.memory_space<vmem>>
          %dma_wait3A_97 = tpu.memref_squeeze %dma_wait3A_96 : memref<1x112xi32, #tpu.memory_space<vmem>> -> memref<112xi32, #tpu.memory_space<vmem>>
          %dma_wait3A_98 = arith.constant 0 : i32
          %dma_wait3A_99 = arith.constant 0 : i32
          %dma_wait3A_100 = tpu.memref_slice %arg9[%dma_wait3A_98, %dma_wait3A_99] : memref<10112x128xf32, #tpu.memory_space<vmem_shared>> -> memref<10112x128xf32, #tpu.memory_space<vmem_shared>>
          tpu.wait_indirect_dma semaphore(%run_scoped3A : memref<!tpu.dma_semaphore, #tpu.memory_space<semaphore_mem>>) src(%arg13 : memref<112x128xf32, #tpu.memory_space<vmem>>) dst(%dma_wait3A_100 : memref<10112x128xf32, #tpu.memory_space<vmem_shared>>)
          tpu.yield
        }) : () -> ()
        %add3A_80 = arith.constant 1 : i32
        %add3A_81 = arith.addi %add3A_52, %add3A_80 : i32
        %add3A_82 = arith.constant 2 : i32
        %add3A_83 = arith.addi %add3A_81, %add3A_82 : i32
        %lt3A_84 = arith.constant 60 : i32
        %lt3A_85 = arith.cmpi slt, %add3A_83, %lt3A_84 : i32
        %convert_element_type3A_86 = arith.extui %lt3A_85 : i1 to i32
        %cond3A_87 = arith.constant 0 : i32
        %cond3A_88 = arith.cmpi ne, %convert_element_type3A_86, %cond3A_87 : i32
        scf.if %cond3A_88 {
          %add3A_89 = arith.constant 1 : i32
          %add3A_90 = arith.addi %add3A_52, %add3A_89 : i32
          %add3A_91 = arith.constant 2 : i32
          %add3A_92 = arith.addi %add3A_90, %add3A_91 : i32
          %dma_start3A_93 = arith.constant 0 : i32
          %dma_start3A_94 = tpu.memref_slice %arg10[%add3A_92, %dma_start3A_93] : memref<60x112xi32, #tpu.memory_space<vmem>> -> memref<1x112xi32, #tpu.memory_space<vmem>>
          %dma_start3A_95 = tpu.memref_squeeze %dma_start3A_94 : memref<1x112xi32, #tpu.memory_space<vmem>> -> memref<112xi32, #tpu.memory_space<vmem>>
          %dma_start3A_96 = arith.constant 0 : i32
          %dma_start3A_97 = arith.constant 0 : i32
          %dma_start3A_98 = tpu.memref_slice %arg2[%dma_start3A_96, %dma_start3A_97] : memref<10000x128xf32, #tpu.memory_space<hbm>> -> memref<10000x128xf32, #tpu.memory_space<hbm>>
          tpu.enqueue_indirect_dma source(%dma_start3A_98 : memref<10000x128xf32, #tpu.memory_space<hbm>>) target(%arg13 : memref<112x128xf32, #tpu.memory_space<vmem>>) offsets(%dma_start3A_95 : memref<112xi32, #tpu.memory_space<vmem>>) semaphore(%arg15 : memref<!tpu.dma_semaphore, #tpu.memory_space<semaphore_mem>>)
        } else {
        }
      }
      %scan3A_47 = arith.constant 30 : i32
    } else {
    }
    %barrier3A_28 = arith.constant 0 : index
    tpu.barrier barrier_id(%barrier3A_28)
    %mul3A_29 = arith.constant 632 : i32
    %mul3A_30 = arith.muli %arg1, %mul3A_29 : i32
    "tpu.region"() ({
      %run_scoped3A = tpu.sem_alloc : memref<!tpu.dma_semaphore, #tpu.memory_space<semaphore_mem>>
      %dma_start3A = arith.constant 0 : i32
      %dma_start3A_31 = tpu.memref_slice %arg8[%arg0, %mul3A_30, %dma_start3A] : memref<2x10112x128xf32, #tpu.memory_space<hbm>> -> memref<1x632x128xf32, #tpu.memory_space<hbm>>
      %dma_start3A_32 = tpu.memref_squeeze %dma_start3A_31 : memref<1x632x128xf32, #tpu.memory_space<hbm>> -> memref<632x128xf32, #tpu.memory_space<hbm>>
      %dma_start3A_33 = arith.constant 0 : i32
      %dma_start3A_34 = tpu.memref_slice %arg9[%mul3A_30, %dma_start3A_33] : memref<10112x128xf32, #tpu.memory_space<vmem_shared>> -> memref<632x128xf32, #tpu.memory_space<vmem_shared>>
      tpu.enqueue_dma source(%dma_start3A_34 : memref<632x128xf32, #tpu.memory_space<vmem_shared>>) target(%dma_start3A_32 : memref<632x128xf32, #tpu.memory_space<hbm>>) target_semaphore(%run_scoped3A : memref<!tpu.dma_semaphore, #tpu.memory_space<semaphore_mem>>)
      %dma_wait3A = arith.constant 0 : i32
      %dma_wait3A_35 = tpu.memref_slice %arg8[%arg0, %mul3A_30, %dma_wait3A] : memref<2x10112x128xf32, #tpu.memory_space<hbm>> -> memref<1x632x128xf32, #tpu.memory_space<hbm>>
      %dma_wait3A_36 = tpu.memref_squeeze %dma_wait3A_35 : memref<1x632x128xf32, #tpu.memory_space<hbm>> -> memref<632x128xf32, #tpu.memory_space<hbm>>
      %dma_wait3A_37 = arith.constant 0 : i32
      %dma_wait3A_38 = tpu.memref_slice %arg9[%mul3A_30, %dma_wait3A_37] : memref<10112x128xf32, #tpu.memory_space<vmem_shared>> -> memref<632x128xf32, #tpu.memory_space<vmem_shared>>
      tpu.wait_dma2 semaphore(%run_scoped3A : memref<!tpu.dma_semaphore, #tpu.memory_space<semaphore_mem>>) src(%dma_wait3A_38 : memref<632x128xf32, #tpu.memory_space<vmem_shared>>) dst(%dma_wait3A_36 : memref<632x128xf32, #tpu.memory_space<hbm>>)
      tpu.yield
    }) : () -> ()
    return
  }
}

#map = affine_map<(d0, d1) -> (0, 0)>
#map1 = affine_map<(d0, d1) -> (0, 0, 0)>
module attributes {stable_mosaic.version = 14 : i64} {
  func.func @body(%arg0: i32, %arg1: i32, %arg2: memref<10000x128xf32, #tpu.memory_space<hbm>>, %arg3: memref<16x120x112xi32, #tpu.memory_space<hbm>>, %arg4: memref<16x120x112xi32, #tpu.memory_space<hbm>>, %arg5: memref<16x60x112xi32, #tpu.memory_space<hbm>>, %arg6: memref<16x60x112xi32, #tpu.memory_space<hbm>>, %arg7: memref<112x128xf32, #tpu.memory_space<hbm>>, %arg8: memref<2x10112x128xf32, #tpu.memory_space<hbm>>, %arg9: memref<10112x128xf32, #tpu.memory_space<vmem_shared>>, %arg10: memref<60x112xi32, #tpu.memory_space<vmem>>, %arg11: memref<60x112xi32, #tpu.memory_space<vmem>>, %arg12: memref<112x128xf32, #tpu.memory_space<vmem>>, %arg13: memref<112x128xf32, #tpu.memory_space<vmem>>, %arg14: memref<!tpu.dma_semaphore, #tpu.memory_space<semaphore_mem>>, %arg15: memref<!tpu.dma_semaphore, #tpu.memory_space<semaphore_mem>>) attributes {dimension_semantics = [#tpu.dimension_semantics<core_parallel>, #tpu.dimension_semantics<subcore_parallel>], iteration_bounds = array<i64: 2, 16>, scalar_prefetch = 0 : i64, scratch_operands = 7 : i64, tpu.core_type = #tpu.core_type<sc_vector_subcore>, window_params = [{transform_indices = #map}, {transform_indices = #map1}, {transform_indices = #map1}, {transform_indices = #map1}, {transform_indices = #map1}, {transform_indices = #map}, {transform_indices = #map1}]} {
    "tpu.region"() ({
      %run_scoped3A = tpu.sem_alloc : memref<!tpu.dma_semaphore, #tpu.memory_space<semaphore_mem>>
      tpu.enqueue_dma source(%arg7 : memref<112x128xf32, #tpu.memory_space<hbm>>) target(%arg12 : memref<112x128xf32, #tpu.memory_space<vmem>>) target_semaphore(%run_scoped3A : memref<!tpu.dma_semaphore, #tpu.memory_space<semaphore_mem>>)
      tpu.wait_dma2 semaphore(%run_scoped3A : memref<!tpu.dma_semaphore, #tpu.memory_space<semaphore_mem>>) src(%arg7 : memref<112x128xf32, #tpu.memory_space<hbm>>) dst(%arg12 : memref<112x128xf32, #tpu.memory_space<vmem>>)
      tpu.yield
    }) : () -> ()
    %mul3A = arith.constant 632 : i32
    %mul3A_0 = arith.muli %arg1, %mul3A : i32
    %add3A = arith.constant 0 : i32
    %add3A_1 = arith.addi %mul3A_0, %add3A : i32
    "tpu.region"() ({
      %run_scoped3A = tpu.sem_alloc : memref<!tpu.dma_semaphore, #tpu.memory_space<semaphore_mem>>
      %dma_start3A = arith.constant 0 : i32
      %dma_start3A_31 = tpu.memref_slice %arg9[%add3A_1, %dma_start3A] : memref<10112x128xf32, #tpu.memory_space<vmem_shared>> -> memref<112x128xf32, #tpu.memory_space<vmem_shared>>
      %dma_start3A_32 = arith.constant 0 : i32
      %dma_start3A_33 = tpu.memref_slice %arg9[%add3A_1, %dma_start3A_32] : memref<10112x128xf32, #tpu.memory_space<vmem_shared>> -> memref<112x128xf32, #tpu.memory_space<vmem_shared>>
      tpu.enqueue_dma source(%arg12 : memref<112x128xf32, #tpu.memory_space<vmem>>) target(%dma_start3A_33 : memref<112x128xf32, #tpu.memory_space<vmem_shared>>) target_semaphore(%run_scoped3A : memref<!tpu.dma_semaphore, #tpu.memory_space<semaphore_mem>>)
      %dma_wait3A = arith.constant 0 : i32
      %dma_wait3A_34 = tpu.memref_slice %arg9[%add3A_1, %dma_wait3A] : memref<10112x128xf32, #tpu.memory_space<vmem_shared>> -> memref<112x128xf32, #tpu.memory_space<vmem_shared>>
      %dma_wait3A_35 = arith.constant 0 : i32
      %dma_wait3A_36 = tpu.memref_slice %arg9[%add3A_1, %dma_wait3A_35] : memref<10112x128xf32, #tpu.memory_space<vmem_shared>> -> memref<112x128xf32, #tpu.memory_space<vmem_shared>>
      tpu.wait_dma2 semaphore(%run_scoped3A : memref<!tpu.dma_semaphore, #tpu.memory_space<semaphore_mem>>) src(%arg12 : memref<112x128xf32, #tpu.memory_space<vmem>>) dst(%dma_wait3A_36 : memref<112x128xf32, #tpu.memory_space<vmem_shared>>)
      tpu.yield
    }) : () -> ()
    %mul3A_2 = arith.constant 632 : i32
    %mul3A_3 = arith.muli %arg1, %mul3A_2 : i32
    %add3A_4 = arith.constant 112 : i32
    %add3A_5 = arith.addi %mul3A_3, %add3A_4 : i32
    "tpu.region"() ({
      %run_scoped3A = tpu.sem_alloc : memref<!tpu.dma_semaphore, #tpu.memory_space<semaphore_mem>>
      %dma_start3A = arith.constant 0 : i32
      %dma_start3A_31 = tpu.memref_slice %arg9[%add3A_5, %dma_start3A] : memref<10112x128xf32, #tpu.memory_space<vmem_shared>> -> memref<112x128xf32, #tpu.memory_space<vmem_shared>>
      %dma_start3A_32 = arith.constant 0 : i32
      %dma_start3A_33 = tpu.memref_slice %arg9[%add3A_5, %dma_start3A_32] : memref<10112x128xf32, #tpu.memory_space<vmem_shared>> -> memref<112x128xf32, #tpu.memory_space<vmem_shared>>
      tpu.enqueue_dma source(%arg12 : memref<112x128xf32, #tpu.memory_space<vmem>>) target(%dma_start3A_33 : memref<112x128xf32, #tpu.memory_space<vmem_shared>>) target_semaphore(%run_scoped3A : memref<!tpu.dma_semaphore, #tpu.memory_space<semaphore_mem>>)
      %dma_wait3A = arith.constant 0 : i32
      %dma_wait3A_34 = tpu.memref_slice %arg9[%add3A_5, %dma_wait3A] : memref<10112x128xf32, #tpu.memory_space<vmem_shared>> -> memref<112x128xf32, #tpu.memory_space<vmem_shared>>
      %dma_wait3A_35 = arith.constant 0 : i32
      %dma_wait3A_36 = tpu.memref_slice %arg9[%add3A_5, %dma_wait3A_35] : memref<10112x128xf32, #tpu.memory_space<vmem_shared>> -> memref<112x128xf32, #tpu.memory_space<vmem_shared>>
      tpu.wait_dma2 semaphore(%run_scoped3A : memref<!tpu.dma_semaphore, #tpu.memory_space<semaphore_mem>>) src(%arg12 : memref<112x128xf32, #tpu.memory_space<vmem>>) dst(%dma_wait3A_36 : memref<112x128xf32, #tpu.memory_space<vmem_shared>>)
      tpu.yield
    }) : () -> ()
    %mul3A_6 = arith.constant 632 : i32
    %mul3A_7 = arith.muli %arg1, %mul3A_6 : i32
    %add3A_8 = arith.constant 224 : i32
    %add3A_9 = arith.addi %mul3A_7, %add3A_8 : i32
    "tpu.region"() ({
      %run_scoped3A = tpu.sem_alloc : memref<!tpu.dma_semaphore, #tpu.memory_space<semaphore_mem>>
      %dma_start3A = arith.constant 0 : i32
      %dma_start3A_31 = tpu.memref_slice %arg9[%add3A_9, %dma_start3A] : memref<10112x128xf32, #tpu.memory_space<vmem_shared>> -> memref<112x128xf32, #tpu.memory_space<vmem_shared>>
      %dma_start3A_32 = arith.constant 0 : i32
      %dma_start3A_33 = tpu.memref_slice %arg9[%add3A_9, %dma_start3A_32] : memref<10112x128xf32, #tpu.memory_space<vmem_shared>> -> memref<112x128xf32, #tpu.memory_space<vmem_shared>>
      tpu.enqueue_dma source(%arg12 : memref<112x128xf32, #tpu.memory_space<vmem>>) target(%dma_start3A_33 : memref<112x128xf32, #tpu.memory_space<vmem_shared>>) target_semaphore(%run_scoped3A : memref<!tpu.dma_semaphore, #tpu.memory_space<semaphore_mem>>)
      %dma_wait3A = arith.constant 0 : i32
      %dma_wait3A_34 = tpu.memref_slice %arg9[%add3A_9, %dma_wait3A] : memref<10112x128xf32, #tpu.memory_space<vmem_shared>> -> memref<112x128xf32, #tpu.memory_space<vmem_shared>>
      %dma_wait3A_35 = arith.constant 0 : i32
      %dma_wait3A_36 = tpu.memref_slice %arg9[%add3A_9, %dma_wait3A_35] : memref<10112x128xf32, #tpu.memory_space<vmem_shared>> -> memref<112x128xf32, #tpu.memory_space<vmem_shared>>
      tpu.wait_dma2 semaphore(%run_scoped3A : memref<!tpu.dma_semaphore, #tpu.memory_space<semaphore_mem>>) src(%arg12 : memref<112x128xf32, #tpu.memory_space<vmem>>) dst(%dma_wait3A_36 : memref<112x128xf32, #tpu.memory_space<vmem_shared>>)
      tpu.yield
    }) : () -> ()
    %mul3A_10 = arith.constant 632 : i32
    %mul3A_11 = arith.muli %arg1, %mul3A_10 : i32
    %add3A_12 = arith.constant 336 : i32
    %add3A_13 = arith.addi %mul3A_11, %add3A_12 : i32
    "tpu.region"() ({
      %run_scoped3A = tpu.sem_alloc : memref<!tpu.dma_semaphore, #tpu.memory_space<semaphore_mem>>
      %dma_start3A = arith.constant 0 : i32
      %dma_start3A_31 = tpu.memref_slice %arg9[%add3A_13, %dma_start3A] : memref<10112x128xf32, #tpu.memory_space<vmem_shared>> -> memref<112x128xf32, #tpu.memory_space<vmem_shared>>
      %dma_start3A_32 = arith.constant 0 : i32
      %dma_start3A_33 = tpu.memref_slice %arg9[%add3A_13, %dma_start3A_32] : memref<10112x128xf32, #tpu.memory_space<vmem_shared>> -> memref<112x128xf32, #tpu.memory_space<vmem_shared>>
      tpu.enqueue_dma source(%arg12 : memref<112x128xf32, #tpu.memory_space<vmem>>) target(%dma_start3A_33 : memref<112x128xf32, #tpu.memory_space<vmem_shared>>) target_semaphore(%run_scoped3A : memref<!tpu.dma_semaphore, #tpu.memory_space<semaphore_mem>>)
      %dma_wait3A = arith.constant 0 : i32
      %dma_wait3A_34 = tpu.memref_slice %arg9[%add3A_13, %dma_wait3A] : memref<10112x128xf32, #tpu.memory_space<vmem_shared>> -> memref<112x128xf32, #tpu.memory_space<vmem_shared>>
      %dma_wait3A_35 = arith.constant 0 : i32
      %dma_wait3A_36 = tpu.memref_slice %arg9[%add3A_13, %dma_wait3A_35] : memref<10112x128xf32, #tpu.memory_space<vmem_shared>> -> memref<112x128xf32, #tpu.memory_space<vmem_shared>>
      tpu.wait_dma2 semaphore(%run_scoped3A : memref<!tpu.dma_semaphore, #tpu.memory_space<semaphore_mem>>) src(%arg12 : memref<112x128xf32, #tpu.memory_space<vmem>>) dst(%dma_wait3A_36 : memref<112x128xf32, #tpu.memory_space<vmem_shared>>)
      tpu.yield
    }) : () -> ()
    %mul3A_14 = arith.constant 632 : i32
    %mul3A_15 = arith.muli %arg1, %mul3A_14 : i32
    %add3A_16 = arith.constant 448 : i32
    %add3A_17 = arith.addi %mul3A_15, %add3A_16 : i32
    "tpu.region"() ({
      %run_scoped3A = tpu.sem_alloc : memref<!tpu.dma_semaphore, #tpu.memory_space<semaphore_mem>>
      %dma_start3A = arith.constant 0 : i32
      %dma_start3A_31 = tpu.memref_slice %arg9[%add3A_17, %dma_start3A] : memref<10112x128xf32, #tpu.memory_space<vmem_shared>> -> memref<112x128xf32, #tpu.memory_space<vmem_shared>>
      %dma_start3A_32 = arith.constant 0 : i32
      %dma_start3A_33 = tpu.memref_slice %arg9[%add3A_17, %dma_start3A_32] : memref<10112x128xf32, #tpu.memory_space<vmem_shared>> -> memref<112x128xf32, #tpu.memory_space<vmem_shared>>
      tpu.enqueue_dma source(%arg12 : memref<112x128xf32, #tpu.memory_space<vmem>>) target(%dma_start3A_33 : memref<112x128xf32, #tpu.memory_space<vmem_shared>>) target_semaphore(%run_scoped3A : memref<!tpu.dma_semaphore, #tpu.memory_space<semaphore_mem>>)
      %dma_wait3A = arith.constant 0 : i32
      %dma_wait3A_34 = tpu.memref_slice %arg9[%add3A_17, %dma_wait3A] : memref<10112x128xf32, #tpu.memory_space<vmem_shared>> -> memref<112x128xf32, #tpu.memory_space<vmem_shared>>
      %dma_wait3A_35 = arith.constant 0 : i32
      %dma_wait3A_36 = tpu.memref_slice %arg9[%add3A_17, %dma_wait3A_35] : memref<10112x128xf32, #tpu.memory_space<vmem_shared>> -> memref<112x128xf32, #tpu.memory_space<vmem_shared>>
      tpu.wait_dma2 semaphore(%run_scoped3A : memref<!tpu.dma_semaphore, #tpu.memory_space<semaphore_mem>>) src(%arg12 : memref<112x128xf32, #tpu.memory_space<vmem>>) dst(%dma_wait3A_36 : memref<112x128xf32, #tpu.memory_space<vmem_shared>>)
      tpu.yield
    }) : () -> ()
    %mul3A_18 = arith.constant 632 : i32
    %mul3A_19 = arith.muli %arg1, %mul3A_18 : i32
    %add3A_20 = arith.constant 560 : i32
    %add3A_21 = arith.addi %mul3A_19, %add3A_20 : i32
    "tpu.region"() ({
      %run_scoped3A = tpu.sem_alloc : memref<!tpu.dma_semaphore, #tpu.memory_space<semaphore_mem>>
      %dma_start3A = arith.constant 0 : i32
      %dma_start3A_31 = arith.constant 0 : i32
      %dma_start3A_32 = tpu.memref_slice %arg12[%dma_start3A, %dma_start3A_31] : memref<112x128xf32, #tpu.memory_space<vmem>> -> memref<72x128xf32, #tpu.memory_space<vmem>>
      %dma_start3A_33 = arith.constant 0 : i32
      %dma_start3A_34 = tpu.memref_slice %arg9[%add3A_21, %dma_start3A_33] : memref<10112x128xf32, #tpu.memory_space<vmem_shared>> -> memref<72x128xf32, #tpu.memory_space<vmem_shared>>
      %dma_start3A_35 = arith.constant 0 : i32
      %dma_start3A_36 = tpu.memref_slice %arg9[%add3A_21, %dma_start3A_35] : memref<10112x128xf32, #tpu.memory_space<vmem_shared>> -> memref<72x128xf32, #tpu.memory_space<vmem_shared>>
      %dma_start3A_37 = arith.constant 0 : i32
      %dma_start3A_38 = arith.constant 0 : i32
      %dma_start3A_39 = tpu.memref_slice %arg12[%dma_start3A_37, %dma_start3A_38] : memref<112x128xf32, #tpu.memory_space<vmem>> -> memref<72x128xf32, #tpu.memory_space<vmem>>
      tpu.enqueue_dma source(%dma_start3A_39 : memref<72x128xf32, #tpu.memory_space<vmem>>) target(%dma_start3A_36 : memref<72x128xf32, #tpu.memory_space<vmem_shared>>) target_semaphore(%run_scoped3A : memref<!tpu.dma_semaphore, #tpu.memory_space<semaphore_mem>>)
      %dma_wait3A = arith.constant 0 : i32
      %dma_wait3A_40 = arith.constant 0 : i32
      %dma_wait3A_41 = tpu.memref_slice %arg12[%dma_wait3A, %dma_wait3A_40] : memref<112x128xf32, #tpu.memory_space<vmem>> -> memref<72x128xf32, #tpu.memory_space<vmem>>
      %dma_wait3A_42 = arith.constant 0 : i32
      %dma_wait3A_43 = tpu.memref_slice %arg9[%add3A_21, %dma_wait3A_42] : memref<10112x128xf32, #tpu.memory_space<vmem_shared>> -> memref<72x128xf32, #tpu.memory_space<vmem_shared>>
      %dma_wait3A_44 = arith.constant 0 : i32
      %dma_wait3A_45 = tpu.memref_slice %arg9[%add3A_21, %dma_wait3A_44] : memref<10112x128xf32, #tpu.memory_space<vmem_shared>> -> memref<72x128xf32, #tpu.memory_space<vmem_shared>>
      %dma_wait3A_46 = arith.constant 0 : i32
      %dma_wait3A_47 = arith.constant 0 : i32
      %dma_wait3A_48 = tpu.memref_slice %arg12[%dma_wait3A_46, %dma_wait3A_47] : memref<112x128xf32, #tpu.memory_space<vmem>> -> memref<72x128xf32, #tpu.memory_space<vmem>>
      tpu.wait_dma2 semaphore(%run_scoped3A : memref<!tpu.dma_semaphore, #tpu.memory_space<semaphore_mem>>) src(%dma_wait3A_48 : memref<72x128xf32, #tpu.memory_space<vmem>>) dst(%dma_wait3A_45 : memref<72x128xf32, #tpu.memory_space<vmem_shared>>)
      tpu.yield
    }) : () -> ()
    %barrier3A = arith.constant 0 : index
    tpu.barrier barrier_id(%barrier3A)
    %eq3A = arith.constant 1 : i32
    %eq3A_22 = arith.cmpi eq, %arg0, %eq3A : i32
    %convert_element_type3A = arith.extui %eq3A_22 : i1 to i32
    %cond3A = arith.constant 0 : i32
    %cond3A_23 = arith.cmpi ne, %convert_element_type3A, %cond3A : i32
    scf.if %cond3A_23 {
      "tpu.region"() ({
        %run_scoped3A = tpu.sem_alloc : memref<!tpu.dma_semaphore, #tpu.memory_space<semaphore_mem>>
        %dma_start3A_67 = arith.constant 0 : i32
        %dma_start3A_68 = arith.constant 0 : i32
        %dma_start3A_69 = tpu.memref_slice %arg10[%dma_start3A_67, %dma_start3A_68] : memref<60x112xi32, #tpu.memory_space<vmem>> -> memref<60x112xi32, #tpu.memory_space<vmem>>
        %dma_start3A_70 = arith.constant 0 : i32
        %dma_start3A_71 = arith.constant 0 : i32
        %dma_start3A_72 = tpu.memref_slice %arg3[%arg1, %dma_start3A_70, %dma_start3A_71] : memref<16x120x112xi32, #tpu.memory_space<hbm>> -> memref<1x60x112xi32, #tpu.memory_space<hbm>>
        %dma_start3A_73 = tpu.memref_squeeze %dma_start3A_72 : memref<1x60x112xi32, #tpu.memory_space<hbm>> -> memref<60x112xi32, #tpu.memory_space<hbm>>
        %dma_start3A_74 = arith.constant 0 : i32
        %dma_start3A_75 = arith.constant 0 : i32
        %dma_start3A_76 = tpu.memref_slice %arg10[%dma_start3A_74, %dma_start3A_75] : memref<60x112xi32, #tpu.memory_space<vmem>> -> memref<60x112xi32, #tpu.memory_space<vmem>>
        %dma_start3A_77 = arith.constant 0 : i32
        %dma_start3A_78 = arith.constant 0 : i32
        %dma_start3A_79 = tpu.memref_slice %arg3[%arg1, %dma_start3A_77, %dma_start3A_78] : memref<16x120x112xi32, #tpu.memory_space<hbm>> -> memref<1x60x112xi32, #tpu.memory_space<hbm>>
        %dma_start3A_80 = tpu.memref_squeeze %dma_start3A_79 : memref<1x60x112xi32, #tpu.memory_space<hbm>> -> memref<60x112xi32, #tpu.memory_space<hbm>>
        tpu.enqueue_dma source(%dma_start3A_80 : memref<60x112xi32, #tpu.memory_space<hbm>>) target(%dma_start3A_76 : memref<60x112xi32, #tpu.memory_space<vmem>>) target_semaphore(%run_scoped3A : memref<!tpu.dma_semaphore, #tpu.memory_space<semaphore_mem>>)
        %dma_wait3A = arith.constant 0 : i32
        %dma_wait3A_81 = arith.constant 0 : i32
        %dma_wait3A_82 = tpu.memref_slice %arg10[%dma_wait3A, %dma_wait3A_81] : memref<60x112xi32, #tpu.memory_space<vmem>> -> memref<60x112xi32, #tpu.memory_space<vmem>>
        %dma_wait3A_83 = arith.constant 0 : i32
        %dma_wait3A_84 = arith.constant 0 : i32
        %dma_wait3A_85 = tpu.memref_slice %arg3[%arg1, %dma_wait3A_83, %dma_wait3A_84] : memref<16x120x112xi32, #tpu.memory_space<hbm>> -> memref<1x60x112xi32, #tpu.memory_space<hbm>>
        %dma_wait3A_86 = tpu.memref_squeeze %dma_wait3A_85 : memref<1x60x112xi32, #tpu.memory_space<hbm>> -> memref<60x112xi32, #tpu.memory_space<hbm>>
        %dma_wait3A_87 = arith.constant 0 : i32
        %dma_wait3A_88 = arith.constant 0 : i32
        %dma_wait3A_89 = tpu.memref_slice %arg10[%dma_wait3A_87, %dma_wait3A_88] : memref<60x112xi32, #tpu.memory_space<vmem>> -> memref<60x112xi32, #tpu.memory_space<vmem>>
        %dma_wait3A_90 = arith.constant 0 : i32
        %dma_wait3A_91 = arith.constant 0 : i32
        %dma_wait3A_92 = tpu.memref_slice %arg3[%arg1, %dma_wait3A_90, %dma_wait3A_91] : memref<16x120x112xi32, #tpu.memory_space<hbm>> -> memref<1x60x112xi32, #tpu.memory_space<hbm>>
        %dma_wait3A_93 = tpu.memref_squeeze %dma_wait3A_92 : memref<1x60x112xi32, #tpu.memory_space<hbm>> -> memref<60x112xi32, #tpu.memory_space<hbm>>
        tpu.wait_dma2 semaphore(%run_scoped3A : memref<!tpu.dma_semaphore, #tpu.memory_space<semaphore_mem>>) src(%dma_wait3A_93 : memref<60x112xi32, #tpu.memory_space<hbm>>) dst(%dma_wait3A_89 : memref<60x112xi32, #tpu.memory_space<vmem>>)
        tpu.yield
      }) : () -> ()
      "tpu.region"() ({
        %run_scoped3A = tpu.sem_alloc : memref<!tpu.dma_semaphore, #tpu.memory_space<semaphore_mem>>
        %dma_start3A_67 = arith.constant 0 : i32
        %dma_start3A_68 = arith.constant 0 : i32
        %dma_start3A_69 = tpu.memref_slice %arg11[%dma_start3A_67, %dma_start3A_68] : memref<60x112xi32, #tpu.memory_space<vmem>> -> memref<60x112xi32, #tpu.memory_space<vmem>>
        %dma_start3A_70 = arith.constant 0 : i32
        %dma_start3A_71 = arith.constant 0 : i32
        %dma_start3A_72 = tpu.memref_slice %arg4[%arg1, %dma_start3A_70, %dma_start3A_71] : memref<16x120x112xi32, #tpu.memory_space<hbm>> -> memref<1x60x112xi32, #tpu.memory_space<hbm>>
        %dma_start3A_73 = tpu.memref_squeeze %dma_start3A_72 : memref<1x60x112xi32, #tpu.memory_space<hbm>> -> memref<60x112xi32, #tpu.memory_space<hbm>>
        %dma_start3A_74 = arith.constant 0 : i32
        %dma_start3A_75 = arith.constant 0 : i32
        %dma_start3A_76 = tpu.memref_slice %arg11[%dma_start3A_74, %dma_start3A_75] : memref<60x112xi32, #tpu.memory_space<vmem>> -> memref<60x112xi32, #tpu.memory_space<vmem>>
        %dma_start3A_77 = arith.constant 0 : i32
        %dma_start3A_78 = arith.constant 0 : i32
        %dma_start3A_79 = tpu.memref_slice %arg4[%arg1, %dma_start3A_77, %dma_start3A_78] : memref<16x120x112xi32, #tpu.memory_space<hbm>> -> memref<1x60x112xi32, #tpu.memory_space<hbm>>
        %dma_start3A_80 = tpu.memref_squeeze %dma_start3A_79 : memref<1x60x112xi32, #tpu.memory_space<hbm>> -> memref<60x112xi32, #tpu.memory_space<hbm>>
        tpu.enqueue_dma source(%dma_start3A_80 : memref<60x112xi32, #tpu.memory_space<hbm>>) target(%dma_start3A_76 : memref<60x112xi32, #tpu.memory_space<vmem>>) target_semaphore(%run_scoped3A : memref<!tpu.dma_semaphore, #tpu.memory_space<semaphore_mem>>)
        %dma_wait3A = arith.constant 0 : i32
        %dma_wait3A_81 = arith.constant 0 : i32
        %dma_wait3A_82 = tpu.memref_slice %arg11[%dma_wait3A, %dma_wait3A_81] : memref<60x112xi32, #tpu.memory_space<vmem>> -> memref<60x112xi32, #tpu.memory_space<vmem>>
        %dma_wait3A_83 = arith.constant 0 : i32
        %dma_wait3A_84 = arith.constant 0 : i32
        %dma_wait3A_85 = tpu.memref_slice %arg4[%arg1, %dma_wait3A_83, %dma_wait3A_84] : memref<16x120x112xi32, #tpu.memory_space<hbm>> -> memref<1x60x112xi32, #tpu.memory_space<hbm>>
        %dma_wait3A_86 = tpu.memref_squeeze %dma_wait3A_85 : memref<1x60x112xi32, #tpu.memory_space<hbm>> -> memref<60x112xi32, #tpu.memory_space<hbm>>
        %dma_wait3A_87 = arith.constant 0 : i32
        %dma_wait3A_88 = arith.constant 0 : i32
        %dma_wait3A_89 = tpu.memref_slice %arg11[%dma_wait3A_87, %dma_wait3A_88] : memref<60x112xi32, #tpu.memory_space<vmem>> -> memref<60x112xi32, #tpu.memory_space<vmem>>
        %dma_wait3A_90 = arith.constant 0 : i32
        %dma_wait3A_91 = arith.constant 0 : i32
        %dma_wait3A_92 = tpu.memref_slice %arg4[%arg1, %dma_wait3A_90, %dma_wait3A_91] : memref<16x120x112xi32, #tpu.memory_space<hbm>> -> memref<1x60x112xi32, #tpu.memory_space<hbm>>
        %dma_wait3A_93 = tpu.memref_squeeze %dma_wait3A_92 : memref<1x60x112xi32, #tpu.memory_space<hbm>> -> memref<60x112xi32, #tpu.memory_space<hbm>>
        tpu.wait_dma2 semaphore(%run_scoped3A : memref<!tpu.dma_semaphore, #tpu.memory_space<semaphore_mem>>) src(%dma_wait3A_93 : memref<60x112xi32, #tpu.memory_space<hbm>>) dst(%dma_wait3A_89 : memref<60x112xi32, #tpu.memory_space<vmem>>)
        tpu.yield
      }) : () -> ()
      %dma_start3A = arith.constant 0 : i32
      %dma_start3A_31 = arith.constant 0 : i32
      %dma_start3A_32 = tpu.memref_slice %arg10[%dma_start3A, %dma_start3A_31] : memref<60x112xi32, #tpu.memory_space<vmem>> -> memref<1x112xi32, #tpu.memory_space<vmem>>
      %dma_start3A_33 = tpu.memref_squeeze %dma_start3A_32 : memref<1x112xi32, #tpu.memory_space<vmem>> -> memref<112xi32, #tpu.memory_space<vmem>>
      %dma_start3A_34 = arith.constant 0 : i32
      %dma_start3A_35 = arith.constant 0 : i32
      %dma_start3A_36 = tpu.memref_slice %arg2[%dma_start3A_34, %dma_start3A_35] : memref<10000x128xf32, #tpu.memory_space<hbm>> -> memref<10000x128xf32, #tpu.memory_space<hbm>>
      tpu.enqueue_indirect_dma source(%dma_start3A_36 : memref<10000x128xf32, #tpu.memory_space<hbm>>) target(%arg12 : memref<112x128xf32, #tpu.memory_space<vmem>>) offsets(%dma_start3A_33 : memref<112xi32, #tpu.memory_space<vmem>>) semaphore(%arg14 : memref<!tpu.dma_semaphore, #tpu.memory_space<semaphore_mem>>)
      %dma_start3A_37 = arith.constant 1 : i32
      %dma_start3A_38 = arith.constant 0 : i32
      %dma_start3A_39 = tpu.memref_slice %arg10[%dma_start3A_37, %dma_start3A_38] : memref<60x112xi32, #tpu.memory_space<vmem>> -> memref<1x112xi32, #tpu.memory_space<vmem>>
      %dma_start3A_40 = tpu.memref_squeeze %dma_start3A_39 : memref<1x112xi32, #tpu.memory_space<vmem>> -> memref<112xi32, #tpu.memory_space<vmem>>
      %dma_start3A_41 = arith.constant 0 : i32
      %dma_start3A_42 = arith.constant 0 : i32
      %dma_start3A_43 = tpu.memref_slice %arg2[%dma_start3A_41, %dma_start3A_42] : memref<10000x128xf32, #tpu.memory_space<hbm>> -> memref<10000x128xf32, #tpu.memory_space<hbm>>
      tpu.enqueue_indirect_dma source(%dma_start3A_43 : memref<10000x128xf32, #tpu.memory_space<hbm>>) target(%arg13 : memref<112x128xf32, #tpu.memory_space<vmem>>) offsets(%dma_start3A_40 : memref<112xi32, #tpu.memory_space<vmem>>) semaphore(%arg15 : memref<!tpu.dma_semaphore, #tpu.memory_space<semaphore_mem>>)
      %scan3A = arith.constant 0 : i32
      %scan3A_44 = arith.constant 30 : i32
      %scan3A_45 = arith.addi %scan3A, %scan3A_44 : i32
      %scan3A_46 = arith.constant 1 : i32
      scf.for %scan3A_67 = %scan3A to %scan3A_45 step %scan3A_46  : i32 {
        %mul3A_68 = arith.constant 2 : i32
        %mul3A_69 = arith.muli %scan3A_67, %mul3A_68 : i32
        %add3A_70 = arith.constant 0 : i32
        %add3A_71 = arith.addi %add3A_70, %mul3A_69 : i32
        %add3A_72 = arith.constant 0 : i32
        %add3A_73 = arith.addi %add3A_71, %add3A_72 : i32
        %dma_wait3A = arith.constant 0 : i32
        %dma_wait3A_74 = tpu.memref_slice %arg10[%add3A_73, %dma_wait3A] : memref<60x112xi32, #tpu.memory_space<vmem>> -> memref<1x112xi32, #tpu.memory_space<vmem>>
        %dma_wait3A_75 = tpu.memref_squeeze %dma_wait3A_74 : memref<1x112xi32, #tpu.memory_space<vmem>> -> memref<112xi32, #tpu.memory_space<vmem>>
        %dma_wait3A_76 = arith.constant 0 : i32
        %dma_wait3A_77 = arith.constant 0 : i32
        %dma_wait3A_78 = tpu.memref_slice %arg2[%dma_wait3A_76, %dma_wait3A_77] : memref<10000x128xf32, #tpu.memory_space<hbm>> -> memref<10000x128xf32, #tpu.memory_space<hbm>>
        tpu.wait_indirect_dma semaphore(%arg14 : memref<!tpu.dma_semaphore, #tpu.memory_space<semaphore_mem>>) src(%dma_wait3A_78 : memref<10000x128xf32, #tpu.memory_space<hbm>>) dst(%arg12 : memref<112x128xf32, #tpu.memory_space<vmem>>)
        %add3A_79 = arith.constant 0 : i32
        %add3A_80 = arith.addi %add3A_71, %add3A_79 : i32
        "tpu.region"() ({
          %run_scoped3A = tpu.sem_alloc : memref<!tpu.dma_semaphore, #tpu.memory_space<semaphore_mem>>
          %dma_start3A_108 = arith.constant 0 : i32
          %dma_start3A_109 = tpu.memref_slice %arg11[%add3A_80, %dma_start3A_108] : memref<60x112xi32, #tpu.memory_space<vmem>> -> memref<1x112xi32, #tpu.memory_space<vmem>>
          %dma_start3A_110 = tpu.memref_squeeze %dma_start3A_109 : memref<1x112xi32, #tpu.memory_space<vmem>> -> memref<112xi32, #tpu.memory_space<vmem>>
          %dma_start3A_111 = arith.constant 0 : i32
          %dma_start3A_112 = arith.constant 0 : i32
          %dma_start3A_113 = tpu.memref_slice %arg9[%dma_start3A_111, %dma_start3A_112] : memref<10112x128xf32, #tpu.memory_space<vmem_shared>> -> memref<10112x128xf32, #tpu.memory_space<vmem_shared>>
          tpu.enqueue_indirect_dma source(%arg12 : memref<112x128xf32, #tpu.memory_space<vmem>>) target(%dma_start3A_113 : memref<10112x128xf32, #tpu.memory_space<vmem_shared>>) offsets(%dma_start3A_110 : memref<112xi32, #tpu.memory_space<vmem>>) semaphore(%run_scoped3A : memref<!tpu.dma_semaphore, #tpu.memory_space<semaphore_mem>>) {add = true}
          %dma_wait3A_114 = arith.constant 0 : i32
          %dma_wait3A_115 = tpu.memref_slice %arg11[%add3A_80, %dma_wait3A_114] : memref<60x112xi32, #tpu.memory_space<vmem>> -> memref<1x112xi32, #tpu.memory_space<vmem>>
          %dma_wait3A_116 = tpu.memref_squeeze %dma_wait3A_115 : memref<1x112xi32, #tpu.memory_space<vmem>> -> memref<112xi32, #tpu.memory_space<vmem>>
          %dma_wait3A_117 = arith.constant 0 : i32
          %dma_wait3A_118 = arith.constant 0 : i32
          %dma_wait3A_119 = tpu.memref_slice %arg9[%dma_wait3A_117, %dma_wait3A_118] : memref<10112x128xf32, #tpu.memory_space<vmem_shared>> -> memref<10112x128xf32, #tpu.memory_space<vmem_shared>>
          tpu.wait_indirect_dma semaphore(%run_scoped3A : memref<!tpu.dma_semaphore, #tpu.memory_space<semaphore_mem>>) src(%arg12 : memref<112x128xf32, #tpu.memory_space<vmem>>) dst(%dma_wait3A_119 : memref<10112x128xf32, #tpu.memory_space<vmem_shared>>)
          tpu.yield
        }) : () -> ()
        %add3A_81 = arith.constant 0 : i32
        %add3A_82 = arith.addi %add3A_71, %add3A_81 : i32
        %add3A_83 = arith.constant 2 : i32
        %add3A_84 = arith.addi %add3A_82, %add3A_83 : i32
        %lt3A = arith.constant 60 : i32
        %lt3A_85 = arith.cmpi slt, %add3A_84, %lt3A : i32
        %convert_element_type3A_86 = arith.extui %lt3A_85 : i1 to i32
        %cond3A_87 = arith.constant 0 : i32
        %cond3A_88 = arith.cmpi ne, %convert_element_type3A_86, %cond3A_87 : i32
        scf.if %cond3A_88 {
          %add3A_108 = arith.constant 0 : i32
          %add3A_109 = arith.addi %add3A_71, %add3A_108 : i32
          %add3A_110 = arith.constant 2 : i32
          %add3A_111 = arith.addi %add3A_109, %add3A_110 : i32
          %dma_start3A_112 = arith.constant 0 : i32
          %dma_start3A_113 = tpu.memref_slice %arg10[%add3A_111, %dma_start3A_112] : memref<60x112xi32, #tpu.memory_space<vmem>> -> memref<1x112xi32, #tpu.memory_space<vmem>>
          %dma_start3A_114 = tpu.memref_squeeze %dma_start3A_113 : memref<1x112xi32, #tpu.memory_space<vmem>> -> memref<112xi32, #tpu.memory_space<vmem>>
          %dma_start3A_115 = arith.constant 0 : i32
          %dma_start3A_116 = arith.constant 0 : i32
          %dma_start3A_117 = tpu.memref_slice %arg2[%dma_start3A_115, %dma_start3A_116] : memref<10000x128xf32, #tpu.memory_space<hbm>> -> memref<10000x128xf32, #tpu.memory_space<hbm>>
          tpu.enqueue_indirect_dma source(%dma_start3A_117 : memref<10000x128xf32, #tpu.memory_space<hbm>>) target(%arg12 : memref<112x128xf32, #tpu.memory_space<vmem>>) offsets(%dma_start3A_114 : memref<112xi32, #tpu.memory_space<vmem>>) semaphore(%arg14 : memref<!tpu.dma_semaphore, #tpu.memory_space<semaphore_mem>>)
        } else {
        }
        %add3A_89 = arith.constant 1 : i32
        %add3A_90 = arith.addi %add3A_71, %add3A_89 : i32
        %dma_wait3A_91 = arith.constant 0 : i32
        %dma_wait3A_92 = tpu.memref_slice %arg10[%add3A_90, %dma_wait3A_91] : memref<60x112xi32, #tpu.memory_space<vmem>> -> memref<1x112xi32, #tpu.memory_space<vmem>>
        %dma_wait3A_93 = tpu.memref_squeeze %dma_wait3A_92 : memref<1x112xi32, #tpu.memory_space<vmem>> -> memref<112xi32, #tpu.memory_space<vmem>>
        %dma_wait3A_94 = arith.constant 0 : i32
        %dma_wait3A_95 = arith.constant 0 : i32
        %dma_wait3A_96 = tpu.memref_slice %arg2[%dma_wait3A_94, %dma_wait3A_95] : memref<10000x128xf32, #tpu.memory_space<hbm>> -> memref<10000x128xf32, #tpu.memory_space<hbm>>
        tpu.wait_indirect_dma semaphore(%arg15 : memref<!tpu.dma_semaphore, #tpu.memory_space<semaphore_mem>>) src(%dma_wait3A_96 : memref<10000x128xf32, #tpu.memory_space<hbm>>) dst(%arg13 : memref<112x128xf32, #tpu.memory_space<vmem>>)
        %add3A_97 = arith.constant 1 : i32
        %add3A_98 = arith.addi %add3A_71, %add3A_97 : i32
        "tpu.region"() ({
          %run_scoped3A = tpu.sem_alloc : memref<!tpu.dma_semaphore, #tpu.memory_space<semaphore_mem>>
          %dma_start3A_108 = arith.constant 0 : i32
          %dma_start3A_109 = tpu.memref_slice %arg11[%add3A_98, %dma_start3A_108] : memref<60x112xi32, #tpu.memory_space<vmem>> -> memref<1x112xi32, #tpu.memory_space<vmem>>
          %dma_start3A_110 = tpu.memref_squeeze %dma_start3A_109 : memref<1x112xi32, #tpu.memory_space<vmem>> -> memref<112xi32, #tpu.memory_space<vmem>>
          %dma_start3A_111 = arith.constant 0 : i32
          %dma_start3A_112 = arith.constant 0 : i32
          %dma_start3A_113 = tpu.memref_slice %arg9[%dma_start3A_111, %dma_start3A_112] : memref<10112x128xf32, #tpu.memory_space<vmem_shared>> -> memref<10112x128xf32, #tpu.memory_space<vmem_shared>>
          tpu.enqueue_indirect_dma source(%arg13 : memref<112x128xf32, #tpu.memory_space<vmem>>) target(%dma_start3A_113 : memref<10112x128xf32, #tpu.memory_space<vmem_shared>>) offsets(%dma_start3A_110 : memref<112xi32, #tpu.memory_space<vmem>>) semaphore(%run_scoped3A : memref<!tpu.dma_semaphore, #tpu.memory_space<semaphore_mem>>) {add = true}
          %dma_wait3A_114 = arith.constant 0 : i32
          %dma_wait3A_115 = tpu.memref_slice %arg11[%add3A_98, %dma_wait3A_114] : memref<60x112xi32, #tpu.memory_space<vmem>> -> memref<1x112xi32, #tpu.memory_space<vmem>>
          %dma_wait3A_116 = tpu.memref_squeeze %dma_wait3A_115 : memref<1x112xi32, #tpu.memory_space<vmem>> -> memref<112xi32, #tpu.memory_space<vmem>>
          %dma_wait3A_117 = arith.constant 0 : i32
          %dma_wait3A_118 = arith.constant 0 : i32
          %dma_wait3A_119 = tpu.memref_slice %arg9[%dma_wait3A_117, %dma_wait3A_118] : memref<10112x128xf32, #tpu.memory_space<vmem_shared>> -> memref<10112x128xf32, #tpu.memory_space<vmem_shared>>
          tpu.wait_indirect_dma semaphore(%run_scoped3A : memref<!tpu.dma_semaphore, #tpu.memory_space<semaphore_mem>>) src(%arg13 : memref<112x128xf32, #tpu.memory_space<vmem>>) dst(%dma_wait3A_119 : memref<10112x128xf32, #tpu.memory_space<vmem_shared>>)
          tpu.yield
        }) : () -> ()
        %add3A_99 = arith.constant 1 : i32
        %add3A_100 = arith.addi %add3A_71, %add3A_99 : i32
        %add3A_101 = arith.constant 2 : i32
        %add3A_102 = arith.addi %add3A_100, %add3A_101 : i32
        %lt3A_103 = arith.constant 60 : i32
        %lt3A_104 = arith.cmpi slt, %add3A_102, %lt3A_103 : i32
        %convert_element_type3A_105 = arith.extui %lt3A_104 : i1 to i32
        %cond3A_106 = arith.constant 0 : i32
        %cond3A_107 = arith.cmpi ne, %convert_element_type3A_105, %cond3A_106 : i32
        scf.if %cond3A_107 {
          %add3A_108 = arith.constant 1 : i32
          %add3A_109 = arith.addi %add3A_71, %add3A_108 : i32
          %add3A_110 = arith.constant 2 : i32
          %add3A_111 = arith.addi %add3A_109, %add3A_110 : i32
          %dma_start3A_112 = arith.constant 0 : i32
          %dma_start3A_113 = tpu.memref_slice %arg10[%add3A_111, %dma_start3A_112] : memref<60x112xi32, #tpu.memory_space<vmem>> -> memref<1x112xi32, #tpu.memory_space<vmem>>
          %dma_start3A_114 = tpu.memref_squeeze %dma_start3A_113 : memref<1x112xi32, #tpu.memory_space<vmem>> -> memref<112xi32, #tpu.memory_space<vmem>>
          %dma_start3A_115 = arith.constant 0 : i32
          %dma_start3A_116 = arith.constant 0 : i32
          %dma_start3A_117 = tpu.memref_slice %arg2[%dma_start3A_115, %dma_start3A_116] : memref<10000x128xf32, #tpu.memory_space<hbm>> -> memref<10000x128xf32, #tpu.memory_space<hbm>>
          tpu.enqueue_indirect_dma source(%dma_start3A_117 : memref<10000x128xf32, #tpu.memory_space<hbm>>) target(%arg13 : memref<112x128xf32, #tpu.memory_space<vmem>>) offsets(%dma_start3A_114 : memref<112xi32, #tpu.memory_space<vmem>>) semaphore(%arg15 : memref<!tpu.dma_semaphore, #tpu.memory_space<semaphore_mem>>)
        } else {
        }
      }
      %scan3A_47 = arith.constant 30 : i32
      "tpu.region"() ({
        %run_scoped3A = tpu.sem_alloc : memref<!tpu.dma_semaphore, #tpu.memory_space<semaphore_mem>>
        %dma_start3A_67 = arith.constant 0 : i32
        %dma_start3A_68 = arith.constant 0 : i32
        %dma_start3A_69 = tpu.memref_slice %arg10[%dma_start3A_67, %dma_start3A_68] : memref<60x112xi32, #tpu.memory_space<vmem>> -> memref<60x112xi32, #tpu.memory_space<vmem>>
        %dma_start3A_70 = arith.constant 60 : i32
        %dma_start3A_71 = arith.constant 0 : i32
        %dma_start3A_72 = tpu.memref_slice %arg3[%arg1, %dma_start3A_70, %dma_start3A_71] : memref<16x120x112xi32, #tpu.memory_space<hbm>> -> memref<1x60x112xi32, #tpu.memory_space<hbm>>
        %dma_start3A_73 = tpu.memref_squeeze %dma_start3A_72 : memref<1x60x112xi32, #tpu.memory_space<hbm>> -> memref<60x112xi32, #tpu.memory_space<hbm>>
        %dma_start3A_74 = arith.constant 0 : i32
        %dma_start3A_75 = arith.constant 0 : i32
        %dma_start3A_76 = tpu.memref_slice %arg10[%dma_start3A_74, %dma_start3A_75] : memref<60x112xi32, #tpu.memory_space<vmem>> -> memref<60x112xi32, #tpu.memory_space<vmem>>
        %dma_start3A_77 = arith.constant 60 : i32
        %dma_start3A_78 = arith.constant 0 : i32
        %dma_start3A_79 = tpu.memref_slice %arg3[%arg1, %dma_start3A_77, %dma_start3A_78] : memref<16x120x112xi32, #tpu.memory_space<hbm>> -> memref<1x60x112xi32, #tpu.memory_space<hbm>>
        %dma_start3A_80 = tpu.memref_squeeze %dma_start3A_79 : memref<1x60x112xi32, #tpu.memory_space<hbm>> -> memref<60x112xi32, #tpu.memory_space<hbm>>
        tpu.enqueue_dma source(%dma_start3A_80 : memref<60x112xi32, #tpu.memory_space<hbm>>) target(%dma_start3A_76 : memref<60x112xi32, #tpu.memory_space<vmem>>) target_semaphore(%run_scoped3A : memref<!tpu.dma_semaphore, #tpu.memory_space<semaphore_mem>>)
        %dma_wait3A = arith.constant 0 : i32
        %dma_wait3A_81 = arith.constant 0 : i32
        %dma_wait3A_82 = tpu.memref_slice %arg10[%dma_wait3A, %dma_wait3A_81] : memref<60x112xi32, #tpu.memory_space<vmem>> -> memref<60x112xi32, #tpu.memory_space<vmem>>
        %dma_wait3A_83 = arith.constant 60 : i32
        %dma_wait3A_84 = arith.constant 0 : i32
        %dma_wait3A_85 = tpu.memref_slice %arg3[%arg1, %dma_wait3A_83, %dma_wait3A_84] : memref<16x120x112xi32, #tpu.memory_space<hbm>> -> memref<1x60x112xi32, #tpu.memory_space<hbm>>
        %dma_wait3A_86 = tpu.memref_squeeze %dma_wait3A_85 : memref<1x60x112xi32, #tpu.memory_space<hbm>> -> memref<60x112xi32, #tpu.memory_space<hbm>>
        %dma_wait3A_87 = arith.constant 0 : i32
        %dma_wait3A_88 = arith.constant 0 : i32
        %dma_wait3A_89 = tpu.memref_slice %arg10[%dma_wait3A_87, %dma_wait3A_88] : memref<60x112xi32, #tpu.memory_space<vmem>> -> memref<60x112xi32, #tpu.memory_space<vmem>>
        %dma_wait3A_90 = arith.constant 60 : i32
        %dma_wait3A_91 = arith.constant 0 : i32
        %dma_wait3A_92 = tpu.memref_slice %arg3[%arg1, %dma_wait3A_90, %dma_wait3A_91] : memref<16x120x112xi32, #tpu.memory_space<hbm>> -> memref<1x60x112xi32, #tpu.memory_space<hbm>>
        %dma_wait3A_93 = tpu.memref_squeeze %dma_wait3A_92 : memref<1x60x112xi32, #tpu.memory_space<hbm>> -> memref<60x112xi32, #tpu.memory_space<hbm>>
        tpu.wait_dma2 semaphore(%run_scoped3A : memref<!tpu.dma_semaphore, #tpu.memory_space<semaphore_mem>>) src(%dma_wait3A_93 : memref<60x112xi32, #tpu.memory_space<hbm>>) dst(%dma_wait3A_89 : memref<60x112xi32, #tpu.memory_space<vmem>>)
        tpu.yield
      }) : () -> ()
      "tpu.region"() ({
        %run_scoped3A = tpu.sem_alloc : memref<!tpu.dma_semaphore, #tpu.memory_space<semaphore_mem>>
        %dma_start3A_67 = arith.constant 0 : i32
        %dma_start3A_68 = arith.constant 0 : i32
        %dma_start3A_69 = tpu.memref_slice %arg11[%dma_start3A_67, %dma_start3A_68] : memref<60x112xi32, #tpu.memory_space<vmem>> -> memref<60x112xi32, #tpu.memory_space<vmem>>
        %dma_start3A_70 = arith.constant 60 : i32
        %dma_start3A_71 = arith.constant 0 : i32
        %dma_start3A_72 = tpu.memref_slice %arg4[%arg1, %dma_start3A_70, %dma_start3A_71] : memref<16x120x112xi32, #tpu.memory_space<hbm>> -> memref<1x60x112xi32, #tpu.memory_space<hbm>>
        %dma_start3A_73 = tpu.memref_squeeze %dma_start3A_72 : memref<1x60x112xi32, #tpu.memory_space<hbm>> -> memref<60x112xi32, #tpu.memory_space<hbm>>
        %dma_start3A_74 = arith.constant 0 : i32
        %dma_start3A_75 = arith.constant 0 : i32
        %dma_start3A_76 = tpu.memref_slice %arg11[%dma_start3A_74, %dma_start3A_75] : memref<60x112xi32, #tpu.memory_space<vmem>> -> memref<60x112xi32, #tpu.memory_space<vmem>>
        %dma_start3A_77 = arith.constant 60 : i32
        %dma_start3A_78 = arith.constant 0 : i32
        %dma_start3A_79 = tpu.memref_slice %arg4[%arg1, %dma_start3A_77, %dma_start3A_78] : memref<16x120x112xi32, #tpu.memory_space<hbm>> -> memref<1x60x112xi32, #tpu.memory_space<hbm>>
        %dma_start3A_80 = tpu.memref_squeeze %dma_start3A_79 : memref<1x60x112xi32, #tpu.memory_space<hbm>> -> memref<60x112xi32, #tpu.memory_space<hbm>>
        tpu.enqueue_dma source(%dma_start3A_80 : memref<60x112xi32, #tpu.memory_space<hbm>>) target(%dma_start3A_76 : memref<60x112xi32, #tpu.memory_space<vmem>>) target_semaphore(%run_scoped3A : memref<!tpu.dma_semaphore, #tpu.memory_space<semaphore_mem>>)
        %dma_wait3A = arith.constant 0 : i32
        %dma_wait3A_81 = arith.constant 0 : i32
        %dma_wait3A_82 = tpu.memref_slice %arg11[%dma_wait3A, %dma_wait3A_81] : memref<60x112xi32, #tpu.memory_space<vmem>> -> memref<60x112xi32, #tpu.memory_space<vmem>>
        %dma_wait3A_83 = arith.constant 60 : i32
        %dma_wait3A_84 = arith.constant 0 : i32
        %dma_wait3A_85 = tpu.memref_slice %arg4[%arg1, %dma_wait3A_83, %dma_wait3A_84] : memref<16x120x112xi32, #tpu.memory_space<hbm>> -> memref<1x60x112xi32, #tpu.memory_space<hbm>>
        %dma_wait3A_86 = tpu.memref_squeeze %dma_wait3A_85 : memref<1x60x112xi32, #tpu.memory_space<hbm>> -> memref<60x112xi32, #tpu.memory_space<hbm>>
        %dma_wait3A_87 = arith.constant 0 : i32
        %dma_wait3A_88 = arith.constant 0 : i32
        %dma_wait3A_89 = tpu.memref_slice %arg11[%dma_wait3A_87, %dma_wait3A_88] : memref<60x112xi32, #tpu.memory_space<vmem>> -> memref<60x112xi32, #tpu.memory_space<vmem>>
        %dma_wait3A_90 = arith.constant 60 : i32
        %dma_wait3A_91 = arith.constant 0 : i32
        %dma_wait3A_92 = tpu.memref_slice %arg4[%arg1, %dma_wait3A_90, %dma_wait3A_91] : memref<16x120x112xi32, #tpu.memory_space<hbm>> -> memref<1x60x112xi32, #tpu.memory_space<hbm>>
        %dma_wait3A_93 = tpu.memref_squeeze %dma_wait3A_92 : memref<1x60x112xi32, #tpu.memory_space<hbm>> -> memref<60x112xi32, #tpu.memory_space<hbm>>
        tpu.wait_dma2 semaphore(%run_scoped3A : memref<!tpu.dma_semaphore, #tpu.memory_space<semaphore_mem>>) src(%dma_wait3A_93 : memref<60x112xi32, #tpu.memory_space<hbm>>) dst(%dma_wait3A_89 : memref<60x112xi32, #tpu.memory_space<vmem>>)
        tpu.yield
      }) : () -> ()
      %dma_start3A_48 = arith.constant 0 : i32
      %dma_start3A_49 = arith.constant 0 : i32
      %dma_start3A_50 = tpu.memref_slice %arg10[%dma_start3A_48, %dma_start3A_49] : memref<60x112xi32, #tpu.memory_space<vmem>> -> memref<1x112xi32, #tpu.memory_space<vmem>>
      %dma_start3A_51 = tpu.memref_squeeze %dma_start3A_50 : memref<1x112xi32, #tpu.memory_space<vmem>> -> memref<112xi32, #tpu.memory_space<vmem>>
      %dma_start3A_52 = arith.constant 0 : i32
      %dma_start3A_53 = arith.constant 0 : i32
      %dma_start3A_54 = tpu.memref_slice %arg2[%dma_start3A_52, %dma_start3A_53] : memref<10000x128xf32, #tpu.memory_space<hbm>> -> memref<10000x128xf32, #tpu.memory_space<hbm>>
      tpu.enqueue_indirect_dma source(%dma_start3A_54 : memref<10000x128xf32, #tpu.memory_space<hbm>>) target(%arg12 : memref<112x128xf32, #tpu.memory_space<vmem>>) offsets(%dma_start3A_51 : memref<112xi32, #tpu.memory_space<vmem>>) semaphore(%arg14 : memref<!tpu.dma_semaphore, #tpu.memory_space<semaphore_mem>>)
      %dma_start3A_55 = arith.constant 1 : i32
      %dma_start3A_56 = arith.constant 0 : i32
      %dma_start3A_57 = tpu.memref_slice %arg10[%dma_start3A_55, %dma_start3A_56] : memref<60x112xi32, #tpu.memory_space<vmem>> -> memref<1x112xi32, #tpu.memory_space<vmem>>
      %dma_start3A_58 = tpu.memref_squeeze %dma_start3A_57 : memref<1x112xi32, #tpu.memory_space<vmem>> -> memref<112xi32, #tpu.memory_space<vmem>>
      %dma_start3A_59 = arith.constant 0 : i32
      %dma_start3A_60 = arith.constant 0 : i32
      %dma_start3A_61 = tpu.memref_slice %arg2[%dma_start3A_59, %dma_start3A_60] : memref<10000x128xf32, #tpu.memory_space<hbm>> -> memref<10000x128xf32, #tpu.memory_space<hbm>>
      tpu.enqueue_indirect_dma source(%dma_start3A_61 : memref<10000x128xf32, #tpu.memory_space<hbm>>) target(%arg13 : memref<112x128xf32, #tpu.memory_space<vmem>>) offsets(%dma_start3A_58 : memref<112xi32, #tpu.memory_space<vmem>>) semaphore(%arg15 : memref<!tpu.dma_semaphore, #tpu.memory_space<semaphore_mem>>)
      %scan3A_62 = arith.constant 0 : i32
      %scan3A_63 = arith.constant 30 : i32
      %scan3A_64 = arith.addi %scan3A_62, %scan3A_63 : i32
      %scan3A_65 = arith.constant 1 : i32
      scf.for %scan3A_67 = %scan3A_62 to %scan3A_64 step %scan3A_65  : i32 {
        %mul3A_68 = arith.constant 2 : i32
        %mul3A_69 = arith.muli %scan3A_67, %mul3A_68 : i32
        %add3A_70 = arith.constant 0 : i32
        %add3A_71 = arith.addi %add3A_70, %mul3A_69 : i32
        %add3A_72 = arith.constant 0 : i32
        %add3A_73 = arith.addi %add3A_71, %add3A_72 : i32
        %dma_wait3A = arith.constant 0 : i32
        %dma_wait3A_74 = tpu.memref_slice %arg10[%add3A_73, %dma_wait3A] : memref<60x112xi32, #tpu.memory_space<vmem>> -> memref<1x112xi32, #tpu.memory_space<vmem>>
        %dma_wait3A_75 = tpu.memref_squeeze %dma_wait3A_74 : memref<1x112xi32, #tpu.memory_space<vmem>> -> memref<112xi32, #tpu.memory_space<vmem>>
        %dma_wait3A_76 = arith.constant 0 : i32
        %dma_wait3A_77 = arith.constant 0 : i32
        %dma_wait3A_78 = tpu.memref_slice %arg2[%dma_wait3A_76, %dma_wait3A_77] : memref<10000x128xf32, #tpu.memory_space<hbm>> -> memref<10000x128xf32, #tpu.memory_space<hbm>>
        tpu.wait_indirect_dma semaphore(%arg14 : memref<!tpu.dma_semaphore, #tpu.memory_space<semaphore_mem>>) src(%dma_wait3A_78 : memref<10000x128xf32, #tpu.memory_space<hbm>>) dst(%arg12 : memref<112x128xf32, #tpu.memory_space<vmem>>)
        %add3A_79 = arith.constant 0 : i32
        %add3A_80 = arith.addi %add3A_71, %add3A_79 : i32
        "tpu.region"() ({
          %run_scoped3A = tpu.sem_alloc : memref<!tpu.dma_semaphore, #tpu.memory_space<semaphore_mem>>
          %dma_start3A_108 = arith.constant 0 : i32
          %dma_start3A_109 = tpu.memref_slice %arg11[%add3A_80, %dma_start3A_108] : memref<60x112xi32, #tpu.memory_space<vmem>> -> memref<1x112xi32, #tpu.memory_space<vmem>>
          %dma_start3A_110 = tpu.memref_squeeze %dma_start3A_109 : memref<1x112xi32, #tpu.memory_space<vmem>> -> memref<112xi32, #tpu.memory_space<vmem>>
          %dma_start3A_111 = arith.constant 0 : i32
          %dma_start3A_112 = arith.constant 0 : i32
          %dma_start3A_113 = tpu.memref_slice %arg9[%dma_start3A_111, %dma_start3A_112] : memref<10112x128xf32, #tpu.memory_space<vmem_shared>> -> memref<10112x128xf32, #tpu.memory_space<vmem_shared>>
          tpu.enqueue_indirect_dma source(%arg12 : memref<112x128xf32, #tpu.memory_space<vmem>>) target(%dma_start3A_113 : memref<10112x128xf32, #tpu.memory_space<vmem_shared>>) offsets(%dma_start3A_110 : memref<112xi32, #tpu.memory_space<vmem>>) semaphore(%run_scoped3A : memref<!tpu.dma_semaphore, #tpu.memory_space<semaphore_mem>>) {add = true}
          %dma_wait3A_114 = arith.constant 0 : i32
          %dma_wait3A_115 = tpu.memref_slice %arg11[%add3A_80, %dma_wait3A_114] : memref<60x112xi32, #tpu.memory_space<vmem>> -> memref<1x112xi32, #tpu.memory_space<vmem>>
          %dma_wait3A_116 = tpu.memref_squeeze %dma_wait3A_115 : memref<1x112xi32, #tpu.memory_space<vmem>> -> memref<112xi32, #tpu.memory_space<vmem>>
          %dma_wait3A_117 = arith.constant 0 : i32
          %dma_wait3A_118 = arith.constant 0 : i32
          %dma_wait3A_119 = tpu.memref_slice %arg9[%dma_wait3A_117, %dma_wait3A_118] : memref<10112x128xf32, #tpu.memory_space<vmem_shared>> -> memref<10112x128xf32, #tpu.memory_space<vmem_shared>>
          tpu.wait_indirect_dma semaphore(%run_scoped3A : memref<!tpu.dma_semaphore, #tpu.memory_space<semaphore_mem>>) src(%arg12 : memref<112x128xf32, #tpu.memory_space<vmem>>) dst(%dma_wait3A_119 : memref<10112x128xf32, #tpu.memory_space<vmem_shared>>)
          tpu.yield
        }) : () -> ()
        %add3A_81 = arith.constant 0 : i32
        %add3A_82 = arith.addi %add3A_71, %add3A_81 : i32
        %add3A_83 = arith.constant 2 : i32
        %add3A_84 = arith.addi %add3A_82, %add3A_83 : i32
        %lt3A = arith.constant 60 : i32
        %lt3A_85 = arith.cmpi slt, %add3A_84, %lt3A : i32
        %convert_element_type3A_86 = arith.extui %lt3A_85 : i1 to i32
        %cond3A_87 = arith.constant 0 : i32
        %cond3A_88 = arith.cmpi ne, %convert_element_type3A_86, %cond3A_87 : i32
        scf.if %cond3A_88 {
          %add3A_108 = arith.constant 0 : i32
          %add3A_109 = arith.addi %add3A_71, %add3A_108 : i32
          %add3A_110 = arith.constant 2 : i32
          %add3A_111 = arith.addi %add3A_109, %add3A_110 : i32
          %dma_start3A_112 = arith.constant 0 : i32
          %dma_start3A_113 = tpu.memref_slice %arg10[%add3A_111, %dma_start3A_112] : memref<60x112xi32, #tpu.memory_space<vmem>> -> memref<1x112xi32, #tpu.memory_space<vmem>>
          %dma_start3A_114 = tpu.memref_squeeze %dma_start3A_113 : memref<1x112xi32, #tpu.memory_space<vmem>> -> memref<112xi32, #tpu.memory_space<vmem>>
          %dma_start3A_115 = arith.constant 0 : i32
          %dma_start3A_116 = arith.constant 0 : i32
          %dma_start3A_117 = tpu.memref_slice %arg2[%dma_start3A_115, %dma_start3A_116] : memref<10000x128xf32, #tpu.memory_space<hbm>> -> memref<10000x128xf32, #tpu.memory_space<hbm>>
          tpu.enqueue_indirect_dma source(%dma_start3A_117 : memref<10000x128xf32, #tpu.memory_space<hbm>>) target(%arg12 : memref<112x128xf32, #tpu.memory_space<vmem>>) offsets(%dma_start3A_114 : memref<112xi32, #tpu.memory_space<vmem>>) semaphore(%arg14 : memref<!tpu.dma_semaphore, #tpu.memory_space<semaphore_mem>>)
        } else {
        }
        %add3A_89 = arith.constant 1 : i32
        %add3A_90 = arith.addi %add3A_71, %add3A_89 : i32
        %dma_wait3A_91 = arith.constant 0 : i32
        %dma_wait3A_92 = tpu.memref_slice %arg10[%add3A_90, %dma_wait3A_91] : memref<60x112xi32, #tpu.memory_space<vmem>> -> memref<1x112xi32, #tpu.memory_space<vmem>>
        %dma_wait3A_93 = tpu.memref_squeeze %dma_wait3A_92 : memref<1x112xi32, #tpu.memory_space<vmem>> -> memref<112xi32, #tpu.memory_space<vmem>>
        %dma_wait3A_94 = arith.constant 0 : i32
        %dma_wait3A_95 = arith.constant 0 : i32
        %dma_wait3A_96 = tpu.memref_slice %arg2[%dma_wait3A_94, %dma_wait3A_95] : memref<10000x128xf32, #tpu.memory_space<hbm>> -> memref<10000x128xf32, #tpu.memory_space<hbm>>
        tpu.wait_indirect_dma semaphore(%arg15 : memref<!tpu.dma_semaphore, #tpu.memory_space<semaphore_mem>>) src(%dma_wait3A_96 : memref<10000x128xf32, #tpu.memory_space<hbm>>) dst(%arg13 : memref<112x128xf32, #tpu.memory_space<vmem>>)
        %add3A_97 = arith.constant 1 : i32
        %add3A_98 = arith.addi %add3A_71, %add3A_97 : i32
        "tpu.region"() ({
          %run_scoped3A = tpu.sem_alloc : memref<!tpu.dma_semaphore, #tpu.memory_space<semaphore_mem>>
          %dma_start3A_108 = arith.constant 0 : i32
          %dma_start3A_109 = tpu.memref_slice %arg11[%add3A_98, %dma_start3A_108] : memref<60x112xi32, #tpu.memory_space<vmem>> -> memref<1x112xi32, #tpu.memory_space<vmem>>
          %dma_start3A_110 = tpu.memref_squeeze %dma_start3A_109 : memref<1x112xi32, #tpu.memory_space<vmem>> -> memref<112xi32, #tpu.memory_space<vmem>>
          %dma_start3A_111 = arith.constant 0 : i32
          %dma_start3A_112 = arith.constant 0 : i32
          %dma_start3A_113 = tpu.memref_slice %arg9[%dma_start3A_111, %dma_start3A_112] : memref<10112x128xf32, #tpu.memory_space<vmem_shared>> -> memref<10112x128xf32, #tpu.memory_space<vmem_shared>>
          tpu.enqueue_indirect_dma source(%arg13 : memref<112x128xf32, #tpu.memory_space<vmem>>) target(%dma_start3A_113 : memref<10112x128xf32, #tpu.memory_space<vmem_shared>>) offsets(%dma_start3A_110 : memref<112xi32, #tpu.memory_space<vmem>>) semaphore(%run_scoped3A : memref<!tpu.dma_semaphore, #tpu.memory_space<semaphore_mem>>) {add = true}
          %dma_wait3A_114 = arith.constant 0 : i32
          %dma_wait3A_115 = tpu.memref_slice %arg11[%add3A_98, %dma_wait3A_114] : memref<60x112xi32, #tpu.memory_space<vmem>> -> memref<1x112xi32, #tpu.memory_space<vmem>>
          %dma_wait3A_116 = tpu.memref_squeeze %dma_wait3A_115 : memref<1x112xi32, #tpu.memory_space<vmem>> -> memref<112xi32, #tpu.memory_space<vmem>>
          %dma_wait3A_117 = arith.constant 0 : i32
          %dma_wait3A_118 = arith.constant 0 : i32
          %dma_wait3A_119 = tpu.memref_slice %arg9[%dma_wait3A_117, %dma_wait3A_118] : memref<10112x128xf32, #tpu.memory_space<vmem_shared>> -> memref<10112x128xf32, #tpu.memory_space<vmem_shared>>
          tpu.wait_indirect_dma semaphore(%run_scoped3A : memref<!tpu.dma_semaphore, #tpu.memory_space<semaphore_mem>>) src(%arg13 : memref<112x128xf32, #tpu.memory_space<vmem>>) dst(%dma_wait3A_119 : memref<10112x128xf32, #tpu.memory_space<vmem_shared>>)
          tpu.yield
        }) : () -> ()
        %add3A_99 = arith.constant 1 : i32
        %add3A_100 = arith.addi %add3A_71, %add3A_99 : i32
        %add3A_101 = arith.constant 2 : i32
        %add3A_102 = arith.addi %add3A_100, %add3A_101 : i32
        %lt3A_103 = arith.constant 60 : i32
        %lt3A_104 = arith.cmpi slt, %add3A_102, %lt3A_103 : i32
        %convert_element_type3A_105 = arith.extui %lt3A_104 : i1 to i32
        %cond3A_106 = arith.constant 0 : i32
        %cond3A_107 = arith.cmpi ne, %convert_element_type3A_105, %cond3A_106 : i32
        scf.if %cond3A_107 {
          %add3A_108 = arith.constant 1 : i32
          %add3A_109 = arith.addi %add3A_71, %add3A_108 : i32
          %add3A_110 = arith.constant 2 : i32
          %add3A_111 = arith.addi %add3A_109, %add3A_110 : i32
          %dma_start3A_112 = arith.constant 0 : i32
          %dma_start3A_113 = tpu.memref_slice %arg10[%add3A_111, %dma_start3A_112] : memref<60x112xi32, #tpu.memory_space<vmem>> -> memref<1x112xi32, #tpu.memory_space<vmem>>
          %dma_start3A_114 = tpu.memref_squeeze %dma_start3A_113 : memref<1x112xi32, #tpu.memory_space<vmem>> -> memref<112xi32, #tpu.memory_space<vmem>>
          %dma_start3A_115 = arith.constant 0 : i32
          %dma_start3A_116 = arith.constant 0 : i32
          %dma_start3A_117 = tpu.memref_slice %arg2[%dma_start3A_115, %dma_start3A_116] : memref<10000x128xf32, #tpu.memory_space<hbm>> -> memref<10000x128xf32, #tpu.memory_space<hbm>>
          tpu.enqueue_indirect_dma source(%dma_start3A_117 : memref<10000x128xf32, #tpu.memory_space<hbm>>) target(%arg13 : memref<112x128xf32, #tpu.memory_space<vmem>>) offsets(%dma_start3A_114 : memref<112xi32, #tpu.memory_space<vmem>>) semaphore(%arg15 : memref<!tpu.dma_semaphore, #tpu.memory_space<semaphore_mem>>)
        } else {
        }
      }
      %scan3A_66 = arith.constant 30 : i32
    } else {
    }
    %ne3A = arith.constant 1 : i32
    %ne3A_24 = arith.cmpi ne, %arg0, %ne3A : i32
    %convert_element_type3A_25 = arith.extui %ne3A_24 : i1 to i32
    %cond3A_26 = arith.constant 0 : i32
    %cond3A_27 = arith.cmpi ne, %convert_element_type3A_25, %cond3A_26 : i32
    scf.if %cond3A_27 {
      "tpu.region"() ({
        %run_scoped3A = tpu.sem_alloc : memref<!tpu.dma_semaphore, #tpu.memory_space<semaphore_mem>>
        %dma_start3A_48 = arith.constant 0 : i32
        %dma_start3A_49 = arith.constant 0 : i32
        %dma_start3A_50 = tpu.memref_slice %arg10[%dma_start3A_48, %dma_start3A_49] : memref<60x112xi32, #tpu.memory_space<vmem>> -> memref<60x112xi32, #tpu.memory_space<vmem>>
        %dma_start3A_51 = arith.constant 0 : i32
        %dma_start3A_52 = arith.constant 0 : i32
        %dma_start3A_53 = tpu.memref_slice %arg5[%arg1, %dma_start3A_51, %dma_start3A_52] : memref<16x60x112xi32, #tpu.memory_space<hbm>> -> memref<1x60x112xi32, #tpu.memory_space<hbm>>
        %dma_start3A_54 = tpu.memref_squeeze %dma_start3A_53 : memref<1x60x112xi32, #tpu.memory_space<hbm>> -> memref<60x112xi32, #tpu.memory_space<hbm>>
        %dma_start3A_55 = arith.constant 0 : i32
        %dma_start3A_56 = arith.constant 0 : i32
        %dma_start3A_57 = tpu.memref_slice %arg10[%dma_start3A_55, %dma_start3A_56] : memref<60x112xi32, #tpu.memory_space<vmem>> -> memref<60x112xi32, #tpu.memory_space<vmem>>
        %dma_start3A_58 = arith.constant 0 : i32
        %dma_start3A_59 = arith.constant 0 : i32
        %dma_start3A_60 = tpu.memref_slice %arg5[%arg1, %dma_start3A_58, %dma_start3A_59] : memref<16x60x112xi32, #tpu.memory_space<hbm>> -> memref<1x60x112xi32, #tpu.memory_space<hbm>>
        %dma_start3A_61 = tpu.memref_squeeze %dma_start3A_60 : memref<1x60x112xi32, #tpu.memory_space<hbm>> -> memref<60x112xi32, #tpu.memory_space<hbm>>
        tpu.enqueue_dma source(%dma_start3A_61 : memref<60x112xi32, #tpu.memory_space<hbm>>) target(%dma_start3A_57 : memref<60x112xi32, #tpu.memory_space<vmem>>) target_semaphore(%run_scoped3A : memref<!tpu.dma_semaphore, #tpu.memory_space<semaphore_mem>>)
        %dma_wait3A = arith.constant 0 : i32
        %dma_wait3A_62 = arith.constant 0 : i32
        %dma_wait3A_63 = tpu.memref_slice %arg10[%dma_wait3A, %dma_wait3A_62] : memref<60x112xi32, #tpu.memory_space<vmem>> -> memref<60x112xi32, #tpu.memory_space<vmem>>
        %dma_wait3A_64 = arith.constant 0 : i32
        %dma_wait3A_65 = arith.constant 0 : i32
        %dma_wait3A_66 = tpu.memref_slice %arg5[%arg1, %dma_wait3A_64, %dma_wait3A_65] : memref<16x60x112xi32, #tpu.memory_space<hbm>> -> memref<1x60x112xi32, #tpu.memory_space<hbm>>
        %dma_wait3A_67 = tpu.memref_squeeze %dma_wait3A_66 : memref<1x60x112xi32, #tpu.memory_space<hbm>> -> memref<60x112xi32, #tpu.memory_space<hbm>>
        %dma_wait3A_68 = arith.constant 0 : i32
        %dma_wait3A_69 = arith.constant 0 : i32
        %dma_wait3A_70 = tpu.memref_slice %arg10[%dma_wait3A_68, %dma_wait3A_69] : memref<60x112xi32, #tpu.memory_space<vmem>> -> memref<60x112xi32, #tpu.memory_space<vmem>>
        %dma_wait3A_71 = arith.constant 0 : i32
        %dma_wait3A_72 = arith.constant 0 : i32
        %dma_wait3A_73 = tpu.memref_slice %arg5[%arg1, %dma_wait3A_71, %dma_wait3A_72] : memref<16x60x112xi32, #tpu.memory_space<hbm>> -> memref<1x60x112xi32, #tpu.memory_space<hbm>>
        %dma_wait3A_74 = tpu.memref_squeeze %dma_wait3A_73 : memref<1x60x112xi32, #tpu.memory_space<hbm>> -> memref<60x112xi32, #tpu.memory_space<hbm>>
        tpu.wait_dma2 semaphore(%run_scoped3A : memref<!tpu.dma_semaphore, #tpu.memory_space<semaphore_mem>>) src(%dma_wait3A_74 : memref<60x112xi32, #tpu.memory_space<hbm>>) dst(%dma_wait3A_70 : memref<60x112xi32, #tpu.memory_space<vmem>>)
        tpu.yield
      }) : () -> ()
      "tpu.region"() ({
        %run_scoped3A = tpu.sem_alloc : memref<!tpu.dma_semaphore, #tpu.memory_space<semaphore_mem>>
        %dma_start3A_48 = arith.constant 0 : i32
        %dma_start3A_49 = arith.constant 0 : i32
        %dma_start3A_50 = tpu.memref_slice %arg11[%dma_start3A_48, %dma_start3A_49] : memref<60x112xi32, #tpu.memory_space<vmem>> -> memref<60x112xi32, #tpu.memory_space<vmem>>
        %dma_start3A_51 = arith.constant 0 : i32
        %dma_start3A_52 = arith.constant 0 : i32
        %dma_start3A_53 = tpu.memref_slice %arg6[%arg1, %dma_start3A_51, %dma_start3A_52] : memref<16x60x112xi32, #tpu.memory_space<hbm>> -> memref<1x60x112xi32, #tpu.memory_space<hbm>>
        %dma_start3A_54 = tpu.memref_squeeze %dma_start3A_53 : memref<1x60x112xi32, #tpu.memory_space<hbm>> -> memref<60x112xi32, #tpu.memory_space<hbm>>
        %dma_start3A_55 = arith.constant 0 : i32
        %dma_start3A_56 = arith.constant 0 : i32
        %dma_start3A_57 = tpu.memref_slice %arg11[%dma_start3A_55, %dma_start3A_56] : memref<60x112xi32, #tpu.memory_space<vmem>> -> memref<60x112xi32, #tpu.memory_space<vmem>>
        %dma_start3A_58 = arith.constant 0 : i32
        %dma_start3A_59 = arith.constant 0 : i32
        %dma_start3A_60 = tpu.memref_slice %arg6[%arg1, %dma_start3A_58, %dma_start3A_59] : memref<16x60x112xi32, #tpu.memory_space<hbm>> -> memref<1x60x112xi32, #tpu.memory_space<hbm>>
        %dma_start3A_61 = tpu.memref_squeeze %dma_start3A_60 : memref<1x60x112xi32, #tpu.memory_space<hbm>> -> memref<60x112xi32, #tpu.memory_space<hbm>>
        tpu.enqueue_dma source(%dma_start3A_61 : memref<60x112xi32, #tpu.memory_space<hbm>>) target(%dma_start3A_57 : memref<60x112xi32, #tpu.memory_space<vmem>>) target_semaphore(%run_scoped3A : memref<!tpu.dma_semaphore, #tpu.memory_space<semaphore_mem>>)
        %dma_wait3A = arith.constant 0 : i32
        %dma_wait3A_62 = arith.constant 0 : i32
        %dma_wait3A_63 = tpu.memref_slice %arg11[%dma_wait3A, %dma_wait3A_62] : memref<60x112xi32, #tpu.memory_space<vmem>> -> memref<60x112xi32, #tpu.memory_space<vmem>>
        %dma_wait3A_64 = arith.constant 0 : i32
        %dma_wait3A_65 = arith.constant 0 : i32
        %dma_wait3A_66 = tpu.memref_slice %arg6[%arg1, %dma_wait3A_64, %dma_wait3A_65] : memref<16x60x112xi32, #tpu.memory_space<hbm>> -> memref<1x60x112xi32, #tpu.memory_space<hbm>>
        %dma_wait3A_67 = tpu.memref_squeeze %dma_wait3A_66 : memref<1x60x112xi32, #tpu.memory_space<hbm>> -> memref<60x112xi32, #tpu.memory_space<hbm>>
        %dma_wait3A_68 = arith.constant 0 : i32
        %dma_wait3A_69 = arith.constant 0 : i32
        %dma_wait3A_70 = tpu.memref_slice %arg11[%dma_wait3A_68, %dma_wait3A_69] : memref<60x112xi32, #tpu.memory_space<vmem>> -> memref<60x112xi32, #tpu.memory_space<vmem>>
        %dma_wait3A_71 = arith.constant 0 : i32
        %dma_wait3A_72 = arith.constant 0 : i32
        %dma_wait3A_73 = tpu.memref_slice %arg6[%arg1, %dma_wait3A_71, %dma_wait3A_72] : memref<16x60x112xi32, #tpu.memory_space<hbm>> -> memref<1x60x112xi32, #tpu.memory_space<hbm>>
        %dma_wait3A_74 = tpu.memref_squeeze %dma_wait3A_73 : memref<1x60x112xi32, #tpu.memory_space<hbm>> -> memref<60x112xi32, #tpu.memory_space<hbm>>
        tpu.wait_dma2 semaphore(%run_scoped3A : memref<!tpu.dma_semaphore, #tpu.memory_space<semaphore_mem>>) src(%dma_wait3A_74 : memref<60x112xi32, #tpu.memory_space<hbm>>) dst(%dma_wait3A_70 : memref<60x112xi32, #tpu.memory_space<vmem>>)
        tpu.yield
      }) : () -> ()
      %dma_start3A = arith.constant 0 : i32
      %dma_start3A_31 = arith.constant 0 : i32
      %dma_start3A_32 = tpu.memref_slice %arg10[%dma_start3A, %dma_start3A_31] : memref<60x112xi32, #tpu.memory_space<vmem>> -> memref<1x112xi32, #tpu.memory_space<vmem>>
      %dma_start3A_33 = tpu.memref_squeeze %dma_start3A_32 : memref<1x112xi32, #tpu.memory_space<vmem>> -> memref<112xi32, #tpu.memory_space<vmem>>
      %dma_start3A_34 = arith.constant 0 : i32
      %dma_start3A_35 = arith.constant 0 : i32
      %dma_start3A_36 = tpu.memref_slice %arg2[%dma_start3A_34, %dma_start3A_35] : memref<10000x128xf32, #tpu.memory_space<hbm>> -> memref<10000x128xf32, #tpu.memory_space<hbm>>
      tpu.enqueue_indirect_dma source(%dma_start3A_36 : memref<10000x128xf32, #tpu.memory_space<hbm>>) target(%arg12 : memref<112x128xf32, #tpu.memory_space<vmem>>) offsets(%dma_start3A_33 : memref<112xi32, #tpu.memory_space<vmem>>) semaphore(%arg14 : memref<!tpu.dma_semaphore, #tpu.memory_space<semaphore_mem>>)
      %dma_start3A_37 = arith.constant 1 : i32
      %dma_start3A_38 = arith.constant 0 : i32
      %dma_start3A_39 = tpu.memref_slice %arg10[%dma_start3A_37, %dma_start3A_38] : memref<60x112xi32, #tpu.memory_space<vmem>> -> memref<1x112xi32, #tpu.memory_space<vmem>>
      %dma_start3A_40 = tpu.memref_squeeze %dma_start3A_39 : memref<1x112xi32, #tpu.memory_space<vmem>> -> memref<112xi32, #tpu.memory_space<vmem>>
      %dma_start3A_41 = arith.constant 0 : i32
      %dma_start3A_42 = arith.constant 0 : i32
      %dma_start3A_43 = tpu.memref_slice %arg2[%dma_start3A_41, %dma_start3A_42] : memref<10000x128xf32, #tpu.memory_space<hbm>> -> memref<10000x128xf32, #tpu.memory_space<hbm>>
      tpu.enqueue_indirect_dma source(%dma_start3A_43 : memref<10000x128xf32, #tpu.memory_space<hbm>>) target(%arg13 : memref<112x128xf32, #tpu.memory_space<vmem>>) offsets(%dma_start3A_40 : memref<112xi32, #tpu.memory_space<vmem>>) semaphore(%arg15 : memref<!tpu.dma_semaphore, #tpu.memory_space<semaphore_mem>>)
      %scan3A = arith.constant 0 : i32
      %scan3A_44 = arith.constant 30 : i32
      %scan3A_45 = arith.addi %scan3A, %scan3A_44 : i32
      %scan3A_46 = arith.constant 1 : i32
      scf.for %scan3A_48 = %scan3A to %scan3A_45 step %scan3A_46  : i32 {
        %mul3A_49 = arith.constant 2 : i32
        %mul3A_50 = arith.muli %scan3A_48, %mul3A_49 : i32
        %add3A_51 = arith.constant 0 : i32
        %add3A_52 = arith.addi %add3A_51, %mul3A_50 : i32
        %add3A_53 = arith.constant 0 : i32
        %add3A_54 = arith.addi %add3A_52, %add3A_53 : i32
        %dma_wait3A = arith.constant 0 : i32
        %dma_wait3A_55 = tpu.memref_slice %arg10[%add3A_54, %dma_wait3A] : memref<60x112xi32, #tpu.memory_space<vmem>> -> memref<1x112xi32, #tpu.memory_space<vmem>>
        %dma_wait3A_56 = tpu.memref_squeeze %dma_wait3A_55 : memref<1x112xi32, #tpu.memory_space<vmem>> -> memref<112xi32, #tpu.memory_space<vmem>>
        %dma_wait3A_57 = arith.constant 0 : i32
        %dma_wait3A_58 = arith.constant 0 : i32
        %dma_wait3A_59 = tpu.memref_slice %arg2[%dma_wait3A_57, %dma_wait3A_58] : memref<10000x128xf32, #tpu.memory_space<hbm>> -> memref<10000x128xf32, #tpu.memory_space<hbm>>
        tpu.wait_indirect_dma semaphore(%arg14 : memref<!tpu.dma_semaphore, #tpu.memory_space<semaphore_mem>>) src(%dma_wait3A_59 : memref<10000x128xf32, #tpu.memory_space<hbm>>) dst(%arg12 : memref<112x128xf32, #tpu.memory_space<vmem>>)
        %add3A_60 = arith.constant 0 : i32
        %add3A_61 = arith.addi %add3A_52, %add3A_60 : i32
        "tpu.region"() ({
          %run_scoped3A = tpu.sem_alloc : memref<!tpu.dma_semaphore, #tpu.memory_space<semaphore_mem>>
          %dma_start3A_89 = arith.constant 0 : i32
          %dma_start3A_90 = tpu.memref_slice %arg11[%add3A_61, %dma_start3A_89] : memref<60x112xi32, #tpu.memory_space<vmem>> -> memref<1x112xi32, #tpu.memory_space<vmem>>
          %dma_start3A_91 = tpu.memref_squeeze %dma_start3A_90 : memref<1x112xi32, #tpu.memory_space<vmem>> -> memref<112xi32, #tpu.memory_space<vmem>>
          %dma_start3A_92 = arith.constant 0 : i32
          %dma_start3A_93 = arith.constant 0 : i32
          %dma_start3A_94 = tpu.memref_slice %arg9[%dma_start3A_92, %dma_start3A_93] : memref<10112x128xf32, #tpu.memory_space<vmem_shared>> -> memref<10112x128xf32, #tpu.memory_space<vmem_shared>>
          tpu.enqueue_indirect_dma source(%arg12 : memref<112x128xf32, #tpu.memory_space<vmem>>) target(%dma_start3A_94 : memref<10112x128xf32, #tpu.memory_space<vmem_shared>>) offsets(%dma_start3A_91 : memref<112xi32, #tpu.memory_space<vmem>>) semaphore(%run_scoped3A : memref<!tpu.dma_semaphore, #tpu.memory_space<semaphore_mem>>) {add = true}
          %dma_wait3A_95 = arith.constant 0 : i32
          %dma_wait3A_96 = tpu.memref_slice %arg11[%add3A_61, %dma_wait3A_95] : memref<60x112xi32, #tpu.memory_space<vmem>> -> memref<1x112xi32, #tpu.memory_space<vmem>>
          %dma_wait3A_97 = tpu.memref_squeeze %dma_wait3A_96 : memref<1x112xi32, #tpu.memory_space<vmem>> -> memref<112xi32, #tpu.memory_space<vmem>>
          %dma_wait3A_98 = arith.constant 0 : i32
          %dma_wait3A_99 = arith.constant 0 : i32
          %dma_wait3A_100 = tpu.memref_slice %arg9[%dma_wait3A_98, %dma_wait3A_99] : memref<10112x128xf32, #tpu.memory_space<vmem_shared>> -> memref<10112x128xf32, #tpu.memory_space<vmem_shared>>
          tpu.wait_indirect_dma semaphore(%run_scoped3A : memref<!tpu.dma_semaphore, #tpu.memory_space<semaphore_mem>>) src(%arg12 : memref<112x128xf32, #tpu.memory_space<vmem>>) dst(%dma_wait3A_100 : memref<10112x128xf32, #tpu.memory_space<vmem_shared>>)
          tpu.yield
        }) : () -> ()
        %add3A_62 = arith.constant 0 : i32
        %add3A_63 = arith.addi %add3A_52, %add3A_62 : i32
        %add3A_64 = arith.constant 2 : i32
        %add3A_65 = arith.addi %add3A_63, %add3A_64 : i32
        %lt3A = arith.constant 60 : i32
        %lt3A_66 = arith.cmpi slt, %add3A_65, %lt3A : i32
        %convert_element_type3A_67 = arith.extui %lt3A_66 : i1 to i32
        %cond3A_68 = arith.constant 0 : i32
        %cond3A_69 = arith.cmpi ne, %convert_element_type3A_67, %cond3A_68 : i32
        scf.if %cond3A_69 {
          %add3A_89 = arith.constant 0 : i32
          %add3A_90 = arith.addi %add3A_52, %add3A_89 : i32
          %add3A_91 = arith.constant 2 : i32
          %add3A_92 = arith.addi %add3A_90, %add3A_91 : i32
          %dma_start3A_93 = arith.constant 0 : i32
          %dma_start3A_94 = tpu.memref_slice %arg10[%add3A_92, %dma_start3A_93] : memref<60x112xi32, #tpu.memory_space<vmem>> -> memref<1x112xi32, #tpu.memory_space<vmem>>
          %dma_start3A_95 = tpu.memref_squeeze %dma_start3A_94 : memref<1x112xi32, #tpu.memory_space<vmem>> -> memref<112xi32, #tpu.memory_space<vmem>>
          %dma_start3A_96 = arith.constant 0 : i32
          %dma_start3A_97 = arith.constant 0 : i32
          %dma_start3A_98 = tpu.memref_slice %arg2[%dma_start3A_96, %dma_start3A_97] : memref<10000x128xf32, #tpu.memory_space<hbm>> -> memref<10000x128xf32, #tpu.memory_space<hbm>>
          tpu.enqueue_indirect_dma source(%dma_start3A_98 : memref<10000x128xf32, #tpu.memory_space<hbm>>) target(%arg12 : memref<112x128xf32, #tpu.memory_space<vmem>>) offsets(%dma_start3A_95 : memref<112xi32, #tpu.memory_space<vmem>>) semaphore(%arg14 : memref<!tpu.dma_semaphore, #tpu.memory_space<semaphore_mem>>)
        } else {
        }
        %add3A_70 = arith.constant 1 : i32
        %add3A_71 = arith.addi %add3A_52, %add3A_70 : i32
        %dma_wait3A_72 = arith.constant 0 : i32
        %dma_wait3A_73 = tpu.memref_slice %arg10[%add3A_71, %dma_wait3A_72] : memref<60x112xi32, #tpu.memory_space<vmem>> -> memref<1x112xi32, #tpu.memory_space<vmem>>
        %dma_wait3A_74 = tpu.memref_squeeze %dma_wait3A_73 : memref<1x112xi32, #tpu.memory_space<vmem>> -> memref<112xi32, #tpu.memory_space<vmem>>
        %dma_wait3A_75 = arith.constant 0 : i32
        %dma_wait3A_76 = arith.constant 0 : i32
        %dma_wait3A_77 = tpu.memref_slice %arg2[%dma_wait3A_75, %dma_wait3A_76] : memref<10000x128xf32, #tpu.memory_space<hbm>> -> memref<10000x128xf32, #tpu.memory_space<hbm>>
        tpu.wait_indirect_dma semaphore(%arg15 : memref<!tpu.dma_semaphore, #tpu.memory_space<semaphore_mem>>) src(%dma_wait3A_77 : memref<10000x128xf32, #tpu.memory_space<hbm>>) dst(%arg13 : memref<112x128xf32, #tpu.memory_space<vmem>>)
        %add3A_78 = arith.constant 1 : i32
        %add3A_79 = arith.addi %add3A_52, %add3A_78 : i32
        "tpu.region"() ({
          %run_scoped3A = tpu.sem_alloc : memref<!tpu.dma_semaphore, #tpu.memory_space<semaphore_mem>>
          %dma_start3A_89 = arith.constant 0 : i32
          %dma_start3A_90 = tpu.memref_slice %arg11[%add3A_79, %dma_start3A_89] : memref<60x112xi32, #tpu.memory_space<vmem>> -> memref<1x112xi32, #tpu.memory_space<vmem>>
          %dma_start3A_91 = tpu.memref_squeeze %dma_start3A_90 : memref<1x112xi32, #tpu.memory_space<vmem>> -> memref<112xi32, #tpu.memory_space<vmem>>
          %dma_start3A_92 = arith.constant 0 : i32
          %dma_start3A_93 = arith.constant 0 : i32
          %dma_start3A_94 = tpu.memref_slice %arg9[%dma_start3A_92, %dma_start3A_93] : memref<10112x128xf32, #tpu.memory_space<vmem_shared>> -> memref<10112x128xf32, #tpu.memory_space<vmem_shared>>
          tpu.enqueue_indirect_dma source(%arg13 : memref<112x128xf32, #tpu.memory_space<vmem>>) target(%dma_start3A_94 : memref<10112x128xf32, #tpu.memory_space<vmem_shared>>) offsets(%dma_start3A_91 : memref<112xi32, #tpu.memory_space<vmem>>) semaphore(%run_scoped3A : memref<!tpu.dma_semaphore, #tpu.memory_space<semaphore_mem>>) {add = true}
          %dma_wait3A_95 = arith.constant 0 : i32
          %dma_wait3A_96 = tpu.memref_slice %arg11[%add3A_79, %dma_wait3A_95] : memref<60x112xi32, #tpu.memory_space<vmem>> -> memref<1x112xi32, #tpu.memory_space<vmem>>
          %dma_wait3A_97 = tpu.memref_squeeze %dma_wait3A_96 : memref<1x112xi32, #tpu.memory_space<vmem>> -> memref<112xi32, #tpu.memory_space<vmem>>
          %dma_wait3A_98 = arith.constant 0 : i32
          %dma_wait3A_99 = arith.constant 0 : i32
          %dma_wait3A_100 = tpu.memref_slice %arg9[%dma_wait3A_98, %dma_wait3A_99] : memref<10112x128xf32, #tpu.memory_space<vmem_shared>> -> memref<10112x128xf32, #tpu.memory_space<vmem_shared>>
          tpu.wait_indirect_dma semaphore(%run_scoped3A : memref<!tpu.dma_semaphore, #tpu.memory_space<semaphore_mem>>) src(%arg13 : memref<112x128xf32, #tpu.memory_space<vmem>>) dst(%dma_wait3A_100 : memref<10112x128xf32, #tpu.memory_space<vmem_shared>>)
          tpu.yield
        }) : () -> ()
        %add3A_80 = arith.constant 1 : i32
        %add3A_81 = arith.addi %add3A_52, %add3A_80 : i32
        %add3A_82 = arith.constant 2 : i32
        %add3A_83 = arith.addi %add3A_81, %add3A_82 : i32
        %lt3A_84 = arith.constant 60 : i32
        %lt3A_85 = arith.cmpi slt, %add3A_83, %lt3A_84 : i32
        %convert_element_type3A_86 = arith.extui %lt3A_85 : i1 to i32
        %cond3A_87 = arith.constant 0 : i32
        %cond3A_88 = arith.cmpi ne, %convert_element_type3A_86, %cond3A_87 : i32
        scf.if %cond3A_88 {
          %add3A_89 = arith.constant 1 : i32
          %add3A_90 = arith.addi %add3A_52, %add3A_89 : i32
          %add3A_91 = arith.constant 2 : i32
          %add3A_92 = arith.addi %add3A_90, %add3A_91 : i32
          %dma_start3A_93 = arith.constant 0 : i32
          %dma_start3A_94 = tpu.memref_slice %arg10[%add3A_92, %dma_start3A_93] : memref<60x112xi32, #tpu.memory_space<vmem>> -> memref<1x112xi32, #tpu.memory_space<vmem>>
          %dma_start3A_95 = tpu.memref_squeeze %dma_start3A_94 : memref<1x112xi32, #tpu.memory_space<vmem>> -> memref<112xi32, #tpu.memory_space<vmem>>
          %dma_start3A_96 = arith.constant 0 : i32
          %dma_start3A_97 = arith.constant 0 : i32
          %dma_start3A_98 = tpu.memref_slice %arg2[%dma_start3A_96, %dma_start3A_97] : memref<10000x128xf32, #tpu.memory_space<hbm>> -> memref<10000x128xf32, #tpu.memory_space<hbm>>
          tpu.enqueue_indirect_dma source(%dma_start3A_98 : memref<10000x128xf32, #tpu.memory_space<hbm>>) target(%arg13 : memref<112x128xf32, #tpu.memory_space<vmem>>) offsets(%dma_start3A_95 : memref<112xi32, #tpu.memory_space<vmem>>) semaphore(%arg15 : memref<!tpu.dma_semaphore, #tpu.memory_space<semaphore_mem>>)
        } else {
        }
      }
      %scan3A_47 = arith.constant 30 : i32
    } else {
    }
    %barrier3A_28 = arith.constant 0 : index
    tpu.barrier barrier_id(%barrier3A_28)
    %mul3A_29 = arith.constant 632 : i32
    %mul3A_30 = arith.muli %arg1, %mul3A_29 : i32
    "tpu.region"() ({
      %run_scoped3A = tpu.sem_alloc : memref<!tpu.dma_semaphore, #tpu.memory_space<semaphore_mem>>
      %dma_start3A = arith.constant 0 : i32
      %dma_start3A_31 = tpu.memref_slice %arg8[%arg0, %mul3A_30, %dma_start3A] : memref<2x10112x128xf32, #tpu.memory_space<hbm>> -> memref<1x632x128xf32, #tpu.memory_space<hbm>>
      %dma_start3A_32 = tpu.memref_squeeze %dma_start3A_31 : memref<1x632x128xf32, #tpu.memory_space<hbm>> -> memref<632x128xf32, #tpu.memory_space<hbm>>
      %dma_start3A_33 = arith.constant 0 : i32
      %dma_start3A_34 = tpu.memref_slice %arg9[%mul3A_30, %dma_start3A_33] : memref<10112x128xf32, #tpu.memory_space<vmem_shared>> -> memref<632x128xf32, #tpu.memory_space<vmem_shared>>
      tpu.enqueue_dma source(%dma_start3A_34 : memref<632x128xf32, #tpu.memory_space<vmem_shared>>) target(%dma_start3A_32 : memref<632x128xf32, #tpu.memory_space<hbm>>) target_semaphore(%run_scoped3A : memref<!tpu.dma_semaphore, #tpu.memory_space<semaphore_mem>>)
      %dma_wait3A = arith.constant 0 : i32
      %dma_wait3A_35 = tpu.memref_slice %arg8[%arg0, %mul3A_30, %dma_wait3A] : memref<2x10112x128xf32, #tpu.memory_space<hbm>> -> memref<1x632x128xf32, #tpu.memory_space<hbm>>
      %dma_wait3A_36 = tpu.memref_squeeze %dma_wait3A_35 : memref<1x632x128xf32, #tpu.memory_space<hbm>> -> memref<632x128xf32, #tpu.memory_space<hbm>>
      %dma_wait3A_37 = arith.constant 0 : i32
      %dma_wait3A_38 = tpu.memref_slice %arg9[%mul3A_30, %dma_wait3A_37] : memref<10112x128xf32, #tpu.memory_space<vmem_shared>> -> memref<632x128xf32, #tpu.memory_space<vmem_shared>>
      tpu.wait_dma2 semaphore(%run_scoped3A : memref<!tpu.dma_semaphore, #tpu.memory_space<semaphore_mem>>) src(%dma_wait3A_38 : memref<632x128xf32, #tpu.memory_space<vmem_shared>>) dst(%dma_wait3A_36 : memref<632x128xf32, #tpu.memory_space<hbm>>)
      tpu.yield
    }) : () -> ()
    return
  }
}

#map = affine_map<(d0, d1) -> (0, 0, 0)>
#map1 = affine_map<(d0, d1) -> (0, 0)>
module attributes {stable_mosaic.version = 14 : i64} {
  func.func @body(%arg0: i32, %arg1: i32, %arg2: memref<32x90x112xi32, #tpu.memory_space<hbm>>, %arg3: memref<112x16xf32, #tpu.memory_space<hbm>>, %arg4: memref<112x16xf32, #tpu.memory_space<hbm>>, %arg5: memref<2x10112x16xf32, #tpu.memory_space<hbm>>, %arg6: memref<10112x16xf32, #tpu.memory_space<vmem_shared>>, %arg7: memref<90x112xi32, #tpu.memory_space<vmem>>, %arg8: memref<112x16xf32, #tpu.memory_space<vmem>>) attributes {dimension_semantics = [#tpu.dimension_semantics<core_parallel>, #tpu.dimension_semantics<subcore_parallel>], iteration_bounds = array<i64: 2, 16>, scalar_prefetch = 0 : i64, scratch_operands = 3 : i64, tpu.core_type = #tpu.core_type<sc_vector_subcore>, window_params = [{transform_indices = #map}, {transform_indices = #map1}, {transform_indices = #map1}, {transform_indices = #map}]} {
    %mul3A = arith.constant 16 : i32
    %mul3A_0 = arith.muli %arg0, %mul3A : i32
    %add3A = arith.addi %mul3A_0, %arg1 : i32
    "tpu.region"() ({
      %run_scoped3A = tpu.sem_alloc : memref<!tpu.dma_semaphore, #tpu.memory_space<semaphore_mem>>
      tpu.enqueue_dma source(%arg3 : memref<112x16xf32, #tpu.memory_space<hbm>>) target(%arg8 : memref<112x16xf32, #tpu.memory_space<vmem>>) target_semaphore(%run_scoped3A : memref<!tpu.dma_semaphore, #tpu.memory_space<semaphore_mem>>)
      tpu.wait_dma2 semaphore(%run_scoped3A : memref<!tpu.dma_semaphore, #tpu.memory_space<semaphore_mem>>) src(%arg3 : memref<112x16xf32, #tpu.memory_space<hbm>>) dst(%arg8 : memref<112x16xf32, #tpu.memory_space<vmem>>)
      tpu.yield
    }) : () -> ()
    %mul3A_1 = arith.constant 632 : i32
    %mul3A_2 = arith.muli %arg1, %mul3A_1 : i32
    %add3A_3 = arith.constant 0 : i32
    %add3A_4 = arith.addi %mul3A_2, %add3A_3 : i32
    "tpu.region"() ({
      %run_scoped3A = tpu.sem_alloc : memref<!tpu.dma_semaphore, #tpu.memory_space<semaphore_mem>>
      %dma_start3A = arith.constant 0 : i32
      %dma_start3A_32 = tpu.memref_slice %arg6[%add3A_4, %dma_start3A] : memref<10112x16xf32, #tpu.memory_space<vmem_shared>> -> memref<112x16xf32, #tpu.memory_space<vmem_shared>>
      %dma_start3A_33 = arith.constant 0 : i32
      %dma_start3A_34 = tpu.memref_slice %arg6[%add3A_4, %dma_start3A_33] : memref<10112x16xf32, #tpu.memory_space<vmem_shared>> -> memref<112x16xf32, #tpu.memory_space<vmem_shared>>
      tpu.enqueue_dma source(%arg8 : memref<112x16xf32, #tpu.memory_space<vmem>>) target(%dma_start3A_34 : memref<112x16xf32, #tpu.memory_space<vmem_shared>>) target_semaphore(%run_scoped3A : memref<!tpu.dma_semaphore, #tpu.memory_space<semaphore_mem>>)
      %dma_wait3A = arith.constant 0 : i32
      %dma_wait3A_35 = tpu.memref_slice %arg6[%add3A_4, %dma_wait3A] : memref<10112x16xf32, #tpu.memory_space<vmem_shared>> -> memref<112x16xf32, #tpu.memory_space<vmem_shared>>
      %dma_wait3A_36 = arith.constant 0 : i32
      %dma_wait3A_37 = tpu.memref_slice %arg6[%add3A_4, %dma_wait3A_36] : memref<10112x16xf32, #tpu.memory_space<vmem_shared>> -> memref<112x16xf32, #tpu.memory_space<vmem_shared>>
      tpu.wait_dma2 semaphore(%run_scoped3A : memref<!tpu.dma_semaphore, #tpu.memory_space<semaphore_mem>>) src(%arg8 : memref<112x16xf32, #tpu.memory_space<vmem>>) dst(%dma_wait3A_37 : memref<112x16xf32, #tpu.memory_space<vmem_shared>>)
      tpu.yield
    }) : () -> ()
    %mul3A_5 = arith.constant 632 : i32
    %mul3A_6 = arith.muli %arg1, %mul3A_5 : i32
    %add3A_7 = arith.constant 112 : i32
    %add3A_8 = arith.addi %mul3A_6, %add3A_7 : i32
    "tpu.region"() ({
      %run_scoped3A = tpu.sem_alloc : memref<!tpu.dma_semaphore, #tpu.memory_space<semaphore_mem>>
      %dma_start3A = arith.constant 0 : i32
      %dma_start3A_32 = tpu.memref_slice %arg6[%add3A_8, %dma_start3A] : memref<10112x16xf32, #tpu.memory_space<vmem_shared>> -> memref<112x16xf32, #tpu.memory_space<vmem_shared>>
      %dma_start3A_33 = arith.constant 0 : i32
      %dma_start3A_34 = tpu.memref_slice %arg6[%add3A_8, %dma_start3A_33] : memref<10112x16xf32, #tpu.memory_space<vmem_shared>> -> memref<112x16xf32, #tpu.memory_space<vmem_shared>>
      tpu.enqueue_dma source(%arg8 : memref<112x16xf32, #tpu.memory_space<vmem>>) target(%dma_start3A_34 : memref<112x16xf32, #tpu.memory_space<vmem_shared>>) target_semaphore(%run_scoped3A : memref<!tpu.dma_semaphore, #tpu.memory_space<semaphore_mem>>)
      %dma_wait3A = arith.constant 0 : i32
      %dma_wait3A_35 = tpu.memref_slice %arg6[%add3A_8, %dma_wait3A] : memref<10112x16xf32, #tpu.memory_space<vmem_shared>> -> memref<112x16xf32, #tpu.memory_space<vmem_shared>>
      %dma_wait3A_36 = arith.constant 0 : i32
      %dma_wait3A_37 = tpu.memref_slice %arg6[%add3A_8, %dma_wait3A_36] : memref<10112x16xf32, #tpu.memory_space<vmem_shared>> -> memref<112x16xf32, #tpu.memory_space<vmem_shared>>
      tpu.wait_dma2 semaphore(%run_scoped3A : memref<!tpu.dma_semaphore, #tpu.memory_space<semaphore_mem>>) src(%arg8 : memref<112x16xf32, #tpu.memory_space<vmem>>) dst(%dma_wait3A_37 : memref<112x16xf32, #tpu.memory_space<vmem_shared>>)
      tpu.yield
    }) : () -> ()
    %mul3A_9 = arith.constant 632 : i32
    %mul3A_10 = arith.muli %arg1, %mul3A_9 : i32
    %add3A_11 = arith.constant 224 : i32
    %add3A_12 = arith.addi %mul3A_10, %add3A_11 : i32
    "tpu.region"() ({
      %run_scoped3A = tpu.sem_alloc : memref<!tpu.dma_semaphore, #tpu.memory_space<semaphore_mem>>
      %dma_start3A = arith.constant 0 : i32
      %dma_start3A_32 = tpu.memref_slice %arg6[%add3A_12, %dma_start3A] : memref<10112x16xf32, #tpu.memory_space<vmem_shared>> -> memref<112x16xf32, #tpu.memory_space<vmem_shared>>
      %dma_start3A_33 = arith.constant 0 : i32
      %dma_start3A_34 = tpu.memref_slice %arg6[%add3A_12, %dma_start3A_33] : memref<10112x16xf32, #tpu.memory_space<vmem_shared>> -> memref<112x16xf32, #tpu.memory_space<vmem_shared>>
      tpu.enqueue_dma source(%arg8 : memref<112x16xf32, #tpu.memory_space<vmem>>) target(%dma_start3A_34 : memref<112x16xf32, #tpu.memory_space<vmem_shared>>) target_semaphore(%run_scoped3A : memref<!tpu.dma_semaphore, #tpu.memory_space<semaphore_mem>>)
      %dma_wait3A = arith.constant 0 : i32
      %dma_wait3A_35 = tpu.memref_slice %arg6[%add3A_12, %dma_wait3A] : memref<10112x16xf32, #tpu.memory_space<vmem_shared>> -> memref<112x16xf32, #tpu.memory_space<vmem_shared>>
      %dma_wait3A_36 = arith.constant 0 : i32
      %dma_wait3A_37 = tpu.memref_slice %arg6[%add3A_12, %dma_wait3A_36] : memref<10112x16xf32, #tpu.memory_space<vmem_shared>> -> memref<112x16xf32, #tpu.memory_space<vmem_shared>>
      tpu.wait_dma2 semaphore(%run_scoped3A : memref<!tpu.dma_semaphore, #tpu.memory_space<semaphore_mem>>) src(%arg8 : memref<112x16xf32, #tpu.memory_space<vmem>>) dst(%dma_wait3A_37 : memref<112x16xf32, #tpu.memory_space<vmem_shared>>)
      tpu.yield
    }) : () -> ()
    %mul3A_13 = arith.constant 632 : i32
    %mul3A_14 = arith.muli %arg1, %mul3A_13 : i32
    %add3A_15 = arith.constant 336 : i32
    %add3A_16 = arith.addi %mul3A_14, %add3A_15 : i32
    "tpu.region"() ({
      %run_scoped3A = tpu.sem_alloc : memref<!tpu.dma_semaphore, #tpu.memory_space<semaphore_mem>>
      %dma_start3A = arith.constant 0 : i32
      %dma_start3A_32 = tpu.memref_slice %arg6[%add3A_16, %dma_start3A] : memref<10112x16xf32, #tpu.memory_space<vmem_shared>> -> memref<112x16xf32, #tpu.memory_space<vmem_shared>>
      %dma_start3A_33 = arith.constant 0 : i32
      %dma_start3A_34 = tpu.memref_slice %arg6[%add3A_16, %dma_start3A_33] : memref<10112x16xf32, #tpu.memory_space<vmem_shared>> -> memref<112x16xf32, #tpu.memory_space<vmem_shared>>
      tpu.enqueue_dma source(%arg8 : memref<112x16xf32, #tpu.memory_space<vmem>>) target(%dma_start3A_34 : memref<112x16xf32, #tpu.memory_space<vmem_shared>>) target_semaphore(%run_scoped3A : memref<!tpu.dma_semaphore, #tpu.memory_space<semaphore_mem>>)
      %dma_wait3A = arith.constant 0 : i32
      %dma_wait3A_35 = tpu.memref_slice %arg6[%add3A_16, %dma_wait3A] : memref<10112x16xf32, #tpu.memory_space<vmem_shared>> -> memref<112x16xf32, #tpu.memory_space<vmem_shared>>
      %dma_wait3A_36 = arith.constant 0 : i32
      %dma_wait3A_37 = tpu.memref_slice %arg6[%add3A_16, %dma_wait3A_36] : memref<10112x16xf32, #tpu.memory_space<vmem_shared>> -> memref<112x16xf32, #tpu.memory_space<vmem_shared>>
      tpu.wait_dma2 semaphore(%run_scoped3A : memref<!tpu.dma_semaphore, #tpu.memory_space<semaphore_mem>>) src(%arg8 : memref<112x16xf32, #tpu.memory_space<vmem>>) dst(%dma_wait3A_37 : memref<112x16xf32, #tpu.memory_space<vmem_shared>>)
      tpu.yield
    }) : () -> ()
    %mul3A_17 = arith.constant 632 : i32
    %mul3A_18 = arith.muli %arg1, %mul3A_17 : i32
    %add3A_19 = arith.constant 448 : i32
    %add3A_20 = arith.addi %mul3A_18, %add3A_19 : i32
    "tpu.region"() ({
      %run_scoped3A = tpu.sem_alloc : memref<!tpu.dma_semaphore, #tpu.memory_space<semaphore_mem>>
      %dma_start3A = arith.constant 0 : i32
      %dma_start3A_32 = tpu.memref_slice %arg6[%add3A_20, %dma_start3A] : memref<10112x16xf32, #tpu.memory_space<vmem_shared>> -> memref<112x16xf32, #tpu.memory_space<vmem_shared>>
      %dma_start3A_33 = arith.constant 0 : i32
      %dma_start3A_34 = tpu.memref_slice %arg6[%add3A_20, %dma_start3A_33] : memref<10112x16xf32, #tpu.memory_space<vmem_shared>> -> memref<112x16xf32, #tpu.memory_space<vmem_shared>>
      tpu.enqueue_dma source(%arg8 : memref<112x16xf32, #tpu.memory_space<vmem>>) target(%dma_start3A_34 : memref<112x16xf32, #tpu.memory_space<vmem_shared>>) target_semaphore(%run_scoped3A : memref<!tpu.dma_semaphore, #tpu.memory_space<semaphore_mem>>)
      %dma_wait3A = arith.constant 0 : i32
      %dma_wait3A_35 = tpu.memref_slice %arg6[%add3A_20, %dma_wait3A] : memref<10112x16xf32, #tpu.memory_space<vmem_shared>> -> memref<112x16xf32, #tpu.memory_space<vmem_shared>>
      %dma_wait3A_36 = arith.constant 0 : i32
      %dma_wait3A_37 = tpu.memref_slice %arg6[%add3A_20, %dma_wait3A_36] : memref<10112x16xf32, #tpu.memory_space<vmem_shared>> -> memref<112x16xf32, #tpu.memory_space<vmem_shared>>
      tpu.wait_dma2 semaphore(%run_scoped3A : memref<!tpu.dma_semaphore, #tpu.memory_space<semaphore_mem>>) src(%arg8 : memref<112x16xf32, #tpu.memory_space<vmem>>) dst(%dma_wait3A_37 : memref<112x16xf32, #tpu.memory_space<vmem_shared>>)
      tpu.yield
    }) : () -> ()
    %mul3A_21 = arith.constant 632 : i32
    %mul3A_22 = arith.muli %arg1, %mul3A_21 : i32
    %add3A_23 = arith.constant 560 : i32
    %add3A_24 = arith.addi %mul3A_22, %add3A_23 : i32
    "tpu.region"() ({
      %run_scoped3A = tpu.sem_alloc : memref<!tpu.dma_semaphore, #tpu.memory_space<semaphore_mem>>
      %dma_start3A = arith.constant 0 : i32
      %dma_start3A_32 = arith.constant 0 : i32
      %dma_start3A_33 = tpu.memref_slice %arg8[%dma_start3A, %dma_start3A_32] : memref<112x16xf32, #tpu.memory_space<vmem>> -> memref<72x16xf32, #tpu.memory_space<vmem>>
      %dma_start3A_34 = arith.constant 0 : i32
      %dma_start3A_35 = tpu.memref_slice %arg6[%add3A_24, %dma_start3A_34] : memref<10112x16xf32, #tpu.memory_space<vmem_shared>> -> memref<72x16xf32, #tpu.memory_space<vmem_shared>>
      %dma_start3A_36 = arith.constant 0 : i32
      %dma_start3A_37 = tpu.memref_slice %arg6[%add3A_24, %dma_start3A_36] : memref<10112x16xf32, #tpu.memory_space<vmem_shared>> -> memref<72x16xf32, #tpu.memory_space<vmem_shared>>
      %dma_start3A_38 = arith.constant 0 : i32
      %dma_start3A_39 = arith.constant 0 : i32
      %dma_start3A_40 = tpu.memref_slice %arg8[%dma_start3A_38, %dma_start3A_39] : memref<112x16xf32, #tpu.memory_space<vmem>> -> memref<72x16xf32, #tpu.memory_space<vmem>>
      tpu.enqueue_dma source(%dma_start3A_40 : memref<72x16xf32, #tpu.memory_space<vmem>>) target(%dma_start3A_37 : memref<72x16xf32, #tpu.memory_space<vmem_shared>>) target_semaphore(%run_scoped3A : memref<!tpu.dma_semaphore, #tpu.memory_space<semaphore_mem>>)
      %dma_wait3A = arith.constant 0 : i32
      %dma_wait3A_41 = arith.constant 0 : i32
      %dma_wait3A_42 = tpu.memref_slice %arg8[%dma_wait3A, %dma_wait3A_41] : memref<112x16xf32, #tpu.memory_space<vmem>> -> memref<72x16xf32, #tpu.memory_space<vmem>>
      %dma_wait3A_43 = arith.constant 0 : i32
      %dma_wait3A_44 = tpu.memref_slice %arg6[%add3A_24, %dma_wait3A_43] : memref<10112x16xf32, #tpu.memory_space<vmem_shared>> -> memref<72x16xf32, #tpu.memory_space<vmem_shared>>
      %dma_wait3A_45 = arith.constant 0 : i32
      %dma_wait3A_46 = tpu.memref_slice %arg6[%add3A_24, %dma_wait3A_45] : memref<10112x16xf32, #tpu.memory_space<vmem_shared>> -> memref<72x16xf32, #tpu.memory_space<vmem_shared>>
      %dma_wait3A_47 = arith.constant 0 : i32
      %dma_wait3A_48 = arith.constant 0 : i32
      %dma_wait3A_49 = tpu.memref_slice %arg8[%dma_wait3A_47, %dma_wait3A_48] : memref<112x16xf32, #tpu.memory_space<vmem>> -> memref<72x16xf32, #tpu.memory_space<vmem>>
      tpu.wait_dma2 semaphore(%run_scoped3A : memref<!tpu.dma_semaphore, #tpu.memory_space<semaphore_mem>>) src(%dma_wait3A_49 : memref<72x16xf32, #tpu.memory_space<vmem>>) dst(%dma_wait3A_46 : memref<72x16xf32, #tpu.memory_space<vmem_shared>>)
      tpu.yield
    }) : () -> ()
    "tpu.region"() ({
      %run_scoped3A = tpu.sem_alloc : memref<!tpu.dma_semaphore, #tpu.memory_space<semaphore_mem>>
      tpu.enqueue_dma source(%arg4 : memref<112x16xf32, #tpu.memory_space<hbm>>) target(%arg8 : memref<112x16xf32, #tpu.memory_space<vmem>>) target_semaphore(%run_scoped3A : memref<!tpu.dma_semaphore, #tpu.memory_space<semaphore_mem>>)
      tpu.wait_dma2 semaphore(%run_scoped3A : memref<!tpu.dma_semaphore, #tpu.memory_space<semaphore_mem>>) src(%arg4 : memref<112x16xf32, #tpu.memory_space<hbm>>) dst(%arg8 : memref<112x16xf32, #tpu.memory_space<vmem>>)
      tpu.yield
    }) : () -> ()
    "tpu.region"() ({
      %run_scoped3A = tpu.sem_alloc : memref<!tpu.dma_semaphore, #tpu.memory_space<semaphore_mem>>
      %dma_start3A = arith.constant 0 : i32
      %dma_start3A_32 = arith.constant 0 : i32
      %dma_start3A_33 = tpu.memref_slice %arg2[%add3A, %dma_start3A, %dma_start3A_32] : memref<32x90x112xi32, #tpu.memory_space<hbm>> -> memref<1x90x112xi32, #tpu.memory_space<hbm>>
      %dma_start3A_34 = tpu.memref_squeeze %dma_start3A_33 : memref<1x90x112xi32, #tpu.memory_space<hbm>> -> memref<90x112xi32, #tpu.memory_space<hbm>>
      %dma_start3A_35 = arith.constant 0 : i32
      %dma_start3A_36 = arith.constant 0 : i32
      %dma_start3A_37 = tpu.memref_slice %arg2[%add3A, %dma_start3A_35, %dma_start3A_36] : memref<32x90x112xi32, #tpu.memory_space<hbm>> -> memref<1x90x112xi32, #tpu.memory_space<hbm>>
      %dma_start3A_38 = tpu.memref_squeeze %dma_start3A_37 : memref<1x90x112xi32, #tpu.memory_space<hbm>> -> memref<90x112xi32, #tpu.memory_space<hbm>>
      tpu.enqueue_dma source(%dma_start3A_38 : memref<90x112xi32, #tpu.memory_space<hbm>>) target(%arg7 : memref<90x112xi32, #tpu.memory_space<vmem>>) target_semaphore(%run_scoped3A : memref<!tpu.dma_semaphore, #tpu.memory_space<semaphore_mem>>)
      %dma_wait3A = arith.constant 0 : i32
      %dma_wait3A_39 = arith.constant 0 : i32
      %dma_wait3A_40 = tpu.memref_slice %arg2[%add3A, %dma_wait3A, %dma_wait3A_39] : memref<32x90x112xi32, #tpu.memory_space<hbm>> -> memref<1x90x112xi32, #tpu.memory_space<hbm>>
      %dma_wait3A_41 = tpu.memref_squeeze %dma_wait3A_40 : memref<1x90x112xi32, #tpu.memory_space<hbm>> -> memref<90x112xi32, #tpu.memory_space<hbm>>
      %dma_wait3A_42 = arith.constant 0 : i32
      %dma_wait3A_43 = arith.constant 0 : i32
      %dma_wait3A_44 = tpu.memref_slice %arg2[%add3A, %dma_wait3A_42, %dma_wait3A_43] : memref<32x90x112xi32, #tpu.memory_space<hbm>> -> memref<1x90x112xi32, #tpu.memory_space<hbm>>
      %dma_wait3A_45 = tpu.memref_squeeze %dma_wait3A_44 : memref<1x90x112xi32, #tpu.memory_space<hbm>> -> memref<90x112xi32, #tpu.memory_space<hbm>>
      tpu.wait_dma2 semaphore(%run_scoped3A : memref<!tpu.dma_semaphore, #tpu.memory_space<semaphore_mem>>) src(%dma_wait3A_45 : memref<90x112xi32, #tpu.memory_space<hbm>>) dst(%arg7 : memref<90x112xi32, #tpu.memory_space<vmem>>)
      tpu.yield
    }) : () -> ()
    %barrier3A = arith.constant 0 : index
    tpu.barrier barrier_id(%barrier3A)
    %scan3A = arith.constant 0 : i32
    %scan3A_25 = arith.constant 90 : i32
    %scan3A_26 = arith.addi %scan3A, %scan3A_25 : i32
    %scan3A_27 = arith.constant 1 : i32
    scf.for %scan3A_32 = %scan3A to %scan3A_26 step %scan3A_27  : i32 {
      %mul3A_33 = arith.constant 1 : i32
      %mul3A_34 = arith.muli %scan3A_32, %mul3A_33 : i32
      %add3A_35 = arith.constant 0 : i32
      %add3A_36 = arith.addi %add3A_35, %mul3A_34 : i32
      "tpu.region"() ({
        %run_scoped3A = tpu.sem_alloc : memref<!tpu.dma_semaphore, #tpu.memory_space<semaphore_mem>>
        %dma_start3A = arith.constant 0 : i32
        %dma_start3A_37 = tpu.memref_slice %arg7[%add3A_36, %dma_start3A] : memref<90x112xi32, #tpu.memory_space<vmem>> -> memref<1x112xi32, #tpu.memory_space<vmem>>
        %dma_start3A_38 = tpu.memref_squeeze %dma_start3A_37 : memref<1x112xi32, #tpu.memory_space<vmem>> -> memref<112xi32, #tpu.memory_space<vmem>>
        %dma_start3A_39 = arith.constant 0 : i32
        %dma_start3A_40 = arith.constant 0 : i32
        %dma_start3A_41 = tpu.memref_slice %arg6[%dma_start3A_39, %dma_start3A_40] : memref<10112x16xf32, #tpu.memory_space<vmem_shared>> -> memref<10112x16xf32, #tpu.memory_space<vmem_shared>>
        tpu.enqueue_indirect_dma source(%arg8 : memref<112x16xf32, #tpu.memory_space<vmem>>) target(%dma_start3A_41 : memref<10112x16xf32, #tpu.memory_space<vmem_shared>>) offsets(%dma_start3A_38 : memref<112xi32, #tpu.memory_space<vmem>>) semaphore(%run_scoped3A : memref<!tpu.dma_semaphore, #tpu.memory_space<semaphore_mem>>) {add = true}
        %dma_wait3A = arith.constant 0 : i32
        %dma_wait3A_42 = tpu.memref_slice %arg7[%add3A_36, %dma_wait3A] : memref<90x112xi32, #tpu.memory_space<vmem>> -> memref<1x112xi32, #tpu.memory_space<vmem>>
        %dma_wait3A_43 = tpu.memref_squeeze %dma_wait3A_42 : memref<1x112xi32, #tpu.memory_space<vmem>> -> memref<112xi32, #tpu.memory_space<vmem>>
        %dma_wait3A_44 = arith.constant 0 : i32
        %dma_wait3A_45 = arith.constant 0 : i32
        %dma_wait3A_46 = tpu.memref_slice %arg6[%dma_wait3A_44, %dma_wait3A_45] : memref<10112x16xf32, #tpu.memory_space<vmem_shared>> -> memref<10112x16xf32, #tpu.memory_space<vmem_shared>>
        tpu.wait_indirect_dma semaphore(%run_scoped3A : memref<!tpu.dma_semaphore, #tpu.memory_space<semaphore_mem>>) src(%arg8 : memref<112x16xf32, #tpu.memory_space<vmem>>) dst(%dma_wait3A_46 : memref<10112x16xf32, #tpu.memory_space<vmem_shared>>)
        tpu.yield
      }) : () -> ()
    }
    %scan3A_28 = arith.constant 90 : i32
    %barrier3A_29 = arith.constant 0 : index
    tpu.barrier barrier_id(%barrier3A_29)
    %mul3A_30 = arith.constant 632 : i32
    %mul3A_31 = arith.muli %arg1, %mul3A_30 : i32
    "tpu.region"() ({
      %run_scoped3A = tpu.sem_alloc : memref<!tpu.dma_semaphore, #tpu.memory_space<semaphore_mem>>
      %dma_start3A = arith.constant 0 : i32
      %dma_start3A_32 = tpu.memref_slice %arg5[%arg0, %mul3A_31, %dma_start3A] : memref<2x10112x16xf32, #tpu.memory_space<hbm>> -> memref<1x632x16xf32, #tpu.memory_space<hbm>>
      %dma_start3A_33 = tpu.memref_squeeze %dma_start3A_32 : memref<1x632x16xf32, #tpu.memory_space<hbm>> -> memref<632x16xf32, #tpu.memory_space<hbm>>
      %dma_start3A_34 = arith.constant 0 : i32
      %dma_start3A_35 = tpu.memref_slice %arg6[%mul3A_31, %dma_start3A_34] : memref<10112x16xf32, #tpu.memory_space<vmem_shared>> -> memref<632x16xf32, #tpu.memory_space<vmem_shared>>
      tpu.enqueue_dma source(%dma_start3A_35 : memref<632x16xf32, #tpu.memory_space<vmem_shared>>) target(%dma_start3A_33 : memref<632x16xf32, #tpu.memory_space<hbm>>) target_semaphore(%run_scoped3A : memref<!tpu.dma_semaphore, #tpu.memory_space<semaphore_mem>>)
      %dma_wait3A = arith.constant 0 : i32
      %dma_wait3A_36 = tpu.memref_slice %arg5[%arg0, %mul3A_31, %dma_wait3A] : memref<2x10112x16xf32, #tpu.memory_space<hbm>> -> memref<1x632x16xf32, #tpu.memory_space<hbm>>
      %dma_wait3A_37 = tpu.memref_squeeze %dma_wait3A_36 : memref<1x632x16xf32, #tpu.memory_space<hbm>> -> memref<632x16xf32, #tpu.memory_space<hbm>>
      %dma_wait3A_38 = arith.constant 0 : i32
      %dma_wait3A_39 = tpu.memref_slice %arg6[%mul3A_31, %dma_wait3A_38] : memref<10112x16xf32, #tpu.memory_space<vmem_shared>> -> memref<632x16xf32, #tpu.memory_space<vmem_shared>>
      tpu.wait_dma2 semaphore(%run_scoped3A : memref<!tpu.dma_semaphore, #tpu.memory_space<semaphore_mem>>) src(%dma_wait3A_39 : memref<632x16xf32, #tpu.memory_space<vmem_shared>>) dst(%dma_wait3A_37 : memref<632x16xf32, #tpu.memory_space<hbm>>)
      tpu.yield
    }) : () -> ()
    return
  }
}

module attributes {stable_mosaic.version = 14 : i64} {
  func.func @_wr_body(%arg0: memref<10000x128xf32, #tpu.memory_space<vmem>>, %arg1: memref<128x128xf32, #tpu.memory_space<vmem>>, %arg2: memref<1x128xf32, #tpu.memory_space<vmem>>, %arg3: memref<10000x128xf32, #tpu.memory_space<vmem>>) attributes {dimension_semantics = [], scalar_prefetch = 0 : i64, scratch_operands = 0 : i64, tpu.core_type = #tpu.core_type<tc>} {
    %get3A = arith.constant 0 : index
    %get3A_0 = arith.constant 0 : index
    %get3A_1 = vector.load %arg0[%get3A, %get3A_0] : memref<10000x128xf32, #tpu.memory_space<vmem>>, vector<10000x128xf32>
    %get3A_2 = arith.constant 0 : index
    %get3A_3 = arith.constant 0 : index
    %get3A_4 = vector.load %arg1[%get3A_2, %get3A_3] : memref<128x128xf32, #tpu.memory_space<vmem>>, vector<128x128xf32>
    %dot_general3A = arith.constant dense<0.000000e+00> : vector<10000x128xf32>
    %dot_general3A_5 = tpu.matmul %get3A_1, %get3A_4, %dot_general3A {dimension_numbers = #tpu.dot_dimension_numbers<[1], [0], [0], [1], [0, 0, 1, 1], [], []>, transpose_lhs_hint = false} : vector<10000x128xf32>, vector<128x128xf32>, vector<10000x128xf32> -> vector<10000x128xf32>
    %get3A_6 = arith.constant 0 : index
    %get3A_7 = arith.constant 0 : index
    %get3A_8 = vector.load %arg2[%get3A_6, %get3A_7] : memref<1x128xf32, #tpu.memory_space<vmem>>, vector<1x128xf32>
    %add3A = vector.broadcast %get3A_8 : vector<1x128xf32> to vector<10000x128xf32>
    %add3A_9 = arith.addf %dot_general3A_5, %add3A : vector<10000x128xf32>
    %swap3A = arith.constant 0 : index
    %swap3A_10 = arith.constant 0 : index
    %swap3A_11 = vector.load %arg3[%swap3A, %swap3A_10] : memref<10000x128xf32, #tpu.memory_space<vmem>>, vector<10000x128xf32>
    tpu.vector_store %arg3[%swap3A, %swap3A_10], %add3A_9 {strides = array<i32>} : memref<10000x128xf32, #tpu.memory_space<vmem>>, vector<10000x128xf32>,
    return
  }
}

module attributes {stable_mosaic.version = 14 : i64} {
  func.func @_combine1_body(%arg0: memref<10000x128xf32, #tpu.memory_space<vmem>>, %arg1: memref<10000x128xf32, #tpu.memory_space<vmem>>, %arg2: memref<10000x16xf32, #tpu.memory_space<vmem>>, %arg3: memref<10000x16xf32, #tpu.memory_space<vmem>>, %arg4: memref<10000x128xf32, #tpu.memory_space<vmem>>, %arg5: memref<128x128xf32, #tpu.memory_space<vmem>>, %arg6: memref<10000x128xf32, #tpu.memory_space<vmem>>) attributes {dimension_semantics = [], scalar_prefetch = 0 : i64, scratch_operands = 0 : i64, tpu.core_type = #tpu.core_type<tc>} {
    %get3A = arith.constant 0 : index
    %get3A_0 = arith.constant 0 : index
    %get3A_1 = vector.load %arg2[%get3A, %get3A_0] : memref<10000x16xf32, #tpu.memory_space<vmem>>, vector<10000x1xf32>
    %get3A_2 = arith.constant 0 : index
    %get3A_3 = arith.constant 0 : index
    %get3A_4 = vector.load %arg3[%get3A_2, %get3A_3] : memref<10000x16xf32, #tpu.memory_space<vmem>>, vector<10000x1xf32>
    %add3A = arith.addf %get3A_1, %get3A_4 : vector<10000x1xf32>
    %jit3A = arith.constant 1.000000e+00 : f32
    %max3A = vector.broadcast %jit3A : f32 to vector<10000x1xf32>
    %max3A_5 = arith.maximumf %max3A, %add3A : vector<10000x1xf32>
    %get3A_6 = arith.constant 0 : index
    %get3A_7 = arith.constant 0 : index
    %get3A_8 = vector.load %arg0[%get3A_6, %get3A_7] : memref<10000x128xf32, #tpu.memory_space<vmem>>, vector<10000x128xf32>
    %get3A_9 = arith.constant 0 : index
    %get3A_10 = arith.constant 0 : index
    %get3A_11 = vector.load %arg1[%get3A_9, %get3A_10] : memref<10000x128xf32, #tpu.memory_space<vmem>>, vector<10000x128xf32>
    %add3A_12 = arith.addf %get3A_8, %get3A_11 : vector<10000x128xf32>
    %div3A = vector.broadcast %max3A_5 : vector<10000x1xf32> to vector<10000x128xf32>
    %div3A_13 = arith.divf %add3A_12, %div3A : vector<10000x128xf32>
    %get3A_14 = arith.constant 0 : index
    %get3A_15 = arith.constant 0 : index
    %get3A_16 = vector.load %arg5[%get3A_14, %get3A_15] : memref<128x128xf32, #tpu.memory_space<vmem>>, vector<128x128xf32>
    %dot_general3A = arith.constant dense<0.000000e+00> : vector<10000x128xf32>
    %dot_general3A_17 = tpu.matmul %div3A_13, %get3A_16, %dot_general3A {dimension_numbers = #tpu.dot_dimension_numbers<[1], [0], [0], [1], [0, 0, 1, 1], [], []>, transpose_lhs_hint = false} : vector<10000x128xf32>, vector<128x128xf32>, vector<10000x128xf32> -> vector<10000x128xf32>
    %get3A_18 = arith.constant 0 : index
    %get3A_19 = arith.constant 0 : index
    %get3A_20 = vector.load %arg4[%get3A_18, %get3A_19] : memref<10000x128xf32, #tpu.memory_space<vmem>>, vector<10000x128xf32>
    %add3A_21 = arith.addf %dot_general3A_17, %get3A_20 : vector<10000x128xf32>
    %max3A_22 = arith.constant 0.000000e+00 : f32
    %max3A_23 = vector.broadcast %max3A_22 : f32 to vector<10000x128xf32>
    %max3A_24 = arith.maximumf %add3A_21, %max3A_23 : vector<10000x128xf32>
    %swap3A = arith.constant 0 : index
    %swap3A_25 = arith.constant 0 : index
    %swap3A_26 = vector.load %arg6[%swap3A, %swap3A_25] : memref<10000x128xf32, #tpu.memory_space<vmem>>, vector<10000x128xf32>
    tpu.vector_store %arg6[%swap3A, %swap3A_25], %max3A_24 {strides = array<i32>} : memref<10000x128xf32, #tpu.memory_space<vmem>>, vector<10000x128xf32>,
    return
  }
}

module attributes {stable_mosaic.version = 14 : i64} {
  func.func @_head_body(%arg0: memref<10000x128xf32, #tpu.memory_space<vmem>>, %arg1: memref<10000x128xf32, #tpu.memory_space<vmem>>, %arg2: memref<10000x16xf32, #tpu.memory_space<vmem>>, %arg3: memref<10000x16xf32, #tpu.memory_space<vmem>>, %arg4: memref<10000x128xf32, #tpu.memory_space<vmem>>, %arg5: memref<128x128xf32, #tpu.memory_space<vmem>>, %arg6: memref<128x128xf32, #tpu.memory_space<vmem>>, %arg7: memref<1x128xf32, #tpu.memory_space<vmem>>, %arg8: memref<1x128xf32, #tpu.memory_space<vmem>>, %arg9: memref<1x128xf32, #tpu.memory_space<vmem>>, %arg10: memref<128x64xf32, #tpu.memory_space<vmem>>, %arg11: memref<1x64xf32, #tpu.memory_space<vmem>>, %arg12: memref<1x64xf32, #tpu.memory_space<vmem>>, %arg13: memref<1x64xf32, #tpu.memory_space<vmem>>, %arg14: memref<64x1xf32, #tpu.memory_space<vmem>>, %arg15: memref<1x1xf32, #tpu.memory_space<vmem>>, %arg16: memref<10000x128xf32, #tpu.memory_space<vmem>>, %arg17: memref<10000x1xf32, #tpu.memory_space<vmem>>) attributes {dimension_semantics = [], scalar_prefetch = 0 : i64, scratch_operands = 0 : i64, tpu.core_type = #tpu.core_type<tc>} {
    %get3A = arith.constant 0 : index
    %get3A_0 = arith.constant 0 : index
    %get3A_1 = vector.load %arg2[%get3A, %get3A_0] : memref<10000x16xf32, #tpu.memory_space<vmem>>, vector<10000x1xf32>
    %get3A_2 = arith.constant 0 : index
    %get3A_3 = arith.constant 0 : index
    %get3A_4 = vector.load %arg3[%get3A_2, %get3A_3] : memref<10000x16xf32, #tpu.memory_space<vmem>>, vector<10000x1xf32>
    %add3A = arith.addf %get3A_1, %get3A_4 : vector<10000x1xf32>
    %jit3A = arith.constant 1.000000e+00 : f32
    %max3A = vector.broadcast %jit3A : f32 to vector<10000x1xf32>
    %max3A_5 = arith.maximumf %max3A, %add3A : vector<10000x1xf32>
    %get3A_6 = arith.constant 0 : index
    %get3A_7 = arith.constant 0 : index
    %get3A_8 = vector.load %arg0[%get3A_6, %get3A_7] : memref<10000x128xf32, #tpu.memory_space<vmem>>, vector<10000x128xf32>
    %get3A_9 = arith.constant 0 : index
    %get3A_10 = arith.constant 0 : index
    %get3A_11 = vector.load %arg1[%get3A_9, %get3A_10] : memref<10000x128xf32, #tpu.memory_space<vmem>>, vector<10000x128xf32>
    %add3A_12 = arith.addf %get3A_8, %get3A_11 : vector<10000x128xf32>
    %div3A = vector.broadcast %max3A_5 : vector<10000x1xf32> to vector<10000x128xf32>
    %div3A_13 = arith.divf %add3A_12, %div3A : vector<10000x128xf32>
    %get3A_14 = arith.constant 0 : index
    %get3A_15 = arith.constant 0 : index
    %get3A_16 = vector.load %arg5[%get3A_14, %get3A_15] : memref<128x128xf32, #tpu.memory_space<vmem>>, vector<128x128xf32>
    %dot_general3A = arith.constant dense<0.000000e+00> : vector<10000x128xf32>
    %dot_general3A_17 = tpu.matmul %div3A_13, %get3A_16, %dot_general3A {dimension_numbers = #tpu.dot_dimension_numbers<[1], [0], [0], [1], [0, 0, 1, 1], [], []>, transpose_lhs_hint = false} : vector<10000x128xf32>, vector<128x128xf32>, vector<10000x128xf32> -> vector<10000x128xf32>
    %get3A_18 = arith.constant 0 : index
    %get3A_19 = arith.constant 0 : index
    %get3A_20 = vector.load %arg4[%get3A_18, %get3A_19] : memref<10000x128xf32, #tpu.memory_space<vmem>>, vector<10000x128xf32>
    %add3A_21 = arith.addf %dot_general3A_17, %get3A_20 : vector<10000x128xf32>
    %max3A_22 = arith.constant 0.000000e+00 : f32
    %max3A_23 = vector.broadcast %max3A_22 : f32 to vector<10000x128xf32>
    %max3A_24 = arith.maximumf %add3A_21, %max3A_23 : vector<10000x128xf32>
    %swap3A = arith.constant 0 : index
    %swap3A_25 = arith.constant 0 : index
    %swap3A_26 = vector.load %arg16[%swap3A, %swap3A_25] : memref<10000x128xf32, #tpu.memory_space<vmem>>, vector<10000x128xf32>
    tpu.vector_store %arg16[%swap3A, %swap3A_25], %max3A_24 {strides = array<i32>} : memref<10000x128xf32, #tpu.memory_space<vmem>>, vector<10000x128xf32>,
    %get3A_27 = arith.constant 0 : index
    %get3A_28 = arith.constant 0 : index
    %get3A_29 = vector.load %arg6[%get3A_27, %get3A_28] : memref<128x128xf32, #tpu.memory_space<vmem>>, vector<128x128xf32>
    %dot_general3A_30 = arith.constant dense<0.000000e+00> : vector<10000x128xf32>
    %dot_general3A_31 = tpu.matmul %max3A_24, %get3A_29, %dot_general3A_30 {dimension_numbers = #tpu.dot_dimension_numbers<[1], [0], [0], [1], [0, 0, 1, 1], [], []>, transpose_lhs_hint = false} : vector<10000x128xf32>, vector<128x128xf32>, vector<10000x128xf32> -> vector<10000x128xf32>
    %get3A_32 = arith.constant 0 : index
    %get3A_33 = arith.constant 0 : index
    %get3A_34 = vector.load %arg7[%get3A_32, %get3A_33] : memref<1x128xf32, #tpu.memory_space<vmem>>, vector<1x128xf32>
    %add3A_35 = vector.broadcast %get3A_34 : vector<1x128xf32> to vector<10000x128xf32>
    %add3A_36 = arith.addf %dot_general3A_31, %add3A_35 : vector<10000x128xf32>
    %get3A_37 = arith.constant 0 : index
    %get3A_38 = arith.constant 0 : index
    %get3A_39 = vector.load %arg8[%get3A_37, %get3A_38] : memref<1x128xf32, #tpu.memory_space<vmem>>, vector<1x128xf32>
    %get3A_40 = arith.constant 0 : index
    %get3A_41 = arith.constant 0 : index
    %get3A_42 = vector.load %arg9[%get3A_40, %get3A_41] : memref<1x128xf32, #tpu.memory_space<vmem>>, vector<1x128xf32>
    %reduce_sum3A = arith.constant dense<0.000000e+00> : vector<128xf32>
    %reduce_sum3A_43 = vector.multi_reduction <add>, %add3A_36, %reduce_sum3A [0] : vector<10000x128xf32> to vector<128xf32>
    %broadcast_in_dim3A = vector.shape_cast %reduce_sum3A_43 : vector<128xf32> to vector<1x128xf32>
    %div3A_44 = arith.constant 1.000000e+04 : f32
    %div3A_45 = vector.broadcast %div3A_44 : f32 to vector<1x128xf32>
    %div3A_46 = arith.divf %broadcast_in_dim3A, %div3A_45 : vector<1x128xf32>
    %sub3A = vector.broadcast %div3A_46 : vector<1x128xf32> to vector<10000x128xf32>
    %sub3A_47 = arith.subf %add3A_36, %sub3A : vector<10000x128xf32>
    %sub3A_48 = vector.broadcast %div3A_46 : vector<1x128xf32> to vector<10000x128xf32>
    %sub3A_49 = arith.subf %add3A_36, %sub3A_48 : vector<10000x128xf32>
    %mul3A = arith.mulf %sub3A_47, %sub3A_49 : vector<10000x128xf32>
    %reduce_sum3A_50 = arith.constant dense<0.000000e+00> : vector<128xf32>
    %reduce_sum3A_51 = vector.multi_reduction <add>, %mul3A, %reduce_sum3A_50 [0] : vector<10000x128xf32> to vector<128xf32>
    %broadcast_in_dim3A_52 = vector.shape_cast %reduce_sum3A_51 : vector<128xf32> to vector<1x128xf32>
    %div3A_53 = arith.constant 1.000000e+04 : f32
    %div3A_54 = vector.broadcast %div3A_53 : f32 to vector<1x128xf32>
    %div3A_55 = arith.divf %broadcast_in_dim3A_52, %div3A_54 : vector<1x128xf32>
    %sub3A_56 = vector.broadcast %div3A_46 : vector<1x128xf32> to vector<10000x128xf32>
    %sub3A_57 = arith.subf %add3A_36, %sub3A_56 : vector<10000x128xf32>
    %add3A_58 = arith.constant 9.99999974E-6 : f32
    %add3A_59 = vector.broadcast %add3A_58 : f32 to vector<1x128xf32>
    %add3A_60 = arith.addf %div3A_55, %add3A_59 : vector<1x128xf32>
    %rsqrt3A = math.rsqrt %add3A_60 : vector<1x128xf32>
    %mul3A_61 = vector.broadcast %rsqrt3A : vector<1x128xf32> to vector<10000x128xf32>
    %mul3A_62 = arith.mulf %sub3A_57, %mul3A_61 : vector<10000x128xf32>
    %mul3A_63 = vector.broadcast %get3A_39 : vector<1x128xf32> to vector<10000x128xf32>
    %mul3A_64 = arith.mulf %mul3A_62, %mul3A_63 : vector<10000x128xf32>
    %add3A_65 = vector.broadcast %get3A_42 : vector<1x128xf32> to vector<10000x128xf32>
    %add3A_66 = arith.addf %mul3A_64, %add3A_65 : vector<10000x128xf32>
    %max3A_67 = arith.constant 0.000000e+00 : f32
    %max3A_68 = vector.broadcast %max3A_67 : f32 to vector<10000x128xf32>
    %max3A_69 = arith.maximumf %add3A_66, %max3A_68 : vector<10000x128xf32>
    %get3A_70 = arith.constant 0 : index
    %get3A_71 = arith.constant 0 : index
    %get3A_72 = vector.load %arg10[%get3A_70, %get3A_71] : memref<128x64xf32, #tpu.memory_space<vmem>>, vector<128x64xf32>
    %dot_general3A_73 = arith.constant dense<0.000000e+00> : vector<10000x64xf32>
    %dot_general3A_74 = tpu.matmul %max3A_69, %get3A_72, %dot_general3A_73 {dimension_numbers = #tpu.dot_dimension_numbers<[1], [0], [0], [1], [0, 0, 1, 1], [], []>, transpose_lhs_hint = false} : vector<10000x128xf32>, vector<128x64xf32>, vector<10000x64xf32> -> vector<10000x64xf32>
    %get3A_75 = arith.constant 0 : index
    %get3A_76 = arith.constant 0 : index
    %get3A_77 = vector.load %arg11[%get3A_75, %get3A_76] : memref<1x64xf32, #tpu.memory_space<vmem>>, vector<1x64xf32>
    %add3A_78 = vector.broadcast %get3A_77 : vector<1x64xf32> to vector<10000x64xf32>
    %add3A_79 = arith.addf %dot_general3A_74, %add3A_78 : vector<10000x64xf32>
    %get3A_80 = arith.constant 0 : index
    %get3A_81 = arith.constant 0 : index
    %get3A_82 = vector.load %arg12[%get3A_80, %get3A_81] : memref<1x64xf32, #tpu.memory_space<vmem>>, vector<1x64xf32>
    %get3A_83 = arith.constant 0 : index
    %get3A_84 = arith.constant 0 : index
    %get3A_85 = vector.load %arg13[%get3A_83, %get3A_84] : memref<1x64xf32, #tpu.memory_space<vmem>>, vector<1x64xf32>
    %reduce_sum3A_86 = arith.constant dense<0.000000e+00> : vector<64xf32>
    %reduce_sum3A_87 = vector.multi_reduction <add>, %add3A_79, %reduce_sum3A_86 [0] : vector<10000x64xf32> to vector<64xf32>
    %broadcast_in_dim3A_88 = vector.shape_cast %reduce_sum3A_87 : vector<64xf32> to vector<1x64xf32>
    %div3A_89 = arith.constant 1.000000e+04 : f32
    %div3A_90 = vector.broadcast %div3A_89 : f32 to vector<1x64xf32>
    %div3A_91 = arith.divf %broadcast_in_dim3A_88, %div3A_90 : vector<1x64xf32>
    %sub3A_92 = vector.broadcast %div3A_91 : vector<1x64xf32> to vector<10000x64xf32>
    %sub3A_93 = arith.subf %add3A_79, %sub3A_92 : vector<10000x64xf32>
    %sub3A_94 = vector.broadcast %div3A_91 : vector<1x64xf32> to vector<10000x64xf32>
    %sub3A_95 = arith.subf %add3A_79, %sub3A_94 : vector<10000x64xf32>
    %mul3A_96 = arith.mulf %sub3A_93, %sub3A_95 : vector<10000x64xf32>
    %reduce_sum3A_97 = arith.constant dense<0.000000e+00> : vector<64xf32>
    %reduce_sum3A_98 = vector.multi_reduction <add>, %mul3A_96, %reduce_sum3A_97 [0] : vector<10000x64xf32> to vector<64xf32>
    %broadcast_in_dim3A_99 = vector.shape_cast %reduce_sum3A_98 : vector<64xf32> to vector<1x64xf32>
    %div3A_100 = arith.constant 1.000000e+04 : f32
    %div3A_101 = vector.broadcast %div3A_100 : f32 to vector<1x64xf32>
    %div3A_102 = arith.divf %broadcast_in_dim3A_99, %div3A_101 : vector<1x64xf32>
    %sub3A_103 = vector.broadcast %div3A_91 : vector<1x64xf32> to vector<10000x64xf32>
    %sub3A_104 = arith.subf %add3A_79, %sub3A_103 : vector<10000x64xf32>
    %add3A_105 = arith.constant 9.99999974E-6 : f32
    %add3A_106 = vector.broadcast %add3A_105 : f32 to vector<1x64xf32>
    %add3A_107 = arith.addf %div3A_102, %add3A_106 : vector<1x64xf32>
    %rsqrt3A_108 = math.rsqrt %add3A_107 : vector<1x64xf32>
    %mul3A_109 = vector.broadcast %rsqrt3A_108 : vector<1x64xf32> to vector<10000x64xf32>
    %mul3A_110 = arith.mulf %sub3A_104, %mul3A_109 : vector<10000x64xf32>
    %mul3A_111 = vector.broadcast %get3A_82 : vector<1x64xf32> to vector<10000x64xf32>
    %mul3A_112 = arith.mulf %mul3A_110, %mul3A_111 : vector<10000x64xf32>
    %add3A_113 = vector.broadcast %get3A_85 : vector<1x64xf32> to vector<10000x64xf32>
    %add3A_114 = arith.addf %mul3A_112, %add3A_113 : vector<10000x64xf32>
    %max3A_115 = arith.constant 0.000000e+00 : f32
    %max3A_116 = vector.broadcast %max3A_115 : f32 to vector<10000x64xf32>
    %max3A_117 = arith.maximumf %add3A_114, %max3A_116 : vector<10000x64xf32>
    %get3A_118 = arith.constant 0 : index
    %get3A_119 = arith.constant 0 : index
    %get3A_120 = vector.load %arg14[%get3A_118, %get3A_119] : memref<64x1xf32, #tpu.memory_space<vmem>>, vector<64x1xf32>
    %dot_general3A_121 = arith.constant dense<0.000000e+00> : vector<10000x1xf32>
    %dot_general3A_122 = tpu.matmul %max3A_117, %get3A_120, %dot_general3A_121 {dimension_numbers = #tpu.dot_dimension_numbers<[1], [0], [0], [1], [0, 0, 1, 1], [], []>, transpose_lhs_hint = false} : vector<10000x64xf32>, vector<64x1xf32>, vector<10000x1xf32> -> vector<10000x1xf32>
    %get3A_123 = arith.constant 0 : index
    %get3A_124 = arith.constant 0 : index
    %get3A_125 = vector.load %arg15[%get3A_123, %get3A_124] : memref<1x1xf32, #tpu.memory_space<vmem>>, vector<1x1xf32>
    %add3A_126 = vector.broadcast %get3A_125 : vector<1x1xf32> to vector<10000x1xf32>
    %add3A_127 = arith.addf %dot_general3A_122, %add3A_126 : vector<10000x1xf32>
    %swap3A_128 = arith.constant 0 : index
    %swap3A_129 = arith.constant 0 : index
    %swap3A_130 = vector.load %arg17[%swap3A_128, %swap3A_129] : memref<10000x1xf32, #tpu.memory_space<vmem>>, vector<10000x1xf32>
    tpu.vector_store %arg17[%swap3A_128, %swap3A_129], %add3A_127 {strides = array<i32>} : memref<10000x1xf32, #tpu.memory_space<vmem>>, vector<10000x1xf32>,
    return
  }
}

</mosaic_0001>

<sc_bundles>
// kernel: kernel.12.cloned.1.call-start
scs
__scs_entry_jumppad:
0x0: {  	(pc) =	sbr.rel $0x88, $3  }
0x1: {  	(tag) =	ssettag $0x0;
	lr =	simm.s32 $0x1  }
0x2: {  	[smem:$0x3F8F] =	sst lr;
	_ =	strace $0xD0000000  }
0x3: {  	_ = 	snop  }
0x4: {  	_ = 	snop  }
0x5: {  	_ = 	snop  }
0x6: {  	_ = 	snop  }
0x7: {  	_ = 	snop  }
__scs_overlays_trampoline_lowered:
0x8: {  	[smem:$0x3F9E] =	sst s0  }
0x9: {  	[smem:$0x3F9F] =	sst s1  }
0xa: {  	[smem:$0x3FA0] =	sst s2  }
0xb: {  	[smem:$0x3FA1] =	sst s3  }
0xc: {  	[smem:$0x3FA2] =	sst s4  }
0xd: {  	[smem:$0x3FA3] =	sst s5  }
0xe: {  	[smem:$0x3FA4] =	sst s6  }
0xf: {  	[smem:$0x3FA5] =	sst s7  }
0x10: {  	[smem:$0x3FA6] =	sst s8  }
0x11: {  	[smem:$0x3FA7] =	sst s9;
	s0 =	simm.s32 @!p0 $0x0  }
0x12: {  	s1 =	sld [smem:$0x3F8D];
	s0 =	simm.s32 @p0 $0x1  }
0x13: {  	[smem:$0x3FA8] =	sst s0;
	s0 =	simm.s32 @!p1 $0x0  }
0x14: {  	s2 =	sld [smem:$0x3F8C];
	s0 =	simm.s32 @p1 $0x1  }
0x15: {  	[smem:$0x3FA9] =	sst s0;
	s0 =	simm.s32 @!p2 $0x0  }
0x16: {  	s3 =	sld [smem:$0x3FDB];
	s0 =	simm.s32 @p2 $0x1  }
0x17: {  	s4 =	simm.s32 $0x1BF5;
	[smem:$0x3FAB] =	sst s0  }
0x18: {  	s0 =	sld [smem:$0x3F8E];
	_ =	swait.ge [sflag:s4], $0x0  }
0x19: {  	s7 =	sld [smem:$0x3F8F]  }
0x1a: {  	s8 =	sadd.s32 $0xFFFFE003, lr  }
0x1b: {  	s9 =	sadd.s32 $0xFFFFFEF7, lr;
	s5 =	simm.s32 $0xFFFFFFFF;
	p2 =	slt.u32 s8, $0xFFFFF086  }
0x1c: {  	p1 =	slt.u32 s9, $0xF7A;
	s5 =	simm.s32 @!p2 $0x0  }
0x1d: {  	s5 =	simm.s32 @p1 $0x1;
	p0 =	seq.s32 s7, s2  }
0x1e: {  	s7 =	smul.u32 @!p0 $0xF7A, s2;
	p2 =	seq.s32 @!p0 s5, $0x0  }
0x1f: {  	s9 =	smul.u32 $0xF7A, s1;
	s8 =	simm.s32 @!p0 $0x1BF5;
	p2 =	por !p2, p0  }
0x20: {  	[sflag:s8] =	ssyncset.s32 @!p0 $0xFFFFF086;
	s6 =	sadd.s32 @!p0 s3, s7;
	s7 =	simm.s32 @!p0 $0x108  }
0x21: {  	s3 =	sadd.s32 s3, s9;
	s6 =	sadd.s32 @!p0 $0x88, s6;
	s7 =	simm.s32 @p2 $0x1082  }
0x22: {  	[simem:s7], [sflag:s8] =	dma.local @!p0 [hbm:s6], $0xF7A  }
0x23: {  	s9 =	sor.u32 $0xD0000000, s2;
	s6 =	simm.s32 $0x108;
	_ =	swait.ge @!p0 [sflag:s8], $0x0  }
0x24: {  	s3 =	sadd.s32 $0x88, s3;
	s6 =	simm.s32 @!p1 $0x1082;
	[sflag:s4] =	ssyncset.s32 $0xFFFFF086  }
0x25: {  	[simem:s6], [sflag:s4] =	dma.local [hbm:s3], $0xF7A  }
0x26: {  	[smem:$0x3F8F] =	sst s1;
	(tag) =	ssettag s2;
	_ =	strace s9  }
0x27: {  	s1 =	sld [smem:$0x3F9F]  }
0x28: {  	s2 =	sld [smem:$0x3FA0]  }
0x29: {  	s4 =	sld [smem:$0x3FA2]  }
0x2a: {  	p0 =	seq.s32 s5, $0x0;
	s5 =	sld [smem:$0x3FA3]  }
0x2b: {  	s6 =	sld [smem:$0x3FA4]  }
0x2c: {  	s7 =	sld [smem:$0x3FA5]  }
0x2d: {  	s3 =	simm.s32 $0x108;
	s8 =	sld [smem:$0x3FA6]  }
0x2e: {  	s3 =	simm.s32 @!p0 $0x1082;
	s9 =	sld [smem:$0x3FA7]  }
0x2f: {  	lr =	sadd.s32 s0, s3;
	s0 =	sld [smem:$0x3F9E]  }
0x30: {  	s3 =	sld [smem:$0x3FA1]  }
0x31: {  	[smem:$0x3FAA] =	sst s10  }
0x32: {  	s10 =	sld [smem:$0x3FA8];
	_ =	sdelay $0x3  }
0x33: {  	p0 =	seq.s32 s10, $0x1;
	s10 =	sld [smem:$0x3FAA];
	_ =	sdelay $0x3  }
0x34: {  	[smem:$0x3FAA] =	sst s10  }
0x35: {  	s10 =	sld [smem:$0x3FA9];
	_ =	sdelay $0x3  }
0x36: {  	p1 =	seq.s32 s10, $0x1;
	s10 =	sld [smem:$0x3FAA];
	_ =	sdelay $0x3  }
0x37: {  	[smem:$0x3FAA] =	sst s10  }
0x38: {  	s10 =	sld [smem:$0x3FAB]  }
0x39: {  	_ = 	snop;
	(pc) =	sbr.ind lr, $3  }
0x3a: {  	_ = 	snop  }
0x3b: {  	_ = 	snop  }
0x3c: {  	p2 =	seq.s32 s10, $0x1;
	s10 =	sld [smem:$0x3FAA]  }
0x3d: {  	_ =	shalt  }
0x3e: {  	_ =	shalt  }
0x3f: {  	_ =	shalt  }
0x40: {  	_ =	shalt  }
0x41: {  	_ =	shalt  }
0x42: {  	_ =	shalt  }
0x43: {  	_ =	shalt  }
0x44: {  	_ =	shalt  }
0x45: {  	_ =	shalt  }
0x46: {  	_ =	shalt  }
0x47: {  	_ =	shalt  }
0x48: {  	_ =	shalt  }
0x49: {  	_ =	shalt  }
0x4a: {  	_ =	shalt  }
0x4b: {  	_ =	shalt  }
0x4c: {  	_ =	shalt  }
0x4d: {  	_ =	shalt  }
0x4e: {  	_ =	shalt  }
0x4f: {  	_ =	shalt  }
0x50: {  	_ =	shalt  }
0x51: {  	_ =	shalt  }
0x52: {  	_ =	shalt  }
0x53: {  	_ =	shalt  }
0x54: {  	_ =	shalt  }
0x55: {  	_ =	shalt  }
0x56: {  	_ =	shalt  }
0x57: {  	_ =	shalt  }
0x58: {  	_ =	shalt  }
0x59: {  	_ =	shalt  }
0x5a: {  	_ =	shalt  }
0x5b: {  	_ =	shalt  }
0x5c: {  	_ =	shalt  }
0x5d: {  	_ =	shalt  }
0x5e: {  	_ =	shalt  }
0x5f: {  	_ =	shalt  }
0x60: {  	_ =	shalt  }
0x61: {  	_ =	shalt  }
0x62: {  	_ =	shalt  }
0x63: {  	_ =	shalt  }
0x64: {  	_ =	shalt  }
0x65: {  	_ =	shalt  }
0x66: {  	_ =	shalt  }
0x67: {  	_ =	shalt  }
0x68: {  	_ =	shalt  }
0x69: {  	_ =	shalt  }
0x6a: {  	_ =	shalt  }
0x6b: {  	_ =	shalt  }
0x6c: {  	_ =	shalt  }
0x6d: {  	_ =	shalt  }
0x6e: {  	_ =	shalt  }
0x6f: {  	_ =	shalt  }
0x70: {  	_ =	shalt  }
0x71: {  	_ =	shalt  }
0x72: {  	_ =	shalt  }
0x73: {  	_ =	shalt  }
0x74: {  	_ =	shalt  }
0x75: {  	_ =	shalt  }
0x76: {  	_ =	shalt  }
0x77: {  	_ =	shalt  }
0x78: {  	_ =	shalt  }
0x79: {  	_ =	shalt  }
0x7a: {  	_ =	shalt  }
0x7b: {  	_ =	shalt  }
0x7c: {  	_ =	shalt  }
0x7d: {  	_ =	shalt  }
0x7e: {  	_ =	shalt  }
0x7f: {  	_ =	shalt  }
0x80: {  	_ =	shalt  }
0x81: {  	_ =	shalt  }
0x82: {  	_ =	shalt  }
0x83: {  	_ =	shalt  }
0x84: {  	_ =	shalt  }
0x85: {  	_ =	shalt  }
0x86: {  	_ =	shalt  }
0x87: {  	_ =	shalt  }
.Lfunc_end0:
.L_simem_size_0:
called_computation.1_lowered:
.L_overlay_start_0:
0x88: {  	s2 =	sld [smem:$0x3FD9]  }
0x89: {  	s3 =	sld [smem:$0x3FFE];
	_ =	sdelay $0x1  }
0x8a: {  	s1 =	srdreg.scid  }
0x8b: {  	s0 =	sand.u32 $0x1, s1  }
0x8c: {  	s17 =	sshll.u32 s0, $0xA;
	s2 =	sadd.s32 s3, s2  }
0x8d: {  	s2 =	sadd.s32 s2, s17  }
0x8e: {  	[smem:$0x3FB6] =	sst s2  }
0x8f: {  	_ = 	snop  }
0x90: {  	s2 =	sld [smem:$0x3FC9];
	(tm) =	ssettm $0x1  }
0x91: {  	s18 =	sld [smem:$0x3FFB];
	_ =	sdelay $0x3  }
0x92: {  	_ =	strace s18  }
0x93: {  	s3 =	sld [smem:$0x3FFC];
	_ =	sdelay $0x3  }
0x94: {  	_ =	strace s3  }
0x95: {  	s3 =	sld [smem:$0x3FFD];
	_ =	sdelay $0x3  }
0x96: {  	_ =	strace s3  }
0x97: {  	_ =	strace $0x8FFFFFFF  }
0x98: {  	s19 =	sld [smem:$0x3FDB];
	_ =	sdelay $0x1  }
0x99: {  	s4 =	simm.s32 $_scs_section_size  }
0x9a: {  	s5 =	simm.s32 $_size__tile_overlayer_lowered;
	s6 =	simm.s32 $_tile_overlayer_lowered  }
0x9b: {  	s22 =	simm.s32 $0x1BFF;
	s21 =	sshll.u32 s6, $0x1;
	s3 =	sadd.s32 s4, s19  }
0x9c: {  	s7 =	simm.s32 $0x0;
	s20 =	sshll.u32 s5, $0x1;
	s5 =	sadd.s32 s21, s3  }
0x9d: {  	[timem:s7], [sflag:s22] =	dma.local [hbm:s5], s20  }
0x9e: {  	_ =	swait.ge [sflag:s22], s20  }
0x9f: {  	s4 =	ssub.s32 $0x0, s20;
	[sflag:s22] =	ssyncset.done $0x0  }
0xa0: {  	[sflag:s22] =	ssyncadd.s32 s4;
	_ =	sdelay $0x1  }
0xa1: {  	s23 =	simm.s32 $0x1B8B  }
0xa2: {  	_ =	swait.ge [sflag:s23], $0x1  }
0xa3: {  	[sflag:s23] =	ssyncset.done $0x0  }
0xa4: {  	s25 =	simm.s32 $0x1B8E;
	s24 =	sld [smem:$0x3FFE];
	[sflag:s23] =	ssyncadd.s32 $0xFFFFFFFF  }
0xa5: {  	s26 =	simm.s32 $execute0_lowered;
	[smem:$0x3FD2] =	sst s25  }
0xa6: {  	s5 =	sshll.u32 s26, $0x1;
	_ =	strace $0x80000046;
	[dreg:$0x1] =	wrdreg $0xFFFFFFFF  }
0xa7: {  	s28 =	simm.s32 $_size_execute0_lowered;
	s3 =	sadd.s32 s3, s5;
	[dreg:$0x0] =	wrdreg $0x0  }
0xa8: {  	s5 =	sshll.u32 s28, $0x1;
	[dreg:$0x2] =	wrdreg s3  }
0xa9: {  	[dreg:$0x3] =	wrdreg s5  }
0xaa: {  	[dreg:$0x4] =	wrdreg $0xC0  }
0xab: {  	_ =	task [dreg:s7], $0x5FFFF  }
0xac: {  	[dreg:$0x1] =	wrdreg $0xFFFFFFFF  }
0xad: {  	[dreg:$0x0] =	wrdreg $0x60  }
0xae: {  	[dreg:$0x2] =	wrdreg s2  }
0xaf: {  	[dreg:$0x3] =	wrdreg s24  }
0xb0: {  	[dreg:$0x4] =	wrdreg $0x0  }
0xb1: {  	[dreg:$0x5] =	wrdreg $0xA  }
0xb2: {  	_ =	task.clear_ibuf [dreg:s7], $0x6FFFF;
	_ =	strace $0x90000046  }
0xb3: {  	s29 =	simm.s32 $0xA;
	_ =	strace $0x80000048  }
0xb4: {  	_ =	swait.ge [sflag:s29], $0x1  }
0xb5: {  	[sflag:s29] =	ssyncadd.s32 $0xFFFFFFFF  }
0xb6: {  	_ =	strace $0x90000048  }
0xb7: {  	_ =	sfence  }
0xb8: {  	s30 =	sld [smem:$0x0];
	_ =	sdelay $0x2  }
0xb9: {  	s31 =	sshll.u32 s1, $0xD;
	s1 =	sshrl.u32 s1, $0x2  }
0xba: {  	s3 =	sand.u32 $0x4000, s31;
	s1 =	sadd.s32 s1, s30  }
0xbb: {  	s0 =	sor.u32 s3, s0;
	s1 =	sshll.u32 s1, $0x11  }
0xbc: {  	s0 =	sor.u32 s1, s0  }
0xbd: {  	s0 =	sadd.s32 $0x8F2B, s0  }
0xbe: {  	[sflag:s0] =	ssyncadd.remote.s32 $0x1  }
0xbf: {  	_ =	sfence.sel $0xFFFF  }
0xc0: {  	[dreg:$0x0] =	wrdreg $0xFFFFFFFF;
	(pc) =	sbr.abs _section_cstart, $3  }
0xc1: {  	[dreg:$0x1] =	wrdreg $0xFFFFFFFF  }
0xc2: {  	_ =	task.clear_ibuf [dreg:s7], $0x2FFFF;
	_ =	strace $0x9FFFFFFF  }
0xc3: {  	(tm) =	ssettm $0x7FFFFFFF  }
tec
execute0_lowered:
.L_overlay_start_1:
0x0: {  	(tag) =	ssettag $0x1  }
0x1: {  	s2 =	rddreg [dreg:$0x0]  }
0x2: {  	s0 =	rddreg [dreg:$0x1]  }
0x3: {  	s3 =	rddreg [dreg:$0x2];
	s1 =	stileid.u32  }
0x4: {  	s4 =	srdreg.scid;
	s5 =	simm.s32 $0x0;
	s20 =	simm.s32 $0x17080  }
0x5: {  	s21 =	simm.s32 $0x3;
	s28 =	simm.s32 $0x1;
	s6 =	smul.u32 $0x13C00, s1  }
0x6: {  	s29 =	simm.s32 $0x2;
	s30 =	simm.s32 $0x16FA0;
	s7 =	smul.u32 $0x348, s1  }
0x7: {  	s31 =	simm.s32 $0x17010;
	s4 =	sand.u32 $0x1, s4;
	s9 =	smul.u32 $0x4F000, s1  }
0x8: {  	[smem:$0x7FF] =	sst s5;
	s12 =	sadd.s32 $0xAE00, s0;
	s10 =	smul.u32 $0x3480, s1  }
0x9: {  	s15 =	sadd.s32 $0x4400, s0;
	s5 =	sadd.s32 $0x22200, s0;
	s22 =	smul.u32 $0x13C000, s4  }
0xa: {  	_ =	strace $0x80000047;
	s24 =	ssub.s32 $0x2, s4;
	p0 =	seq.s32 s4, $0x0  }
0xb: {  	s17 =	sadd.s32 s7, s0;
	s25 =	sshrl.u32 s9, $0x2;
	s26 =	sshrl.u32 s24, $0x1  }
0xc: {  	s13 =	sshrl.u32 s10, $0x3;
	s8 =	sadd.s32 s6, s22;
	s11 =	sadd.s32 s25, s3  }
0xd: {  	s19 =	ssub.s32 s24, s26;
	s6 =	sadd.s32 s6, s3;
	s16 =	sadd.s32 $0x348, s13  }
0xe: {  	s14 =	sadd.s32 s12, s13;
	s13 =	sadd.s32 s15, s13;
	s22 =	simm.s32 $0x13C00  }
0xf: {  	s24 =	simm.s32 $0x70;
	s25 =	simm.s32 $0x13C70;
	s26 =	simm.s32 $0x1A880  }
0x10: {  	s23 =	sshrl.u32 s8, $0x3;
	s7 =	sadd.s32 $0x3800, s11;
	s8 =	sadd.s32 $0x7000, s11  }
.Ltmp0:
0x11: {  	s9 =	sadd.s32 $0xA800, s11;
	[dreg:$0x4] =	wrdreg s14;
	(pc) =	sbr.rel .LBB2_1-.Ltmp0, $4  }
0x12: {  	s10 =	sadd.s32 $0xE000, s11;
	s11 =	sadd.s32 $0x11800, s11;
	[dreg:$0x5] =	wrdreg s13  }
0x13: {  	s14 =	sadd.s32 s12, s16;
	s15 =	sadd.s32 s15, s16;
	s16 =	sadd.s32 $0x1EC00, s17  }
0x14: {  	s17 =	sadd.s32 $0x1B600, s17;
	s19 =	smax.u32 s19, $0x1;
	s0 =	sadd.s32 s23, s0  }
0x15: {  	s23 =	simm.s32 $0x15640;
	s18 =	sadd.s32 $0x22A00, s0;
	s0 =	simm.s32 $0x0  }
.LBB2_9:
0x16: {  	[tilespmem:s26], [sflag:$0x2] =	stream.indirect.gather [hbm4b:s2+s24], $0x80, s12, s24, $0xb8;
	[tilespmem:$0x1E080] =	vst v63  }
.LBB2_10:
0x17: {  	_ =	swait.ge [sflag:s28], $0x3800  }
0x18: {  	[sflag:s28] =	ssyncset.done $0x0  }
0x19: {  	[sflag:s28] =	ssyncadd.s32 $0xFFFFC800  }
0x1a: {  	[spmem:s3] =	stream.indirect.scatter.add.f32 [tilespmem:s20], [sflag:$0x3], $0x80, s30, s24, $0xb8;
	[tilespmem:$0x1E080] =	vst v63  }
0x1b: {  	_ =	swait.ge [sflag:s21], $0x3800  }
0x1c: {  	[sflag:s21] =	ssyncset.done $0x0  }
0x1d: {  	[sflag:s21] =	ssyncadd.s32 $0xFFFFC800  }
0x1e: {  	_ =	swait.ge [sflag:s29], $0x3800  }
0x1f: {  	[sflag:s29] =	ssyncset.done $0x0  }
0x20: {  	[sflag:s29] =	ssyncadd.s32 $0xFFFFC800  }
0x21: {  	[spmem:s3] =	stream.indirect.scatter.add.f32 [tilespmem:s26], [sflag:$0x3], $0x80, s31, s24, $0xb8;
	[tilespmem:$0x1E080] =	vst v63  }
0x22: {  	_ =	swait.ge [sflag:s21], $0x3800  }
0x23: {  	s4 =	sshll.u32 s1, $0x6;
	s0 =	sadd.s32 $0x1, s0;
	[sflag:s21] =	ssyncset.done $0x0  }
0x24: {  	s12 =	sshrl.u32 s6, $0x3;
	p1 =	sne.s32 s0, s19;
	[sflag:s21] =	ssyncadd.s32 $0xFFFFC800  }
.Ltmp1:
0x25: {  	s4 =	sor.u32 $0x1C03, s4;
	[bflag:$0x0] =	sbarrier.arrive $0xFFFF;
	(pc) =	sbr.rel @!p1 .LBB2_11-.Ltmp1, $4  }
0x26: {  	[hbm:s18], [sflag:s4] =	dma.local [spmem:s12], $0x2780  }
0x27: {  	_ =	swait.ge [sflag:s21], $0x2780  }
0x28: {  	[sflag:s21] =	ssyncset.done $0x0  }
0x29: {  	[sflag:s21] =	ssyncadd.s32 $0xFFFFD880  }
.LBB2_1:
0x2a: {  	s4 =	simm.s32 $0x0  }
0x2b: {  	[tilespmem:s20], [sflag:$0x3] =	stream.linear.gather [hbm4b:s5+s4], $0x3800, $0x38;
	[tilespmem:$0x1E080] =	vst v63  }
0x2c: {  	_ =	swait.ge [sflag:s21], $0x3800  }
0x2d: {  	[sflag:s21] =	ssyncset.done $0x0  }
0x2e: {  	[sflag:s21] =	ssyncadd.s32 $0xFFFFC800  }
0x2f: {  	[spmem:s6] =	stream.linear.scatter [tilespmem:s20], [sflag:$0x3], $0x3800, $0x38;
	[tilespmem:$0x1E080] =	vst v63  }
0x30: {  	_ =	swait.ge [sflag:s21], $0x3800  }
0x31: {  	[sflag:s21] =	ssyncset.done $0x0  }
0x32: {  	[sflag:s21] =	ssyncadd.s32 $0xFFFFC800  }
0x33: {  	[spmem:s7] =	stream.linear.scatter [tilespmem:s20], [sflag:$0x3], $0x3800, $0x38;
	[tilespmem:$0x1E080] =	vst v63  }
0x34: {  	_ =	swait.ge [sflag:s21], $0x3800  }
0x35: {  	[sflag:s21] =	ssyncset.done $0x0  }
0x36: {  	[sflag:s21] =	ssyncadd.s32 $0xFFFFC800  }
0x37: {  	[spmem:s8] =	stream.linear.scatter [tilespmem:s20], [sflag:$0x3], $0x3800, $0x38;
	[tilespmem:$0x1E080] =	vst v63  }
0x38: {  	_ =	swait.ge [sflag:s21], $0x3800  }
0x39: {  	[sflag:s21] =	ssyncset.done $0x0  }
0x3a: {  	[sflag:s21] =	ssyncadd.s32 $0xFFFFC800  }
0x3b: {  	[spmem:s9] =	stream.linear.scatter [tilespmem:s20], [sflag:$0x3], $0x3800, $0x38;
	[tilespmem:$0x1E080] =	vst v63  }
0x3c: {  	_ =	swait.ge [sflag:s21], $0x3800  }
0x3d: {  	[sflag:s21] =	ssyncset.done $0x0  }
0x3e: {  	[sflag:s21] =	ssyncadd.s32 $0xFFFFC800  }
0x3f: {  	[spmem:s10] =	stream.linear.scatter [tilespmem:s20], [sflag:$0x3], $0x3800, $0x38;
	[tilespmem:$0x1E080] =	vst v63  }
0x40: {  	_ =	swait.ge [sflag:s21], $0x3800  }
0x41: {  	[sflag:s21] =	ssyncset.done $0x0  }
0x42: {  	[sflag:s21] =	ssyncadd.s32 $0xFFFFC800  }
0x43: {  	[spmem:s11] =	stream.linear.scatter [tilespmem:s20], [sflag:$0x3], $0x2400, $0x38;
	[tilespmem:$0x1E080] =	vst v63  }
.Ltmp2:
0x44: {  	_ =	swait.ge [sflag:s21], $0x2400;
	(pc) =	sbr.rel @!p0 .LBB2_2-.Ltmp2, $4  }
0x45: {  	[sflag:s21] =	ssyncset.done $0x0  }
0x46: {  	[sflag:s21] =	ssyncadd.s32 $0xFFFFDC00  }
0x47: {  	[bflag:$0x0] =	sbarrier.arrive $0xFFFF  }
0x48: {  	s4 =	simm.s32 $0x0  }
0x49: {  	[tilespmem:s22], [sflag:$0x3] =	stream.linear.gather [hbm4b:s16+s4], $0x1A40, $0x38;
	[tilespmem:$0x1E080] =	vst v63  }
0x4a: {  	_ =	swait.ge [sflag:s21], $0x1A40  }
0x4b: {  	[sflag:s21] =	ssyncset.done $0x0  }
0x4c: {  	[sflag:s21] =	ssyncadd.s32 $0xFFFFE5C0  }
0x4d: {  	[tilespmem:s23], [sflag:$0x3] =	stream.linear.gather [hbm4b:s17+s4], $0x1A40, $0x38;
	[tilespmem:$0x1E080] =	vst v63  }
0x4e: {  	_ =	swait.ge [sflag:s21], $0x1A40  }
0x4f: {  	[sflag:s21] =	ssyncset.done $0x0  }
0x50: {  	[sflag:s21] =	ssyncadd.s32 $0xFFFFE5C0  }
0x51: {  	[tilespmem:s20], [sflag:$0x1] =	stream.indirect.gather [hbm4b:s2+s24], $0x80, s22, s24, $0xb8;
	[tilespmem:$0x1E080] =	vst v63  }
0x52: {  	_ = 	snop  }
0x53: {  	[tilespmem:s26], [sflag:$0x2] =	stream.indirect.gather [hbm4b:s2+s24], $0x80, s25, s24, $0xb8;
	[tilespmem:$0x1E080] =	vst v63  }
0x54: {  	_ =	swait.ge [sflag:s28], $0x3800  }
0x55: {  	[sflag:s28] =	ssyncset.done $0x0  }
0x56: {  	s13 =	simm.s32 $0x15640;
	[sflag:s28] =	ssyncadd.s32 $0xFFFFC800  }
0x57: {  	[spmem:s3] =	stream.indirect.scatter.add.f32 [tilespmem:s20], [sflag:$0x3], $0x80, s13, s24, $0xb8;
	[tilespmem:$0x1E080] =	vst v63  }
0x58: {  	_ =	swait.ge [sflag:s21], $0x3800  }
0x59: {  	[sflag:s21] =	ssyncset.done $0x0  }
0x5a: {  	s12 =	simm.s32 $0x13CE0;
	[sflag:s21] =	ssyncadd.s32 $0xFFFFC800  }
0x5b: {  	[tilespmem:s20], [sflag:$0x1] =	stream.indirect.gather [hbm4b:s2+s24], $0x80, s12, s24, $0xb8;
	[tilespmem:$0x1E080] =	vst v63  }
0x5c: {  	_ =	swait.ge [sflag:s29], $0x3800  }
0x5d: {  	[sflag:s29] =	ssyncset.done $0x0  }
0x5e: {  	s13 =	simm.s32 $0x156B0;
	[sflag:s29] =	ssyncadd.s32 $0xFFFFC800  }
0x5f: {  	[spmem:s3] =	stream.indirect.scatter.add.f32 [tilespmem:s26], [sflag:$0x3], $0x80, s13, s24, $0xb8;
	[tilespmem:$0x1E080] =	vst v63  }
0x60: {  	_ =	swait.ge [sflag:s21], $0x3800  }
0x61: {  	[sflag:s21] =	ssyncset.done $0x0  }
0x62: {  	s4 =	simm.s32 $0x380;
	s12 =	simm.s32 $0x13D50;
	[sflag:s21] =	ssyncadd.s32 $0xFFFFC800  }
.LBB2_8:
0x63: {  	[tilespmem:s26], [sflag:$0x2] =	stream.indirect.gather [hbm4b:s2+s24], $0x80, s12, s24, $0xb8;
	[tilespmem:$0x1E080] =	vst v63  }
0x64: {  	s12 =	smov.u32 s4  }
0x65: {  	p1 =	sne.s32 s4, $0x6200;
	s4 =	sadd.s32 $0x380, s4;
	_ =	swait.ge [sflag:s28], $0x3800  }
0x66: {  	s12 =	sshra.s32 s12, $0x2;
	[sflag:s28] =	ssyncset.done $0x0  }
0x67: {  	s13 =	sadd.s32 $0x15640, s12;
	[sflag:s28] =	ssyncadd.s32 $0xFFFFC800  }
0x68: {  	[spmem:s3] =	stream.indirect.scatter.add.f32 [tilespmem:s20], [sflag:$0x3], $0x80, s13, s24, $0xb8;
	[tilespmem:$0x1E080] =	vst v63  }
0x69: {  	_ =	swait.ge [sflag:s21], $0x3800  }
0x6a: {  	[sflag:s21] =	ssyncset.done $0x0  }
0x6b: {  	s13 =	sadd.s32 $0x13CE0, s12;
	[sflag:s21] =	ssyncadd.s32 $0xFFFFC800  }
0x6c: {  	[tilespmem:s20], [sflag:$0x1] =	stream.indirect.gather [hbm4b:s2+s24], $0x80, s13, s24, $0xb8;
	[tilespmem:$0x1E080] =	vst v63  }
0x6d: {  	_ =	swait.ge [sflag:s29], $0x3800  }
0x6e: {  	[sflag:s29] =	ssyncset.done $0x0  }
.Ltmp3:
0x6f: {  	s13 =	sadd.s32 $0x156B0, s12;
	[sflag:s29] =	ssyncadd.s32 $0xFFFFC800;
	(pc) =	sbr.rel @p1 .LBB2_8-.Ltmp3, $4  }
0x70: {  	[spmem:s3] =	stream.indirect.scatter.add.f32 [tilespmem:s26], [sflag:$0x3], $0x80, s13, s24, $0xb8;
	[tilespmem:$0x1E080] =	vst v63  }
0x71: {  	_ =	swait.ge [sflag:s21], $0x3800  }
0x72: {  	[sflag:s21] =	ssyncset.done $0x0  }
0x73: {  	s12 =	sadd.s32 $0x13D50, s12;
	[sflag:s21] =	ssyncadd.s32 $0xFFFFC800  }
.Ltmp4:
0x74: {  	_ = 	snop;
	(pc) =	sbr.rel .LBB2_9-.Ltmp4, $1  }
0x75: {  	_ =	sdelay $0x3  }
.LBB2_2:
0x76: {  	s12 =	rddreg [dreg:$0x4]  }
0x77: {  	[tilespmem:s22], [sflag:$0x3] =	stream.linear.gather [hbm4b:s12+s4], $0x1A40, $0x38;
	[tilespmem:$0x1E080] =	vst v63  }
0x78: {  	_ =	swait.ge [sflag:s21], $0x1A40  }
0x79: {  	[sflag:s21] =	ssyncset.done $0x0  }
0x7a: {  	s13 =	rddreg [dreg:$0x5];
	[sflag:s21] =	ssyncadd.s32 $0xFFFFE5C0  }
0x7b: {  	[tilespmem:s23], [sflag:$0x3] =	stream.linear.gather [hbm4b:s13+s4], $0x1A40, $0x38;
	[tilespmem:$0x1E080] =	vst v63  }
0x7c: {  	_ =	swait.ge [sflag:s21], $0x1A40  }
0x7d: {  	[sflag:s21] =	ssyncset.done $0x0  }
0x7e: {  	[sflag:s21] =	ssyncadd.s32 $0xFFFFE5C0  }
0x7f: {  	[tilespmem:s20], [sflag:$0x1] =	stream.indirect.gather [hbm4b:s2+s24], $0x80, s22, s24, $0xb8;
	[tilespmem:$0x1E080] =	vst v63  }
0x80: {  	_ = 	snop  }
0x81: {  	[tilespmem:s26], [sflag:$0x2] =	stream.indirect.gather [hbm4b:s2+s24], $0x80, s25, s24, $0xb8;
	[tilespmem:$0x1E080] =	vst v63  }
0x82: {  	_ =	swait.ge [sflag:s28], $0x3800  }
0x83: {  	[sflag:s28] =	ssyncset.done $0x0  }
0x84: {  	s13 =	simm.s32 $0x15640;
	[sflag:s28] =	ssyncadd.s32 $0xFFFFC800  }
0x85: {  	[spmem:s3] =	stream.indirect.scatter.add.f32 [tilespmem:s20], [sflag:$0x3], $0x80, s13, s24, $0xb8;
	[tilespmem:$0x1E080] =	vst v63  }
0x86: {  	_ =	swait.ge [sflag:s21], $0x3800  }
0x87: {  	[sflag:s21] =	ssyncset.done $0x0  }
0x88: {  	s12 =	simm.s32 $0x13CE0;
	[sflag:s21] =	ssyncadd.s32 $0xFFFFC800  }
0x89: {  	[tilespmem:s20], [sflag:$0x1] =	stream.indirect.gather [hbm4b:s2+s24], $0x80, s12, s24, $0xb8;
	[tilespmem:$0x1E080] =	vst v63  }
0x8a: {  	_ =	swait.ge [sflag:s29], $0x3800  }
0x8b: {  	[sflag:s29] =	ssyncset.done $0x0  }
0x8c: {  	s13 =	simm.s32 $0x156B0;
	[sflag:s29] =	ssyncadd.s32 $0xFFFFC800  }
0x8d: {  	[spmem:s3] =	stream.indirect.scatter.add.f32 [tilespmem:s26], [sflag:$0x3], $0x80, s13, s24, $0xb8;
	[tilespmem:$0x1E080] =	vst v63  }
0x8e: {  	_ =	swait.ge [sflag:s21], $0x3800  }
0x8f: {  	[sflag:s21] =	ssyncset.done $0x0  }
0x90: {  	s4 =	simm.s32 $0x380;
	s12 =	simm.s32 $0x13D50;
	[sflag:s21] =	ssyncadd.s32 $0xFFFFC800  }
.LBB2_3:
0x91: {  	[tilespmem:s26], [sflag:$0x2] =	stream.indirect.gather [hbm4b:s2+s24], $0x80, s12, s24, $0xb8;
	[tilespmem:$0x1E080] =	vst v63  }
0x92: {  	s12 =	smov.u32 s4  }
0x93: {  	p1 =	sne.s32 s4, $0x6200;
	s4 =	sadd.s32 $0x380, s4;
	_ =	swait.ge [sflag:s28], $0x3800  }
0x94: {  	s12 =	sshra.s32 s12, $0x2;
	[sflag:s28] =	ssyncset.done $0x0  }
0x95: {  	s13 =	sadd.s32 $0x15640, s12;
	[sflag:s28] =	ssyncadd.s32 $0xFFFFC800  }
0x96: {  	[spmem:s3] =	stream.indirect.scatter.add.f32 [tilespmem:s20], [sflag:$0x3], $0x80, s13, s24, $0xb8;
	[tilespmem:$0x1E080] =	vst v63  }
0x97: {  	_ =	swait.ge [sflag:s21], $0x3800  }
0x98: {  	[sflag:s21] =	ssyncset.done $0x0  }
0x99: {  	s13 =	sadd.s32 $0x13CE0, s12;
	[sflag:s21] =	ssyncadd.s32 $0xFFFFC800  }
0x9a: {  	[tilespmem:s20], [sflag:$0x1] =	stream.indirect.gather [hbm4b:s2+s24], $0x80, s13, s24, $0xb8;
	[tilespmem:$0x1E080] =	vst v63  }
0x9b: {  	_ =	swait.ge [sflag:s29], $0x3800  }
0x9c: {  	[sflag:s29] =	ssyncset.done $0x0  }
.Ltmp5:
0x9d: {  	s13 =	sadd.s32 $0x156B0, s12;
	[sflag:s29] =	ssyncadd.s32 $0xFFFFC800;
	(pc) =	sbr.rel @p1 .LBB2_3-.Ltmp5, $4  }
0x9e: {  	[spmem:s3] =	stream.indirect.scatter.add.f32 [tilespmem:s26], [sflag:$0x3], $0x80, s13, s24, $0xb8;
	[tilespmem:$0x1E080] =	vst v63  }
0x9f: {  	_ =	swait.ge [sflag:s21], $0x3800  }
0xa0: {  	[sflag:s21] =	ssyncset.done $0x0  }
0xa1: {  	s12 =	sadd.s32 $0x13D50, s12;
	[sflag:s21] =	ssyncadd.s32 $0xFFFFC800  }
0xa2: {  	[tilespmem:s26], [sflag:$0x2] =	stream.indirect.gather [hbm4b:s2+s24], $0x80, s12, s24, $0xb8;
	[tilespmem:$0x1E080] =	vst v63  }
0xa3: {  	_ =	swait.ge [sflag:s28], $0x3800  }
0xa4: {  	[sflag:s28] =	ssyncset.done $0x0  }
0xa5: {  	[sflag:s28] =	ssyncadd.s32 $0xFFFFC800  }
0xa6: {  	[spmem:s3] =	stream.indirect.scatter.add.f32 [tilespmem:s20], [sflag:$0x3], $0x80, s30, s24, $0xb8;
	[tilespmem:$0x1E080] =	vst v63  }
0xa7: {  	_ =	swait.ge [sflag:s21], $0x3800  }
0xa8: {  	[sflag:s21] =	ssyncset.done $0x0  }
0xa9: {  	[sflag:s21] =	ssyncadd.s32 $0xFFFFC800  }
0xaa: {  	_ =	swait.ge [sflag:s29], $0x3800  }
0xab: {  	[sflag:s29] =	ssyncset.done $0x0  }
0xac: {  	[sflag:s29] =	ssyncadd.s32 $0xFFFFC800  }
0xad: {  	[spmem:s3] =	stream.indirect.scatter.add.f32 [tilespmem:s26], [sflag:$0x3], $0x80, s31, s24, $0xb8;
	[tilespmem:$0x1E080] =	vst v63  }
0xae: {  	_ =	swait.ge [sflag:s21], $0x3800  }
0xaf: {  	[sflag:s21] =	ssyncset.done $0x0  }
0xb0: {  	s4 =	simm.s32 $0x0;
	[sflag:s21] =	ssyncadd.s32 $0xFFFFC800  }
0xb1: {  	[tilespmem:s22], [sflag:$0x3] =	stream.linear.gather [hbm4b:s14+s4], $0x1A40, $0x38;
	[tilespmem:$0x1E080] =	vst v63  }
0xb2: {  	_ =	swait.ge [sflag:s21], $0x1A40  }
0xb3: {  	[sflag:s21] =	ssyncset.done $0x0  }
0xb4: {  	[sflag:s21] =	ssyncadd.s32 $0xFFFFE5C0  }
0xb5: {  	[tilespmem:s23], [sflag:$0x3] =	stream.linear.gather [hbm4b:s15+s4], $0x1A40, $0x38;
	[tilespmem:$0x1E080] =	vst v63  }
0xb6: {  	_ =	swait.ge [sflag:s21], $0x1A40  }
0xb7: {  	[sflag:s21] =	ssyncset.done $0x0  }
0xb8: {  	[sflag:s21] =	ssyncadd.s32 $0xFFFFE5C0  }
0xb9: {  	[tilespmem:s20], [sflag:$0x1] =	stream.indirect.gather [hbm4b:s2+s24], $0x80, s22, s24, $0xb8;
	[tilespmem:$0x1E080] =	vst v63  }
0xba: {  	_ = 	snop  }
0xbb: {  	[tilespmem:s26], [sflag:$0x2] =	stream.indirect.gather [hbm4b:s2+s24], $0x80, s25, s24, $0xb8;
	[tilespmem:$0x1E080] =	vst v63  }
0xbc: {  	_ =	swait.ge [sflag:s28], $0x3800  }
0xbd: {  	[sflag:s28] =	ssyncset.done $0x0  }
0xbe: {  	s13 =	simm.s32 $0x15640;
	[sflag:s28] =	ssyncadd.s32 $0xFFFFC800  }
0xbf: {  	[spmem:s3] =	stream.indirect.scatter.add.f32 [tilespmem:s20], [sflag:$0x3], $0x80, s13, s24, $0xb8;
	[tilespmem:$0x1E080] =	vst v63  }
0xc0: {  	_ =	swait.ge [sflag:s21], $0x3800  }
0xc1: {  	[sflag:s21] =	ssyncset.done $0x0  }
0xc2: {  	s12 =	simm.s32 $0x13CE0;
	[sflag:s21] =	ssyncadd.s32 $0xFFFFC800  }
0xc3: {  	[tilespmem:s20], [sflag:$0x1] =	stream.indirect.gather [hbm4b:s2+s24], $0x80, s12, s24, $0xb8;
	[tilespmem:$0x1E080] =	vst v63  }
0xc4: {  	_ =	swait.ge [sflag:s29], $0x3800  }
0xc5: {  	[sflag:s29] =	ssyncset.done $0x0  }
0xc6: {  	s13 =	simm.s32 $0x156B0;
	[sflag:s29] =	ssyncadd.s32 $0xFFFFC800  }
0xc7: {  	[spmem:s3] =	stream.indirect.scatter.add.f32 [tilespmem:s26], [sflag:$0x3], $0x80, s13, s24, $0xb8;
	[tilespmem:$0x1E080] =	vst v63  }
0xc8: {  	_ =	swait.ge [sflag:s21], $0x3800  }
0xc9: {  	[sflag:s21] =	ssyncset.done $0x0  }
0xca: {  	s4 =	simm.s32 $0x380;
	s12 =	simm.s32 $0x13D50;
	[sflag:s21] =	ssyncadd.s32 $0xFFFFC800  }
.LBB2_5:
0xcb: {  	[tilespmem:s26], [sflag:$0x2] =	stream.indirect.gather [hbm4b:s2+s24], $0x80, s12, s24, $0xb8;
	[tilespmem:$0x1E080] =	vst v63  }
0xcc: {  	s12 =	smov.u32 s4  }
0xcd: {  	p1 =	seq.s32 s4, $0x6200;
	s4 =	sadd.s32 $0x380, s4;
	_ =	swait.ge [sflag:s28], $0x3800  }
0xce: {  	s12 =	sshra.s32 s12, $0x2;
	[sflag:s28] =	ssyncset.done $0x0  }
0xcf: {  	s13 =	sadd.s32 $0x15640, s12;
	[sflag:s28] =	ssyncadd.s32 $0xFFFFC800  }
0xd0: {  	[spmem:s3] =	stream.indirect.scatter.add.f32 [tilespmem:s20], [sflag:$0x3], $0x80, s13, s24, $0xb8;
	[tilespmem:$0x1E080] =	vst v63  }
0xd1: {  	_ =	swait.ge [sflag:s21], $0x3800  }
0xd2: {  	[sflag:s21] =	ssyncset.done $0x0  }
0xd3: {  	s13 =	sadd.s32 $0x13CE0, s12;
	[sflag:s21] =	ssyncadd.s32 $0xFFFFC800  }
0xd4: {  	[tilespmem:s20], [sflag:$0x1] =	stream.indirect.gather [hbm4b:s2+s24], $0x80, s13, s24, $0xb8;
	[tilespmem:$0x1E080] =	vst v63  }
0xd5: {  	_ =	swait.ge [sflag:s29], $0x3800  }
0xd6: {  	[sflag:s29] =	ssyncset.done $0x0  }
.Ltmp6:
0xd7: {  	s13 =	sadd.s32 $0x156B0, s12;
	[sflag:s29] =	ssyncadd.s32 $0xFFFFC800;
	(pc) =	sbr.rel @!p1 .LBB2_5-.Ltmp6, $4  }
0xd8: {  	[spmem:s3] =	stream.indirect.scatter.add.f32 [tilespmem:s26], [sflag:$0x3], $0x80, s13, s24, $0xb8;
	[tilespmem:$0x1E080] =	vst v63  }
0xd9: {  	_ =	swait.ge [sflag:s21], $0x3800  }
0xda: {  	[sflag:s21] =	ssyncset.done $0x0  }
0xdb: {  	s12 =	sadd.s32 $0x13D50, s12;
	[sflag:s21] =	ssyncadd.s32 $0xFFFFC800  }
.Ltmp7:
0xdc: {  	(pc) =	sbr.rel .LBB2_10-.Ltmp7, $2  }
0xdd: {  	_ =	sdelay $0x2  }
0xde: {  	[tilespmem:s26], [sflag:$0x2] =	stream.indirect.gather [hbm4b:s2+s24], $0x80, s12, s24, $0xb8;
	[tilespmem:$0x1E080] =	vst v63  }
.LBB2_11:
0xdf: {  	_ =	sfence.sel $0x180000  }
0xe0: {  	[bflag:$0x0] =	sbarrier.arrive $0xFFFF  }
0xe1: {  	_ =	strace $0x90000047  }
0xe2: {  	[bflag:$0x2] =	sbarrier.arrive $0xFFFF  }
0xe3: {  	p0 =	sne.s32 s1, $0x0;
	s0 =	rddreg [dreg:$0x3]  }
0xe4: {  	s0 =	sadd.s32 @!p0 $0x100000, s0  }
0xe5: {  	[sflag:s0] =	ssyncadd.tile.s32 @!p0 $0x1;
	_ =	shalt  }
.Lfunc_end2:
_tile_overlayer_lowered:
.L_overlay_start_2:
0xe6: {  	(tag) =	ssettag $0x2  }
0xe7: {  	s0 =	rddreg [dreg:$0x0];
	s2 =	stileid.u32  }
0xe8: {  	s1 =	rddreg [dreg:$0x1];
	p0 =	sne.s32 s2, $0x0  }
0xe9: {  	s3 =	rddreg [dreg:$0x2];
	[bflag:$0x3] =	sbarrier.arrive $0xFFFF;
	s2 =	simm.s32 @!p0 $0x1C03  }
0xea: {  	[timem:s3], [sflag:s2] =	dma.local @!p0 [hbm:s0], s1  }
0xeb: {  	s0 =	simm.s32 @!p0 $0x3  }
0xec: {  	_ =	swait.ge @!p0 [sflag:s0], s1  }
0xed: {  	s1 =	ssub.s32 @!p0 $0x0, s1;
	[sflag:s0] =	ssyncset.done @!p0 $0x0  }
0xee: {  	[sflag:s0] =	ssyncadd.s32 @!p0 s1  }
0xef: {  	[bflag:$0x3] =	sbarrier.arrive $0xFFFF  }
0xf0: {  	_ =	shalt  }

// kernel: kernel.15.cloned.1.call-start
scs
__scs_entry_jumppad:
0x0: {  	(pc) =	sbr.rel $0x88, $3  }
0x1: {  	(tag) =	ssettag $0x0;
	lr =	simm.s32 $0x1  }
0x2: {  	[smem:$0x3F8F] =	sst lr;
	_ =	strace $0xD0000000  }
0x3: {  	_ = 	snop  }
0x4: {  	_ = 	snop  }
0x5: {  	_ = 	snop  }
0x6: {  	_ = 	snop  }
0x7: {  	_ = 	snop  }
__scs_overlays_trampoline_lowered:
0x8: {  	[smem:$0x3F9E] =	sst s0  }
0x9: {  	[smem:$0x3F9F] =	sst s1  }
0xa: {  	[smem:$0x3FA0] =	sst s2  }
0xb: {  	[smem:$0x3FA1] =	sst s3  }
0xc: {  	[smem:$0x3FA2] =	sst s4  }
0xd: {  	[smem:$0x3FA3] =	sst s5  }
0xe: {  	[smem:$0x3FA4] =	sst s6  }
0xf: {  	[smem:$0x3FA5] =	sst s7  }
0x10: {  	[smem:$0x3FA6] =	sst s8  }
0x11: {  	[smem:$0x3FA7] =	sst s9;
	s0 =	simm.s32 @!p0 $0x0  }
0x12: {  	s1 =	sld [smem:$0x3F8D];
	s0 =	simm.s32 @p0 $0x1  }
0x13: {  	[smem:$0x3FA8] =	sst s0;
	s0 =	simm.s32 @!p1 $0x0  }
0x14: {  	s2 =	sld [smem:$0x3F8C];
	s0 =	simm.s32 @p1 $0x1  }
0x15: {  	[smem:$0x3FA9] =	sst s0;
	s0 =	simm.s32 @!p2 $0x0  }
0x16: {  	s3 =	sld [smem:$0x3FDB];
	s0 =	simm.s32 @p2 $0x1  }
0x17: {  	s4 =	simm.s32 $0x1BF5;
	[smem:$0x3FAB] =	sst s0  }
0x18: {  	s0 =	sld [smem:$0x3F8E];
	_ =	swait.ge [sflag:s4], $0x0  }
0x19: {  	s7 =	sld [smem:$0x3F8F]  }
0x1a: {  	s8 =	sadd.s32 $0xFFFFE003, lr  }
0x1b: {  	s9 =	sadd.s32 $0xFFFFFEF7, lr;
	s5 =	simm.s32 $0xFFFFFFFF;
	p2 =	slt.u32 s8, $0xFFFFF086  }
0x1c: {  	p1 =	slt.u32 s9, $0xF7A;
	s5 =	simm.s32 @!p2 $0x0  }
0x1d: {  	s5 =	simm.s32 @p1 $0x1;
	p0 =	seq.s32 s7, s2  }
0x1e: {  	s7 =	smul.u32 @!p0 $0xF7A, s2;
	p2 =	seq.s32 @!p0 s5, $0x0  }
0x1f: {  	s9 =	smul.u32 $0xF7A, s1;
	s8 =	simm.s32 @!p0 $0x1BF5;
	p2 =	por !p2, p0  }
0x20: {  	[sflag:s8] =	ssyncset.s32 @!p0 $0xFFFFF086;
	s6 =	sadd.s32 @!p0 s3, s7;
	s7 =	simm.s32 @!p0 $0x108  }
0x21: {  	s3 =	sadd.s32 s3, s9;
	s6 =	sadd.s32 @!p0 $0x88, s6;
	s7 =	simm.s32 @p2 $0x1082  }
0x22: {  	[simem:s7], [sflag:s8] =	dma.local @!p0 [hbm:s6], $0xF7A  }
0x23: {  	s9 =	sor.u32 $0xD0000000, s2;
	s6 =	simm.s32 $0x108;
	_ =	swait.ge @!p0 [sflag:s8], $0x0  }
0x24: {  	s3 =	sadd.s32 $0x88, s3;
	s6 =	simm.s32 @!p1 $0x1082;
	[sflag:s4] =	ssyncset.s32 $0xFFFFF086  }
0x25: {  	[simem:s6], [sflag:s4] =	dma.local [hbm:s3], $0xF7A  }
0x26: {  	[smem:$0x3F8F] =	sst s1;
	(tag) =	ssettag s2;
	_ =	strace s9  }
0x27: {  	s1 =	sld [smem:$0x3F9F]  }
0x28: {  	s2 =	sld [smem:$0x3FA0]  }
0x29: {  	s4 =	sld [smem:$0x3FA2]  }
0x2a: {  	p0 =	seq.s32 s5, $0x0;
	s5 =	sld [smem:$0x3FA3]  }
0x2b: {  	s6 =	sld [smem:$0x3FA4]  }
0x2c: {  	s7 =	sld [smem:$0x3FA5]  }
0x2d: {  	s3 =	simm.s32 $0x108;
	s8 =	sld [smem:$0x3FA6]  }
0x2e: {  	s3 =	simm.s32 @!p0 $0x1082;
	s9 =	sld [smem:$0x3FA7]  }
0x2f: {  	lr =	sadd.s32 s0, s3;
	s0 =	sld [smem:$0x3F9E]  }
0x30: {  	s3 =	sld [smem:$0x3FA1]  }
0x31: {  	[smem:$0x3FAA] =	sst s10  }
0x32: {  	s10 =	sld [smem:$0x3FA8];
	_ =	sdelay $0x3  }
0x33: {  	p0 =	seq.s32 s10, $0x1;
	s10 =	sld [smem:$0x3FAA];
	_ =	sdelay $0x3  }
0x34: {  	[smem:$0x3FAA] =	sst s10  }
0x35: {  	s10 =	sld [smem:$0x3FA9];
	_ =	sdelay $0x3  }
0x36: {  	p1 =	seq.s32 s10, $0x1;
	s10 =	sld [smem:$0x3FAA];
	_ =	sdelay $0x3  }
0x37: {  	[smem:$0x3FAA] =	sst s10  }
0x38: {  	s10 =	sld [smem:$0x3FAB]  }
0x39: {  	_ = 	snop;
	(pc) =	sbr.ind lr, $3  }
0x3a: {  	_ = 	snop  }
0x3b: {  	_ = 	snop  }
0x3c: {  	p2 =	seq.s32 s10, $0x1;
	s10 =	sld [smem:$0x3FAA]  }
0x3d: {  	_ =	shalt  }
0x3e: {  	_ =	shalt  }
0x3f: {  	_ =	shalt  }
0x40: {  	_ =	shalt  }
0x41: {  	_ =	shalt  }
0x42: {  	_ =	shalt  }
0x43: {  	_ =	shalt  }
0x44: {  	_ =	shalt  }
0x45: {  	_ =	shalt  }
0x46: {  	_ =	shalt  }
0x47: {  	_ =	shalt  }
0x48: {  	_ =	shalt  }
0x49: {  	_ =	shalt  }
0x4a: {  	_ =	shalt  }
0x4b: {  	_ =	shalt  }
0x4c: {  	_ =	shalt  }
0x4d: {  	_ =	shalt  }
0x4e: {  	_ =	shalt  }
0x4f: {  	_ =	shalt  }
0x50: {  	_ =	shalt  }
0x51: {  	_ =	shalt  }
0x52: {  	_ =	shalt  }
0x53: {  	_ =	shalt  }
0x54: {  	_ =	shalt  }
0x55: {  	_ =	shalt  }
0x56: {  	_ =	shalt  }
0x57: {  	_ =	shalt  }
0x58: {  	_ =	shalt  }
0x59: {  	_ =	shalt  }
0x5a: {  	_ =	shalt  }
0x5b: {  	_ =	shalt  }
0x5c: {  	_ =	shalt  }
0x5d: {  	_ =	shalt  }
0x5e: {  	_ =	shalt  }
0x5f: {  	_ =	shalt  }
0x60: {  	_ =	shalt  }
0x61: {  	_ =	shalt  }
0x62: {  	_ =	shalt  }
0x63: {  	_ =	shalt  }
0x64: {  	_ =	shalt  }
0x65: {  	_ =	shalt  }
0x66: {  	_ =	shalt  }
0x67: {  	_ =	shalt  }
0x68: {  	_ =	shalt  }
0x69: {  	_ =	shalt  }
0x6a: {  	_ =	shalt  }
0x6b: {  	_ =	shalt  }
0x6c: {  	_ =	shalt  }
0x6d: {  	_ =	shalt  }
0x6e: {  	_ =	shalt  }
0x6f: {  	_ =	shalt  }
0x70: {  	_ =	shalt  }
0x71: {  	_ =	shalt  }
0x72: {  	_ =	shalt  }
0x73: {  	_ =	shalt  }
0x74: {  	_ =	shalt  }
0x75: {  	_ =	shalt  }
0x76: {  	_ =	shalt  }
0x77: {  	_ =	shalt  }
0x78: {  	_ =	shalt  }
0x79: {  	_ =	shalt  }
0x7a: {  	_ =	shalt  }
0x7b: {  	_ =	shalt  }
0x7c: {  	_ =	shalt  }
0x7d: {  	_ =	shalt  }
0x7e: {  	_ =	shalt  }
0x7f: {  	_ =	shalt  }
0x80: {  	_ =	shalt  }
0x81: {  	_ =	shalt  }
0x82: {  	_ =	shalt  }
0x83: {  	_ =	shalt  }
0x84: {  	_ =	shalt  }
0x85: {  	_ =	shalt  }
0x86: {  	_ =	shalt  }
0x87: {  	_ =	shalt  }
.Lfunc_end0:
.L_simem_size_0:
called_computation.2_lowered:
.L_overlay_start_0:
0x88: {  	s2 =	sld [smem:$0x3FD9]  }
0x89: {  	s3 =	sld [smem:$0x3FFE];
	_ =	sdelay $0x1  }
0x8a: {  	s1 =	srdreg.scid  }
0x8b: {  	s0 =	sand.u32 $0x1, s1  }
0x8c: {  	s14 =	sshll.u32 s0, $0xA;
	s2 =	sadd.s32 s3, s2  }
0x8d: {  	s2 =	sadd.s32 s2, s14  }
0x8e: {  	[smem:$0x3FB6] =	sst s2  }
0x8f: {  	_ = 	snop  }
0x90: {  	s2 =	sld [smem:$0x3FD0];
	_ =	sdelay $0x2  }
0x91: {  	s15 =	simm.s32 $0xB;
	s4 =	simm.s32 $0x10  }
0x92: {  	[smem:s4], [sflag:s15] =	dma.local [hbm:s2], $0x1  }
0x93: {  	_ =	swait.eq [sflag:s15], $0x1  }
0x94: {  	[sflag:s15] =	ssyncset.done $0x0  }
0x95: {  	[sflag:s15] =	ssyncadd.s32 $0xFFFFFFFF  }
0x96: {  	s16 =	sld [smem:$0x11];
	(tm) =	ssettm $0x1  }
0x97: {  	s17 =	sld [smem:$0x3FFB];
	_ =	sdelay $0x3  }
0x98: {  	_ =	strace s17  }
0x99: {  	s3 =	sld [smem:$0x3FFC];
	_ =	sdelay $0x3  }
0x9a: {  	_ =	strace s3  }
0x9b: {  	s3 =	sld [smem:$0x3FFD];
	_ =	sdelay $0x3  }
0x9c: {  	_ =	strace s3  }
0x9d: {  	_ =	strace $0x8FFFFFFF  }
0x9e: {  	s18 =	sld [smem:$0x3FDB];
	_ =	sdelay $0x1  }
0x9f: {  	s19 =	simm.s32 $_scs_section_size  }
0xa0: {  	s5 =	simm.s32 $_size__tile_overlayer_lowered;
	s6 =	simm.s32 $_tile_overlayer_lowered  }
0xa1: {  	s22 =	simm.s32 $0x1BFF;
	s21 =	sshll.u32 s6, $0x1;
	s3 =	sadd.s32 s19, s18  }
0xa2: {  	s7 =	simm.s32 $0x0;
	s20 =	sshll.u32 s5, $0x1;
	s5 =	sadd.s32 s21, s3  }
0xa3: {  	[timem:s7], [sflag:s22] =	dma.local [hbm:s5], s20  }
0xa4: {  	_ =	swait.ge [sflag:s22], s20  }
0xa5: {  	s4 =	ssub.s32 $0x0, s20;
	[sflag:s22] =	ssyncset.done $0x0  }
0xa6: {  	[sflag:s22] =	ssyncadd.s32 s4;
	_ =	sdelay $0x1  }
0xa7: {  	s23 =	simm.s32 $0x1B8B  }
0xa8: {  	_ =	swait.ge [sflag:s23], $0x1  }
0xa9: {  	[sflag:s23] =	ssyncset.done $0x0  }
0xaa: {  	s25 =	simm.s32 $0x1B8E;
	s24 =	sld [smem:$0x3FFE];
	[sflag:s23] =	ssyncadd.s32 $0xFFFFFFFF  }
0xab: {  	s26 =	simm.s32 $execute0_lowered;
	[smem:$0x3FD2] =	sst s25  }
0xac: {  	s5 =	sshll.u32 s26, $0x1;
	_ =	strace $0x8000004C;
	[dreg:$0x1] =	wrdreg $0xFFFFFFFF  }
0xad: {  	s28 =	simm.s32 $_size_execute0_lowered;
	s3 =	sadd.s32 s3, s5;
	[dreg:$0x0] =	wrdreg $0x0  }
0xae: {  	s5 =	sshll.u32 s28, $0x1;
	[dreg:$0x2] =	wrdreg s3  }
0xaf: {  	[dreg:$0x3] =	wrdreg s5  }
0xb0: {  	[dreg:$0x4] =	wrdreg $0xC0  }
0xb1: {  	_ =	task [dreg:s7], $0x5FFFF  }
0xb2: {  	[dreg:$0x1] =	wrdreg $0xFFFFFFFF  }
0xb3: {  	[dreg:$0x0] =	wrdreg $0x60  }
0xb4: {  	[dreg:$0x2] =	wrdreg s16  }
0xb5: {  	[dreg:$0x3] =	wrdreg s24  }
0xb6: {  	[dreg:$0x4] =	wrdreg $0x0  }
0xb7: {  	[dreg:$0x5] =	wrdreg $0x9  }
0xb8: {  	_ =	task.clear_ibuf [dreg:s7], $0x6FFFF;
	_ =	strace $0x9000004C  }
0xb9: {  	s29 =	simm.s32 $0x9;
	_ =	strace $0x8000004E  }
0xba: {  	_ =	swait.ge [sflag:s29], $0x1  }
0xbb: {  	[sflag:s29] =	ssyncadd.s32 $0xFFFFFFFF  }
0xbc: {  	_ =	strace $0x9000004E  }
0xbd: {  	_ =	sfence  }
0xbe: {  	s30 =	sld [smem:$0x0];
	_ =	sdelay $0x2  }
0xbf: {  	s31 =	sshll.u32 s1, $0xD;
	s1 =	sshrl.u32 s1, $0x2  }
0xc0: {  	s3 =	sand.u32 $0x4000, s31;
	s1 =	sadd.s32 s1, s30  }
0xc1: {  	s0 =	sor.u32 s3, s0;
	s1 =	sshll.u32 s1, $0x11  }
0xc2: {  	s0 =	sor.u32 s1, s0  }
0xc3: {  	s0 =	sadd.s32 $0x8F2B, s0  }
0xc4: {  	[sflag:s0] =	ssyncadd.remote.s32 $0x1  }
0xc5: {  	_ =	sfence.sel $0xFFFF  }
0xc6: {  	[dreg:$0x0] =	wrdreg $0xFFFFFFFF;
	(pc) =	sbr.abs _section_cstart, $3  }
0xc7: {  	[dreg:$0x1] =	wrdreg $0xFFFFFFFF  }
0xc8: {  	_ =	task.clear_ibuf [dreg:s7], $0x2FFFF;
	_ =	strace $0x9FFFFFFF  }
0xc9: {  	(tm) =	ssettm $0x7FFFFFFF  }
tec
execute0_lowered:
.L_overlay_start_1:
0x0: {  	(tag) =	ssettag $0x1  }
0x1: {  	s2 =	rddreg [dreg:$0x0]  }
0x2: {  	s0 =	rddreg [dreg:$0x1]  }
0x3: {  	s3 =	rddreg [dreg:$0x2];
	s1 =	stileid.u32  }
0x4: {  	s4 =	srdreg.scid;
	s5 =	simm.s32 $0x0;
	s20 =	simm.s32 $0x17080  }
0x5: {  	s21 =	simm.s32 $0x3;
	s28 =	simm.s32 $0x1;
	s6 =	smul.u32 $0x13C00, s1  }
0x6: {  	s29 =	simm.s32 $0x2;
	s30 =	simm.s32 $0x16FA0;
	s7 =	smul.u32 $0x348, s1  }
0x7: {  	s31 =	simm.s32 $0x17010;
	s4 =	sand.u32 $0x1, s4;
	s9 =	smul.u32 $0x4F000, s1  }
0x8: {  	[smem:$0x7FF] =	sst s5;
	s12 =	sadd.s32 $0xAE00, s0;
	s10 =	smul.u32 $0x3480, s1  }
0x9: {  	s15 =	sadd.s32 $0x4400, s0;
	s5 =	sadd.s32 $0x22200, s0;
	s22 =	smul.u32 $0x13C000, s4  }
0xa: {  	_ =	strace $0x8000004D;
	s24 =	ssub.s32 $0x2, s4;
	p0 =	seq.s32 s4, $0x0  }
0xb: {  	s17 =	sadd.s32 s7, s0;
	s25 =	sshrl.u32 s9, $0x2;
	s26 =	sshrl.u32 s24, $0x1  }
0xc: {  	s13 =	sshrl.u32 s10, $0x3;
	s8 =	sadd.s32 s6, s22;
	s11 =	sadd.s32 s25, s3  }
0xd: {  	s19 =	ssub.s32 s24, s26;
	s6 =	sadd.s32 s6, s3;
	s16 =	sadd.s32 $0x348, s13  }
0xe: {  	s14 =	sadd.s32 s12, s13;
	s13 =	sadd.s32 s15, s13;
	s22 =	simm.s32 $0x13C00  }
0xf: {  	s24 =	simm.s32 $0x70;
	s25 =	simm.s32 $0x13C70;
	s26 =	simm.s32 $0x1A880  }
0x10: {  	s23 =	sshrl.u32 s8, $0x3;
	s7 =	sadd.s32 $0x3800, s11;
	s8 =	sadd.s32 $0x7000, s11  }
.Ltmp0:
0x11: {  	s9 =	sadd.s32 $0xA800, s11;
	[dreg:$0x4] =	wrdreg s14;
	(pc) =	sbr.rel .LBB2_1-.Ltmp0, $4  }
0x12: {  	s10 =	sadd.s32 $0xE000, s11;
	s11 =	sadd.s32 $0x11800, s11;
	[dreg:$0x5] =	wrdreg s13  }
0x13: {  	s14 =	sadd.s32 s12, s16;
	s15 =	sadd.s32 s15, s16;
	s16 =	sadd.s32 $0x1EC00, s17  }
0x14: {  	s17 =	sadd.s32 $0x1B600, s17;
	s19 =	smax.u32 s19, $0x1;
	s0 =	sadd.s32 s23, s0  }
0x15: {  	s23 =	simm.s32 $0x15640;
	s18 =	sadd.s32 $0x70E00, s0;
	s0 =	simm.s32 $0x0  }
.LBB2_9:
0x16: {  	[tilespmem:s26], [sflag:$0x2] =	stream.indirect.gather [hbm4b:s2+s24], $0x80, s12, s24, $0xb8;
	[tilespmem:$0x1E080] =	vst v63  }
.LBB2_10:
0x17: {  	_ =	swait.ge [sflag:s28], $0x3800  }
0x18: {  	[sflag:s28] =	ssyncset.done $0x0  }
0x19: {  	[sflag:s28] =	ssyncadd.s32 $0xFFFFC800  }
0x1a: {  	[spmem:s3] =	stream.indirect.scatter.add.f32 [tilespmem:s20], [sflag:$0x3], $0x80, s30, s24, $0xb8;
	[tilespmem:$0x1E080] =	vst v63  }
0x1b: {  	_ =	swait.ge [sflag:s21], $0x3800  }
0x1c: {  	[sflag:s21] =	ssyncset.done $0x0  }
0x1d: {  	[sflag:s21] =	ssyncadd.s32 $0xFFFFC800  }
0x1e: {  	_ =	swait.ge [sflag:s29], $0x3800  }
0x1f: {  	[sflag:s29] =	ssyncset.done $0x0  }
0x20: {  	[sflag:s29] =	ssyncadd.s32 $0xFFFFC800  }
0x21: {  	[spmem:s3] =	stream.indirect.scatter.add.f32 [tilespmem:s26], [sflag:$0x3], $0x80, s31, s24, $0xb8;
	[tilespmem:$0x1E080] =	vst v63  }
0x22: {  	_ =	swait.ge [sflag:s21], $0x3800  }
0x23: {  	s4 =	sshll.u32 s1, $0x6;
	s0 =	sadd.s32 $0x1, s0;
	[sflag:s21] =	ssyncset.done $0x0  }
0x24: {  	s12 =	sshrl.u32 s6, $0x3;
	p1 =	sne.s32 s0, s19;
	[sflag:s21] =	ssyncadd.s32 $0xFFFFC800  }
.Ltmp1:
0x25: {  	s4 =	sor.u32 $0x1C03, s4;
	[bflag:$0x0] =	sbarrier.arrive $0xFFFF;
	(pc) =	sbr.rel @!p1 .LBB2_11-.Ltmp1, $4  }
0x26: {  	[hbm:s18], [sflag:s4] =	dma.local [spmem:s12], $0x2780  }
0x27: {  	_ =	swait.ge [sflag:s21], $0x2780  }
0x28: {  	[sflag:s21] =	ssyncset.done $0x0  }
0x29: {  	[sflag:s21] =	ssyncadd.s32 $0xFFFFD880  }
.LBB2_1:
0x2a: {  	s4 =	simm.s32 $0x0  }
0x2b: {  	[tilespmem:s20], [sflag:$0x3] =	stream.linear.gather [hbm4b:s5+s4], $0x3800, $0x38;
	[tilespmem:$0x1E080] =	vst v63  }
0x2c: {  	_ =	swait.ge [sflag:s21], $0x3800  }
0x2d: {  	[sflag:s21] =	ssyncset.done $0x0  }
0x2e: {  	[sflag:s21] =	ssyncadd.s32 $0xFFFFC800  }
0x2f: {  	[spmem:s6] =	stream.linear.scatter [tilespmem:s20], [sflag:$0x3], $0x3800, $0x38;
	[tilespmem:$0x1E080] =	vst v63  }
0x30: {  	_ =	swait.ge [sflag:s21], $0x3800  }
0x31: {  	[sflag:s21] =	ssyncset.done $0x0  }
0x32: {  	[sflag:s21] =	ssyncadd.s32 $0xFFFFC800  }
0x33: {  	[spmem:s7] =	stream.linear.scatter [tilespmem:s20], [sflag:$0x3], $0x3800, $0x38;
	[tilespmem:$0x1E080] =	vst v63  }
0x34: {  	_ =	swait.ge [sflag:s21], $0x3800  }
0x35: {  	[sflag:s21] =	ssyncset.done $0x0  }
0x36: {  	[sflag:s21] =	ssyncadd.s32 $0xFFFFC800  }
0x37: {  	[spmem:s8] =	stream.linear.scatter [tilespmem:s20], [sflag:$0x3], $0x3800, $0x38;
	[tilespmem:$0x1E080] =	vst v63  }
0x38: {  	_ =	swait.ge [sflag:s21], $0x3800  }
0x39: {  	[sflag:s21] =	ssyncset.done $0x0  }
0x3a: {  	[sflag:s21] =	ssyncadd.s32 $0xFFFFC800  }
0x3b: {  	[spmem:s9] =	stream.linear.scatter [tilespmem:s20], [sflag:$0x3], $0x3800, $0x38;
	[tilespmem:$0x1E080] =	vst v63  }
0x3c: {  	_ =	swait.ge [sflag:s21], $0x3800  }
0x3d: {  	[sflag:s21] =	ssyncset.done $0x0  }
0x3e: {  	[sflag:s21] =	ssyncadd.s32 $0xFFFFC800  }
0x3f: {  	[spmem:s10] =	stream.linear.scatter [tilespmem:s20], [sflag:$0x3], $0x3800, $0x38;
	[tilespmem:$0x1E080] =	vst v63  }
0x40: {  	_ =	swait.ge [sflag:s21], $0x3800  }
0x41: {  	[sflag:s21] =	ssyncset.done $0x0  }
0x42: {  	[sflag:s21] =	ssyncadd.s32 $0xFFFFC800  }
0x43: {  	[spmem:s11] =	stream.linear.scatter [tilespmem:s20], [sflag:$0x3], $0x2400, $0x38;
	[tilespmem:$0x1E080] =	vst v63  }
.Ltmp2:
0x44: {  	_ =	swait.ge [sflag:s21], $0x2400;
	(pc) =	sbr.rel @!p0 .LBB2_2-.Ltmp2, $4  }
0x45: {  	[sflag:s21] =	ssyncset.done $0x0  }
0x46: {  	[sflag:s21] =	ssyncadd.s32 $0xFFFFDC00  }
0x47: {  	[bflag:$0x0] =	sbarrier.arrive $0xFFFF  }
0x48: {  	s4 =	simm.s32 $0x0  }
0x49: {  	[tilespmem:s22], [sflag:$0x3] =	stream.linear.gather [hbm4b:s16+s4], $0x1A40, $0x38;
	[tilespmem:$0x1E080] =	vst v63  }
0x4a: {  	_ =	swait.ge [sflag:s21], $0x1A40  }
0x4b: {  	[sflag:s21] =	ssyncset.done $0x0  }
0x4c: {  	[sflag:s21] =	ssyncadd.s32 $0xFFFFE5C0  }
0x4d: {  	[tilespmem:s23], [sflag:$0x3] =	stream.linear.gather [hbm4b:s17+s4], $0x1A40, $0x38;
	[tilespmem:$0x1E080] =	vst v63  }
0x4e: {  	_ =	swait.ge [sflag:s21], $0x1A40  }
0x4f: {  	[sflag:s21] =	ssyncset.done $0x0  }
0x50: {  	[sflag:s21] =	ssyncadd.s32 $0xFFFFE5C0  }
0x51: {  	[tilespmem:s20], [sflag:$0x1] =	stream.indirect.gather [hbm4b:s2+s24], $0x80, s22, s24, $0xb8;
	[tilespmem:$0x1E080] =	vst v63  }
0x52: {  	_ = 	snop  }
0x53: {  	[tilespmem:s26], [sflag:$0x2] =	stream.indirect.gather [hbm4b:s2+s24], $0x80, s25, s24, $0xb8;
	[tilespmem:$0x1E080] =	vst v63  }
0x54: {  	_ =	swait.ge [sflag:s28], $0x3800  }
0x55: {  	[sflag:s28] =	ssyncset.done $0x0  }
0x56: {  	s13 =	simm.s32 $0x15640;
	[sflag:s28] =	ssyncadd.s32 $0xFFFFC800  }
0x57: {  	[spmem:s3] =	stream.indirect.scatter.add.f32 [tilespmem:s20], [sflag:$0x3], $0x80, s13, s24, $0xb8;
	[tilespmem:$0x1E080] =	vst v63  }
0x58: {  	_ =	swait.ge [sflag:s21], $0x3800  }
0x59: {  	[sflag:s21] =	ssyncset.done $0x0  }
0x5a: {  	s12 =	simm.s32 $0x13CE0;
	[sflag:s21] =	ssyncadd.s32 $0xFFFFC800  }
0x5b: {  	[tilespmem:s20], [sflag:$0x1] =	stream.indirect.gather [hbm4b:s2+s24], $0x80, s12, s24, $0xb8;
	[tilespmem:$0x1E080] =	vst v63  }
0x5c: {  	_ =	swait.ge [sflag:s29], $0x3800  }
0x5d: {  	[sflag:s29] =	ssyncset.done $0x0  }
0x5e: {  	s13 =	simm.s32 $0x156B0;
	[sflag:s29] =	ssyncadd.s32 $0xFFFFC800  }
0x5f: {  	[spmem:s3] =	stream.indirect.scatter.add.f32 [tilespmem:s26], [sflag:$0x3], $0x80, s13, s24, $0xb8;
	[tilespmem:$0x1E080] =	vst v63  }
0x60: {  	_ =	swait.ge [sflag:s21], $0x3800  }
0x61: {  	[sflag:s21] =	ssyncset.done $0x0  }
0x62: {  	s4 =	simm.s32 $0x380;
	s12 =	simm.s32 $0x13D50;
	[sflag:s21] =	ssyncadd.s32 $0xFFFFC800  }
.LBB2_8:
0x63: {  	[tilespmem:s26], [sflag:$0x2] =	stream.indirect.gather [hbm4b:s2+s24], $0x80, s12, s24, $0xb8;
	[tilespmem:$0x1E080] =	vst v63  }
0x64: {  	s12 =	smov.u32 s4  }
0x65: {  	p1 =	sne.s32 s4, $0x6200;
	s4 =	sadd.s32 $0x380, s4;
	_ =	swait.ge [sflag:s28], $0x3800  }
0x66: {  	s12 =	sshra.s32 s12, $0x2;
	[sflag:s28] =	ssyncset.done $0x0  }
0x67: {  	s13 =	sadd.s32 $0x15640, s12;
	[sflag:s28] =	ssyncadd.s32 $0xFFFFC800  }
0x68: {  	[spmem:s3] =	stream.indirect.scatter.add.f32 [tilespmem:s20], [sflag:$0x3], $0x80, s13, s24, $0xb8;
	[tilespmem:$0x1E080] =	vst v63  }
0x69: {  	_ =	swait.ge [sflag:s21], $0x3800  }
0x6a: {  	[sflag:s21] =	ssyncset.done $0x0  }
0x6b: {  	s13 =	sadd.s32 $0x13CE0, s12;
	[sflag:s21] =	ssyncadd.s32 $0xFFFFC800  }
0x6c: {  	[tilespmem:s20], [sflag:$0x1] =	stream.indirect.gather [hbm4b:s2+s24], $0x80, s13, s24, $0xb8;
	[tilespmem:$0x1E080] =	vst v63  }
0x6d: {  	_ =	swait.ge [sflag:s29], $0x3800  }
0x6e: {  	[sflag:s29] =	ssyncset.done $0x0  }
.Ltmp3:
0x6f: {  	s13 =	sadd.s32 $0x156B0, s12;
	[sflag:s29] =	ssyncadd.s32 $0xFFFFC800;
	(pc) =	sbr.rel @p1 .LBB2_8-.Ltmp3, $4  }
0x70: {  	[spmem:s3] =	stream.indirect.scatter.add.f32 [tilespmem:s26], [sflag:$0x3], $0x80, s13, s24, $0xb8;
	[tilespmem:$0x1E080] =	vst v63  }
0x71: {  	_ =	swait.ge [sflag:s21], $0x3800  }
0x72: {  	[sflag:s21] =	ssyncset.done $0x0  }
0x73: {  	s12 =	sadd.s32 $0x13D50, s12;
	[sflag:s21] =	ssyncadd.s32 $0xFFFFC800  }
.Ltmp4:
0x74: {  	_ = 	snop;
	(pc) =	sbr.rel .LBB2_9-.Ltmp4, $1  }
0x75: {  	_ =	sdelay $0x3  }
.LBB2_2:
0x76: {  	s12 =	rddreg [dreg:$0x4]  }
0x77: {  	[tilespmem:s22], [sflag:$0x3] =	stream.linear.gather [hbm4b:s12+s4], $0x1A40, $0x38;
	[tilespmem:$0x1E080] =	vst v63  }
0x78: {  	_ =	swait.ge [sflag:s21], $0x1A40  }
0x79: {  	[sflag:s21] =	ssyncset.done $0x0  }
0x7a: {  	s13 =	rddreg [dreg:$0x5];
	[sflag:s21] =	ssyncadd.s32 $0xFFFFE5C0  }
0x7b: {  	[tilespmem:s23], [sflag:$0x3] =	stream.linear.gather [hbm4b:s13+s4], $0x1A40, $0x38;
	[tilespmem:$0x1E080] =	vst v63  }
0x7c: {  	_ =	swait.ge [sflag:s21], $0x1A40  }
0x7d: {  	[sflag:s21] =	ssyncset.done $0x0  }
0x7e: {  	[sflag:s21] =	ssyncadd.s32 $0xFFFFE5C0  }
0x7f: {  	[tilespmem:s20], [sflag:$0x1] =	stream.indirect.gather [hbm4b:s2+s24], $0x80, s22, s24, $0xb8;
	[tilespmem:$0x1E080] =	vst v63  }
0x80: {  	_ = 	snop  }
0x81: {  	[tilespmem:s26], [sflag:$0x2] =	stream.indirect.gather [hbm4b:s2+s24], $0x80, s25, s24, $0xb8;
	[tilespmem:$0x1E080] =	vst v63  }
0x82: {  	_ =	swait.ge [sflag:s28], $0x3800  }
0x83: {  	[sflag:s28] =	ssyncset.done $0x0  }
0x84: {  	s13 =	simm.s32 $0x15640;
	[sflag:s28] =	ssyncadd.s32 $0xFFFFC800  }
0x85: {  	[spmem:s3] =	stream.indirect.scatter.add.f32 [tilespmem:s20], [sflag:$0x3], $0x80, s13, s24, $0xb8;
	[tilespmem:$0x1E080] =	vst v63  }
0x86: {  	_ =	swait.ge [sflag:s21], $0x3800  }
0x87: {  	[sflag:s21] =	ssyncset.done $0x0  }
0x88: {  	s12 =	simm.s32 $0x13CE0;
	[sflag:s21] =	ssyncadd.s32 $0xFFFFC800  }
0x89: {  	[tilespmem:s20], [sflag:$0x1] =	stream.indirect.gather [hbm4b:s2+s24], $0x80, s12, s24, $0xb8;
	[tilespmem:$0x1E080] =	vst v63  }
0x8a: {  	_ =	swait.ge [sflag:s29], $0x3800  }
0x8b: {  	[sflag:s29] =	ssyncset.done $0x0  }
0x8c: {  	s13 =	simm.s32 $0x156B0;
	[sflag:s29] =	ssyncadd.s32 $0xFFFFC800  }
0x8d: {  	[spmem:s3] =	stream.indirect.scatter.add.f32 [tilespmem:s26], [sflag:$0x3], $0x80, s13, s24, $0xb8;
	[tilespmem:$0x1E080] =	vst v63  }
0x8e: {  	_ =	swait.ge [sflag:s21], $0x3800  }
0x8f: {  	[sflag:s21] =	ssyncset.done $0x0  }
0x90: {  	s4 =	simm.s32 $0x380;
	s12 =	simm.s32 $0x13D50;
	[sflag:s21] =	ssyncadd.s32 $0xFFFFC800  }
.LBB2_3:
0x91: {  	[tilespmem:s26], [sflag:$0x2] =	stream.indirect.gather [hbm4b:s2+s24], $0x80, s12, s24, $0xb8;
	[tilespmem:$0x1E080] =	vst v63  }
0x92: {  	s12 =	smov.u32 s4  }
0x93: {  	p1 =	sne.s32 s4, $0x6200;
	s4 =	sadd.s32 $0x380, s4;
	_ =	swait.ge [sflag:s28], $0x3800  }
0x94: {  	s12 =	sshra.s32 s12, $0x2;
	[sflag:s28] =	ssyncset.done $0x0  }
0x95: {  	s13 =	sadd.s32 $0x15640, s12;
	[sflag:s28] =	ssyncadd.s32 $0xFFFFC800  }
0x96: {  	[spmem:s3] =	stream.indirect.scatter.add.f32 [tilespmem:s20], [sflag:$0x3], $0x80, s13, s24, $0xb8;
	[tilespmem:$0x1E080] =	vst v63  }
0x97: {  	_ =	swait.ge [sflag:s21], $0x3800  }
0x98: {  	[sflag:s21] =	ssyncset.done $0x0  }
0x99: {  	s13 =	sadd.s32 $0x13CE0, s12;
	[sflag:s21] =	ssyncadd.s32 $0xFFFFC800  }
0x9a: {  	[tilespmem:s20], [sflag:$0x1] =	stream.indirect.gather [hbm4b:s2+s24], $0x80, s13, s24, $0xb8;
	[tilespmem:$0x1E080] =	vst v63  }
0x9b: {  	_ =	swait.ge [sflag:s29], $0x3800  }
0x9c: {  	[sflag:s29] =	ssyncset.done $0x0  }
.Ltmp5:
0x9d: {  	s13 =	sadd.s32 $0x156B0, s12;
	[sflag:s29] =	ssyncadd.s32 $0xFFFFC800;
	(pc) =	sbr.rel @p1 .LBB2_3-.Ltmp5, $4  }
0x9e: {  	[spmem:s3] =	stream.indirect.scatter.add.f32 [tilespmem:s26], [sflag:$0x3], $0x80, s13, s24, $0xb8;
	[tilespmem:$0x1E080] =	vst v63  }
0x9f: {  	_ =	swait.ge [sflag:s21], $0x3800  }
0xa0: {  	[sflag:s21] =	ssyncset.done $0x0  }
0xa1: {  	s12 =	sadd.s32 $0x13D50, s12;
	[sflag:s21] =	ssyncadd.s32 $0xFFFFC800  }
0xa2: {  	[tilespmem:s26], [sflag:$0x2] =	stream.indirect.gather [hbm4b:s2+s24], $0x80, s12, s24, $0xb8;
	[tilespmem:$0x1E080] =	vst v63  }
0xa3: {  	_ =	swait.ge [sflag:s28], $0x3800  }
0xa4: {  	[sflag:s28] =	ssyncset.done $0x0  }
0xa5: {  	[sflag:s28] =	ssyncadd.s32 $0xFFFFC800  }
0xa6: {  	[spmem:s3] =	stream.indirect.scatter.add.f32 [tilespmem:s20], [sflag:$0x3], $0x80, s30, s24, $0xb8;
	[tilespmem:$0x1E080] =	vst v63  }
0xa7: {  	_ =	swait.ge [sflag:s21], $0x3800  }
0xa8: {  	[sflag:s21] =	ssyncset.done $0x0  }
0xa9: {  	[sflag:s21] =	ssyncadd.s32 $0xFFFFC800  }
0xaa: {  	_ =	swait.ge [sflag:s29], $0x3800  }
0xab: {  	[sflag:s29] =	ssyncset.done $0x0  }
0xac: {  	[sflag:s29] =	ssyncadd.s32 $0xFFFFC800  }
0xad: {  	[spmem:s3] =	stream.indirect.scatter.add.f32 [tilespmem:s26], [sflag:$0x3], $0x80, s31, s24, $0xb8;
	[tilespmem:$0x1E080] =	vst v63  }
0xae: {  	_ =	swait.ge [sflag:s21], $0x3800  }
0xaf: {  	[sflag:s21] =	ssyncset.done $0x0  }
0xb0: {  	s4 =	simm.s32 $0x0;
	[sflag:s21] =	ssyncadd.s32 $0xFFFFC800  }
0xb1: {  	[tilespmem:s22], [sflag:$0x3] =	stream.linear.gather [hbm4b:s14+s4], $0x1A40, $0x38;
	[tilespmem:$0x1E080] =	vst v63  }
0xb2: {  	_ =	swait.ge [sflag:s21], $0x1A40  }
0xb3: {  	[sflag:s21] =	ssyncset.done $0x0  }
0xb4: {  	[sflag:s21] =	ssyncadd.s32 $0xFFFFE5C0  }
0xb5: {  	[tilespmem:s23], [sflag:$0x3] =	stream.linear.gather [hbm4b:s15+s4], $0x1A40, $0x38;
	[tilespmem:$0x1E080] =	vst v63  }
0xb6: {  	_ =	swait.ge [sflag:s21], $0x1A40  }
0xb7: {  	[sflag:s21] =	ssyncset.done $0x0  }
0xb8: {  	[sflag:s21] =	ssyncadd.s32 $0xFFFFE5C0  }
0xb9: {  	[tilespmem:s20], [sflag:$0x1] =	stream.indirect.gather [hbm4b:s2+s24], $0x80, s22, s24, $0xb8;
	[tilespmem:$0x1E080] =	vst v63  }
0xba: {  	_ = 	snop  }
0xbb: {  	[tilespmem:s26], [sflag:$0x2] =	stream.indirect.gather [hbm4b:s2+s24], $0x80, s25, s24, $0xb8;
	[tilespmem:$0x1E080] =	vst v63  }
0xbc: {  	_ =	swait.ge [sflag:s28], $0x3800  }
0xbd: {  	[sflag:s28] =	ssyncset.done $0x0  }
0xbe: {  	s13 =	simm.s32 $0x15640;
	[sflag:s28] =	ssyncadd.s32 $0xFFFFC800  }
0xbf: {  	[spmem:s3] =	stream.indirect.scatter.add.f32 [tilespmem:s20], [sflag:$0x3], $0x80, s13, s24, $0xb8;
	[tilespmem:$0x1E080] =	vst v63  }
0xc0: {  	_ =	swait.ge [sflag:s21], $0x3800  }
0xc1: {  	[sflag:s21] =	ssyncset.done $0x0  }
0xc2: {  	s12 =	simm.s32 $0x13CE0;
	[sflag:s21] =	ssyncadd.s32 $0xFFFFC800  }
0xc3: {  	[tilespmem:s20], [sflag:$0x1] =	stream.indirect.gather [hbm4b:s2+s24], $0x80, s12, s24, $0xb8;
	[tilespmem:$0x1E080] =	vst v63  }
0xc4: {  	_ =	swait.ge [sflag:s29], $0x3800  }
0xc5: {  	[sflag:s29] =	ssyncset.done $0x0  }
0xc6: {  	s13 =	simm.s32 $0x156B0;
	[sflag:s29] =	ssyncadd.s32 $0xFFFFC800  }
0xc7: {  	[spmem:s3] =	stream.indirect.scatter.add.f32 [tilespmem:s26], [sflag:$0x3], $0x80, s13, s24, $0xb8;
	[tilespmem:$0x1E080] =	vst v63  }
0xc8: {  	_ =	swait.ge [sflag:s21], $0x3800  }
0xc9: {  	[sflag:s21] =	ssyncset.done $0x0  }
0xca: {  	s4 =	simm.s32 $0x380;
	s12 =	simm.s32 $0x13D50;
	[sflag:s21] =	ssyncadd.s32 $0xFFFFC800  }
.LBB2_5:
0xcb: {  	[tilespmem:s26], [sflag:$0x2] =	stream.indirect.gather [hbm4b:s2+s24], $0x80, s12, s24, $0xb8;
	[tilespmem:$0x1E080] =	vst v63  }
0xcc: {  	s12 =	smov.u32 s4  }
0xcd: {  	p1 =	seq.s32 s4, $0x6200;
	s4 =	sadd.s32 $0x380, s4;
	_ =	swait.ge [sflag:s28], $0x3800  }
0xce: {  	s12 =	sshra.s32 s12, $0x2;
	[sflag:s28] =	ssyncset.done $0x0  }
0xcf: {  	s13 =	sadd.s32 $0x15640, s12;
	[sflag:s28] =	ssyncadd.s32 $0xFFFFC800  }
0xd0: {  	[spmem:s3] =	stream.indirect.scatter.add.f32 [tilespmem:s20], [sflag:$0x3], $0x80, s13, s24, $0xb8;
	[tilespmem:$0x1E080] =	vst v63  }
0xd1: {  	_ =	swait.ge [sflag:s21], $0x3800  }
0xd2: {  	[sflag:s21] =	ssyncset.done $0x0  }
0xd3: {  	s13 =	sadd.s32 $0x13CE0, s12;
	[sflag:s21] =	ssyncadd.s32 $0xFFFFC800  }
0xd4: {  	[tilespmem:s20], [sflag:$0x1] =	stream.indirect.gather [hbm4b:s2+s24], $0x80, s13, s24, $0xb8;
	[tilespmem:$0x1E080] =	vst v63  }
0xd5: {  	_ =	swait.ge [sflag:s29], $0x3800  }
0xd6: {  	[sflag:s29] =	ssyncset.done $0x0  }
.Ltmp6:
0xd7: {  	s13 =	sadd.s32 $0x156B0, s12;
	[sflag:s29] =	ssyncadd.s32 $0xFFFFC800;
	(pc) =	sbr.rel @!p1 .LBB2_5-.Ltmp6, $4  }
0xd8: {  	[spmem:s3] =	stream.indirect.scatter.add.f32 [tilespmem:s26], [sflag:$0x3], $0x80, s13, s24, $0xb8;
	[tilespmem:$0x1E080] =	vst v63  }
0xd9: {  	_ =	swait.ge [sflag:s21], $0x3800  }
0xda: {  	[sflag:s21] =	ssyncset.done $0x0  }
0xdb: {  	s12 =	sadd.s32 $0x13D50, s12;
	[sflag:s21] =	ssyncadd.s32 $0xFFFFC800  }
.Ltmp7:
0xdc: {  	(pc) =	sbr.rel .LBB2_10-.Ltmp7, $2  }
0xdd: {  	_ =	sdelay $0x2  }
0xde: {  	[tilespmem:s26], [sflag:$0x2] =	stream.indirect.gather [hbm4b:s2+s24], $0x80, s12, s24, $0xb8;
	[tilespmem:$0x1E080] =	vst v63  }
.LBB2_11:
0xdf: {  	_ =	sfence.sel $0x180000  }
0xe0: {  	[bflag:$0x0] =	sbarrier.arrive $0xFFFF  }
0xe1: {  	_ =	strace $0x9000004D  }
0xe2: {  	[bflag:$0x2] =	sbarrier.arrive $0xFFFF  }
0xe3: {  	p0 =	sne.s32 s1, $0x0;
	s0 =	rddreg [dreg:$0x3]  }
0xe4: {  	s0 =	sadd.s32 @!p0 $0x100000, s0  }
0xe5: {  	[sflag:s0] =	ssyncadd.tile.s32 @!p0 $0x1;
	_ =	shalt  }
.Lfunc_end2:
_tile_overlayer_lowered:
.L_overlay_start_2:
0xe6: {  	(tag) =	ssettag $0x2  }
0xe7: {  	s0 =	rddreg [dreg:$0x0];
	s2 =	stileid.u32  }
0xe8: {  	s1 =	rddreg [dreg:$0x1];
	p0 =	sne.s32 s2, $0x0  }
0xe9: {  	s3 =	rddreg [dreg:$0x2];
	[bflag:$0x3] =	sbarrier.arrive $0xFFFF;
	s2 =	simm.s32 @!p0 $0x1C03  }
0xea: {  	[timem:s3], [sflag:s2] =	dma.local @!p0 [hbm:s0], s1  }
0xeb: {  	s0 =	simm.s32 @!p0 $0x3  }
0xec: {  	_ =	swait.ge @!p0 [sflag:s0], s1  }
0xed: {  	s1 =	ssub.s32 @!p0 $0x0, s1;
	[sflag:s0] =	ssyncset.done @!p0 $0x0  }
0xee: {  	[sflag:s0] =	ssyncadd.s32 @!p0 s1  }
0xef: {  	[bflag:$0x3] =	sbarrier.arrive $0xFFFF  }
0xf0: {  	_ =	shalt  }

// kernel: kernel.9.cloned.1.call-start
scs
__scs_entry_jumppad:
0x0: {  	(pc) =	sbr.rel $0x88, $3  }
0x1: {  	(tag) =	ssettag $0x0;
	lr =	simm.s32 $0x1  }
0x2: {  	[smem:$0x3F8F] =	sst lr;
	_ =	strace $0xD0000000  }
0x3: {  	_ = 	snop  }
0x4: {  	_ = 	snop  }
0x5: {  	_ = 	snop  }
0x6: {  	_ = 	snop  }
0x7: {  	_ = 	snop  }
__scs_overlays_trampoline_lowered:
0x8: {  	[smem:$0x3F9E] =	sst s0  }
0x9: {  	[smem:$0x3F9F] =	sst s1  }
0xa: {  	[smem:$0x3FA0] =	sst s2  }
0xb: {  	[smem:$0x3FA1] =	sst s3  }
0xc: {  	[smem:$0x3FA2] =	sst s4  }
0xd: {  	[smem:$0x3FA3] =	sst s5  }
0xe: {  	[smem:$0x3FA4] =	sst s6  }
0xf: {  	[smem:$0x3FA5] =	sst s7  }
0x10: {  	[smem:$0x3FA6] =	sst s8  }
0x11: {  	[smem:$0x3FA7] =	sst s9;
	s0 =	simm.s32 @!p0 $0x0  }
0x12: {  	s1 =	sld [smem:$0x3F8D];
	s0 =	simm.s32 @p0 $0x1  }
0x13: {  	[smem:$0x3FA8] =	sst s0;
	s0 =	simm.s32 @!p1 $0x0  }
0x14: {  	s2 =	sld [smem:$0x3F8C];
	s0 =	simm.s32 @p1 $0x1  }
0x15: {  	[smem:$0x3FA9] =	sst s0;
	s0 =	simm.s32 @!p2 $0x0  }
0x16: {  	s3 =	sld [smem:$0x3FDB];
	s0 =	simm.s32 @p2 $0x1  }
0x17: {  	s4 =	simm.s32 $0x1BF5;
	[smem:$0x3FAB] =	sst s0  }
0x18: {  	s0 =	sld [smem:$0x3F8E];
	_ =	swait.ge [sflag:s4], $0x0  }
0x19: {  	s7 =	sld [smem:$0x3F8F]  }
0x1a: {  	s8 =	sadd.s32 $0xFFFFE003, lr  }
0x1b: {  	s9 =	sadd.s32 $0xFFFFFEF7, lr;
	s5 =	simm.s32 $0xFFFFFFFF;
	p2 =	slt.u32 s8, $0xFFFFF086  }
0x1c: {  	p1 =	slt.u32 s9, $0xF7A;
	s5 =	simm.s32 @!p2 $0x0  }
0x1d: {  	s5 =	simm.s32 @p1 $0x1;
	p0 =	seq.s32 s7, s2  }
0x1e: {  	s7 =	smul.u32 @!p0 $0xF7A, s2;
	p2 =	seq.s32 @!p0 s5, $0x0  }
0x1f: {  	s9 =	smul.u32 $0xF7A, s1;
	s8 =	simm.s32 @!p0 $0x1BF5;
	p2 =	por !p2, p0  }
0x20: {  	[sflag:s8] =	ssyncset.s32 @!p0 $0xFFFFF086;
	s6 =	sadd.s32 @!p0 s3, s7;
	s7 =	simm.s32 @!p0 $0x108  }
0x21: {  	s3 =	sadd.s32 s3, s9;
	s6 =	sadd.s32 @!p0 $0x88, s6;
	s7 =	simm.s32 @p2 $0x1082  }
0x22: {  	[simem:s7], [sflag:s8] =	dma.local @!p0 [hbm:s6], $0xF7A  }
0x23: {  	s9 =	sor.u32 $0xD0000000, s2;
	s6 =	simm.s32 $0x108;
	_ =	swait.ge @!p0 [sflag:s8], $0x0  }
0x24: {  	s3 =	sadd.s32 $0x88, s3;
	s6 =	simm.s32 @!p1 $0x1082;
	[sflag:s4] =	ssyncset.s32 $0xFFFFF086  }
0x25: {  	[simem:s6], [sflag:s4] =	dma.local [hbm:s3], $0xF7A  }
0x26: {  	[smem:$0x3F8F] =	sst s1;
	(tag) =	ssettag s2;
	_ =	strace s9  }
0x27: {  	s1 =	sld [smem:$0x3F9F]  }
0x28: {  	s2 =	sld [smem:$0x3FA0]  }
0x29: {  	s4 =	sld [smem:$0x3FA2]  }
0x2a: {  	p0 =	seq.s32 s5, $0x0;
	s5 =	sld [smem:$0x3FA3]  }
0x2b: {  	s6 =	sld [smem:$0x3FA4]  }
0x2c: {  	s7 =	sld [smem:$0x3FA5]  }
0x2d: {  	s3 =	simm.s32 $0x108;
	s8 =	sld [smem:$0x3FA6]  }
0x2e: {  	s3 =	simm.s32 @!p0 $0x1082;
	s9 =	sld [smem:$0x3FA7]  }
0x2f: {  	lr =	sadd.s32 s0, s3;
	s0 =	sld [smem:$0x3F9E]  }
0x30: {  	s3 =	sld [smem:$0x3FA1]  }
0x31: {  	[smem:$0x3FAA] =	sst s10  }
0x32: {  	s10 =	sld [smem:$0x3FA8];
	_ =	sdelay $0x3  }
0x33: {  	p0 =	seq.s32 s10, $0x1;
	s10 =	sld [smem:$0x3FAA];
	_ =	sdelay $0x3  }
0x34: {  	[smem:$0x3FAA] =	sst s10  }
0x35: {  	s10 =	sld [smem:$0x3FA9];
	_ =	sdelay $0x3  }
0x36: {  	p1 =	seq.s32 s10, $0x1;
	s10 =	sld [smem:$0x3FAA];
	_ =	sdelay $0x3  }
0x37: {  	[smem:$0x3FAA] =	sst s10  }
0x38: {  	s10 =	sld [smem:$0x3FAB]  }
0x39: {  	_ = 	snop;
	(pc) =	sbr.ind lr, $3  }
0x3a: {  	_ = 	snop  }
0x3b: {  	_ = 	snop  }
0x3c: {  	p2 =	seq.s32 s10, $0x1;
	s10 =	sld [smem:$0x3FAA]  }
0x3d: {  	_ =	shalt  }
0x3e: {  	_ =	shalt  }
0x3f: {  	_ =	shalt  }
0x40: {  	_ =	shalt  }
0x41: {  	_ =	shalt  }
0x42: {  	_ =	shalt  }
0x43: {  	_ =	shalt  }
0x44: {  	_ =	shalt  }
0x45: {  	_ =	shalt  }
0x46: {  	_ =	shalt  }
0x47: {  	_ =	shalt  }
0x48: {  	_ =	shalt  }
0x49: {  	_ =	shalt  }
0x4a: {  	_ =	shalt  }
0x4b: {  	_ =	shalt  }
0x4c: {  	_ =	shalt  }
0x4d: {  	_ =	shalt  }
0x4e: {  	_ =	shalt  }
0x4f: {  	_ =	shalt  }
0x50: {  	_ =	shalt  }
0x51: {  	_ =	shalt  }
0x52: {  	_ =	shalt  }
0x53: {  	_ =	shalt  }
0x54: {  	_ =	shalt  }
0x55: {  	_ =	shalt  }
0x56: {  	_ =	shalt  }
0x57: {  	_ =	shalt  }
0x58: {  	_ =	shalt  }
0x59: {  	_ =	shalt  }
0x5a: {  	_ =	shalt  }
0x5b: {  	_ =	shalt  }
0x5c: {  	_ =	shalt  }
0x5d: {  	_ =	shalt  }
0x5e: {  	_ =	shalt  }
0x5f: {  	_ =	shalt  }
0x60: {  	_ =	shalt  }
0x61: {  	_ =	shalt  }
0x62: {  	_ =	shalt  }
0x63: {  	_ =	shalt  }
0x64: {  	_ =	shalt  }
0x65: {  	_ =	shalt  }
0x66: {  	_ =	shalt  }
0x67: {  	_ =	shalt  }
0x68: {  	_ =	shalt  }
0x69: {  	_ =	shalt  }
0x6a: {  	_ =	shalt  }
0x6b: {  	_ =	shalt  }
0x6c: {  	_ =	shalt  }
0x6d: {  	_ =	shalt  }
0x6e: {  	_ =	shalt  }
0x6f: {  	_ =	shalt  }
0x70: {  	_ =	shalt  }
0x71: {  	_ =	shalt  }
0x72: {  	_ =	shalt  }
0x73: {  	_ =	shalt  }
0x74: {  	_ =	shalt  }
0x75: {  	_ =	shalt  }
0x76: {  	_ =	shalt  }
0x77: {  	_ =	shalt  }
0x78: {  	_ =	shalt  }
0x79: {  	_ =	shalt  }
0x7a: {  	_ =	shalt  }
0x7b: {  	_ =	shalt  }
0x7c: {  	_ =	shalt  }
0x7d: {  	_ =	shalt  }
0x7e: {  	_ =	shalt  }
0x7f: {  	_ =	shalt  }
0x80: {  	_ =	shalt  }
0x81: {  	_ =	shalt  }
0x82: {  	_ =	shalt  }
0x83: {  	_ =	shalt  }
0x84: {  	_ =	shalt  }
0x85: {  	_ =	shalt  }
0x86: {  	_ =	shalt  }
0x87: {  	_ =	shalt  }
.Lfunc_end0:
.L_simem_size_0:
called_computation_lowered:
.L_overlay_start_0:
0x88: {  	s2 =	sld [smem:$0x3FD9]  }
0x89: {  	s3 =	sld [smem:$0x3FFE];
	_ =	sdelay $0x1  }
0x8a: {  	s1 =	srdreg.scid  }
0x8b: {  	s0 =	sand.u32 $0x1, s1  }
0x8c: {  	s15 =	sshll.u32 s0, $0xA;
	s2 =	sadd.s32 s3, s2  }
0x8d: {  	s2 =	sadd.s32 s2, s15  }
0x8e: {  	[smem:$0x3FB6] =	sst s2  }
0x8f: {  	_ = 	snop  }
0x90: {  	s2 =	sld [smem:$0x3FD0];
	_ =	sdelay $0x2  }
0x91: {  	s4 =	simm.s32 $0xB;
	s16 =	simm.s32 $0x10  }
0x92: {  	[smem:s16], [sflag:s4] =	dma.local [hbm:s2], $0x1  }
0x93: {  	_ =	swait.eq [sflag:s4], $0x1  }
0x94: {  	[sflag:s4] =	ssyncset.done $0x0  }
0x95: {  	s17 =	sld [smem:$0x10];
	[sflag:s4] =	ssyncadd.s32 $0xFFFFFFFF  }
0x96: {  	s18 =	sld [smem:$0x11];
	(tm) =	ssettm $0x1  }
0x97: {  	s19 =	sld [smem:$0x3FFB];
	_ =	sdelay $0x3  }
0x98: {  	_ =	strace s19  }
0x99: {  	s2 =	sld [smem:$0x3FFC];
	_ =	sdelay $0x3  }
0x9a: {  	_ =	strace s2  }
0x9b: {  	s2 =	sld [smem:$0x3FFD];
	_ =	sdelay $0x3  }
0x9c: {  	_ =	strace s2  }
0x9d: {  	_ =	strace $0x8FFFFFFF  }
0x9e: {  	s20 =	sld [smem:$0x3FDB];
	_ =	sdelay $0x1  }
0x9f: {  	s5 =	simm.s32 $_scs_section_size  }
0xa0: {  	s6 =	simm.s32 $_size__tile_overlayer_lowered;
	s7 =	simm.s32 $_tile_overlayer_lowered  }
0xa1: {  	s8 =	simm.s32 $0x1BFF;
	s21 =	sshll.u32 s7, $0x1;
	s5 =	sadd.s32 s5, s20  }
0xa2: {  	s22 =	simm.s32 $0x0;
	s6 =	sshll.u32 s6, $0x1;
	s7 =	sadd.s32 s21, s5  }
0xa3: {  	[timem:s22], [sflag:s8] =	dma.local [hbm:s7], s6  }
0xa4: {  	_ =	swait.ge [sflag:s8], s6  }
0xa5: {  	s6 =	ssub.s32 $0x0, s6;
	[sflag:s8] =	ssyncset.done $0x0  }
0xa6: {  	[sflag:s8] =	ssyncadd.s32 s6;
	_ =	sdelay $0x1  }
0xa7: {  	s23 =	simm.s32 $0x1B8B  }
0xa8: {  	_ =	swait.ge [sflag:s23], $0x1  }
0xa9: {  	[sflag:s23] =	ssyncset.done $0x0  }
0xaa: {  	[sflag:s23] =	ssyncadd.s32 $0xFFFFFFFF  }
0xab: {  	s6 =	sld [smem:$0x0]  }
0xac: {  	s7 =	sand.u32 $0xFFFFFFFE, s1  }
0xad: {  	p0 =	sne.s32 s1, s7  }
0xae: {  	s7 =	sshll.u32 @p0 s7, $0xE  }
0xaf: {  	s7 =	sadd.s32 @p0 $0x11B8D, s7;
	s8 =	sshll.u32 @p0 s6, $0x11  }
0xb0: {  	s7 =	sor.u32 @p0 s8, s7  }
0xb1: {  	[sflag:s7] =	ssyncadd.remote.s32 @p0 $0x1;
	_ =	sdelay $0x1  }
0xb2: {  	s7 =	simm.s32 @p0 $0x1B8D  }
0xb3: {  	_ =	swait.eq @p0 [sflag:s7], $0x1  }
0xb4: {  	[sflag:s7] =	ssyncadd.s32 @p0 $0xFFFFFFFF  }
0xb5: {  	s8 =	sshll.u32 @!p0 s1, $0xE  }
0xb6: {  	s8 =	sor.u32 @!p0 $0x4000, s8;
	s7 =	simm.s32 @!p0 $0x1B8D  }
0xb7: {  	s6 =	sshll.u32 @!p0 s6, $0x11;
	s8 =	sadd.s32 @!p0 $0x11B8D, s8;
	_ =	swait.eq @!p0 [sflag:s7], $0x1  }
0xb8: {  	s6 =	sor.u32 @!p0 s6, s8;
	[sflag:s7] =	ssyncadd.s32 @!p0 $0xFFFFFFFF  }
0xb9: {  	s25 =	simm.s32 $0x1B8E;
	s24 =	sld [smem:$0x3FFE];
	[sflag:s6] =	ssyncadd.remote.s32 @!p0 $0x1  }
0xba: {  	s26 =	simm.s32 $execute0_lowered;
	[smem:$0x3FD2] =	sst s25  }
0xbb: {  	s7 =	sshll.u32 s26, $0x1;
	_ =	strace $0x80000049;
	[dreg:$0x1] =	wrdreg $0xFFFFFFFF  }
0xbc: {  	s28 =	simm.s32 $_size_execute0_lowered;
	s5 =	sadd.s32 s5, s7;
	[dreg:$0x0] =	wrdreg $0x0  }
0xbd: {  	s7 =	sshll.u32 s28, $0x1;
	[dreg:$0x2] =	wrdreg s5  }
0xbe: {  	[dreg:$0x3] =	wrdreg s7  }
0xbf: {  	[dreg:$0x4] =	wrdreg $0xC0  }
0xc0: {  	_ =	task [dreg:s22], $0x5FFFF  }
0xc1: {  	[dreg:$0x1] =	wrdreg $0xFFFFFFFF  }
0xc2: {  	[dreg:$0x0] =	wrdreg $0x60  }
0xc3: {  	[dreg:$0x2] =	wrdreg s24  }
0xc4: {  	[dreg:$0x3] =	wrdreg s17  }
0xc5: {  	[dreg:$0x4] =	wrdreg s18  }
0xc6: {  	[dreg:$0x5] =	wrdreg $0x0  }
0xc7: {  	[dreg:$0x6] =	wrdreg $0x9  }
0xc8: {  	_ =	task.clear_ibuf [dreg:s22], $0x7FFFF;
	_ =	strace $0x90000049  }
0xc9: {  	s29 =	simm.s32 $0x9;
	_ =	strace $0x8000004B  }
0xca: {  	_ =	swait.ge [sflag:s29], $0x1  }
0xcb: {  	[sflag:s29] =	ssyncadd.s32 $0xFFFFFFFF  }
0xcc: {  	_ =	strace $0x9000004B  }
0xcd: {  	_ =	sfence  }
0xce: {  	s30 =	sld [smem:$0x0];
	_ =	sdelay $0x2  }
0xcf: {  	s31 =	sshll.u32 s1, $0xD;
	s1 =	sshrl.u32 s1, $0x2  }
0xd0: {  	s4 =	sand.u32 $0x4000, s31;
	s1 =	sadd.s32 s1, s30  }
0xd1: {  	s0 =	sor.u32 s4, s0;
	s1 =	sshll.u32 s1, $0x11  }
0xd2: {  	s0 =	sor.u32 s1, s0  }
0xd3: {  	s0 =	sadd.s32 $0x8F2B, s0  }
0xd4: {  	[sflag:s0] =	ssyncadd.remote.s32 $0x1  }
0xd5: {  	_ =	sfence.sel $0xFFFF  }
0xd6: {  	[dreg:$0x0] =	wrdreg $0xFFFFFFFF;
	(pc) =	sbr.abs _section_cstart, $3  }
0xd7: {  	[dreg:$0x1] =	wrdreg $0xFFFFFFFF  }
0xd8: {  	_ =	task.clear_ibuf [dreg:s22], $0x2FFFF;
	_ =	strace $0x9FFFFFFF  }
0xd9: {  	(tm) =	ssettm $0x7FFFFFFF  }
tec
execute0_lowered:
.L_overlay_start_1:
0x0: {  	(tag) =	ssettag $0x1  }
0x1: {  	s5 =	rddreg [dreg:$0x0]  }
0x2: {  	s1 =	rddreg [dreg:$0x1]  }
0x3: {  	s0 =	srdreg.scid;
	s13 =	rddreg [dreg:$0x2]  }
0x4: {  	s3 =	rddreg [dreg:$0x3];
	s4 =	simm.s32 $0x0;
	s17 =	simm.s32 $0x2780  }
0x5: {  	s18 =	simm.s32 $0x70;
	s6 =	sand.u32 $0x1, s0;
	s0 =	stileid.u32  }
0x6: {  	s21 =	simm.s32 $0x0;
	[smem:$0x7FF] =	sst s4;
	s31 =	smul.u32 $0x9E00, s0  }
0x7: {  	s2 =	sshll.u32 s6, $0x4;
	s8 =	ssub.s32 $0x2, s6;
	s9 =	smul.u32 $0x2780, s0  }
0x8: {  	s11 =	smul.u32 $0x27800, s6;
	s19 =	sshll.u32 s0, $0x6;
	s7 =	sor.u32 s0, s2  }
0x9: {  	s2 =	rddreg [dreg:$0x4];
	_ =	strace $0x8000004A;
	s10 =	sshrl.u32 s8, $0x1  }
0xa: {  	s19 =	sor.u32 $0x1C01, s19;
	s7 =	smul.u32 $0x4EC, s7;
	s11 =	sadd.s32 s9, s11  }
0xb: {  	s14 =	ssub.s32 s8, s10;
	s6 =	sadd.s32 s9, s3;
	s16 =	sshrl.u32 s11, $0x3  }
0xc: {  	s14 =	smax.u32 s14, $0x1;
	s20 =	sshrl.u32 s6, $0x3;
	s12 =	sadd.s32 s7, s5  }
0xd: {  	s5 =	sadd.s32 $0x71A00, s5;
	s7 =	sshrl.u32 s31, $0x2;
	s13 =	sadd.s32 s13, s16  }
0xe: {  	s16 =	simm.s32 $0x1;
	s15 =	sadd.s32 s7, s3;
	s12 =	sadd.s32 $0x11800, s12  }
0xf: {  	s7 =	sadd.s32 $0x700, s15;
	s8 =	sadd.s32 $0xE00, s15;
	s9 =	sadd.s32 $0x1500, s15  }
0x10: {  	s10 =	sadd.s32 $0x1C00, s15;
	s11 =	sadd.s32 $0x2300, s15;
	s15 =	simm.s32 $0x4EE0  }
.LBB2_1:
0x11: {  	[tilespmem:s15], [sflag:$0x1] =	stream.linear.gather [hbm4b:s1+s4], $0x700, $0x38;
	[tilespmem:$0x55E0] =	vst v63  }
0x12: {  	_ =	swait.ge [sflag:s16], $0x700  }
0x13: {  	[sflag:s16] =	ssyncset.done $0x0  }
0x14: {  	[sflag:s16] =	ssyncadd.s32 $0xFFFFF900  }
0x15: {  	[spmem:s6] =	stream.linear.scatter [tilespmem:s15], [sflag:$0x1], $0x700, $0x38;
	[tilespmem:$0x55E0] =	vst v63  }
0x16: {  	_ =	swait.ge [sflag:s16], $0x700  }
0x17: {  	[sflag:s16] =	ssyncset.done $0x0  }
0x18: {  	[sflag:s16] =	ssyncadd.s32 $0xFFFFF900  }
0x19: {  	[spmem:s7] =	stream.linear.scatter [tilespmem:s15], [sflag:$0x1], $0x700, $0x38;
	[tilespmem:$0x55E0] =	vst v63  }
0x1a: {  	_ =	swait.ge [sflag:s16], $0x700  }
0x1b: {  	[sflag:s16] =	ssyncset.done $0x0  }
0x1c: {  	[sflag:s16] =	ssyncadd.s32 $0xFFFFF900  }
0x1d: {  	[spmem:s8] =	stream.linear.scatter [tilespmem:s15], [sflag:$0x1], $0x700, $0x38;
	[tilespmem:$0x55E0] =	vst v63  }
0x1e: {  	_ =	swait.ge [sflag:s16], $0x700  }
0x1f: {  	[sflag:s16] =	ssyncset.done $0x0  }
0x20: {  	[sflag:s16] =	ssyncadd.s32 $0xFFFFF900  }
0x21: {  	[spmem:s9] =	stream.linear.scatter [tilespmem:s15], [sflag:$0x1], $0x700, $0x38;
	[tilespmem:$0x55E0] =	vst v63  }
0x22: {  	_ =	swait.ge [sflag:s16], $0x700  }
0x23: {  	[sflag:s16] =	ssyncset.done $0x0  }
0x24: {  	[sflag:s16] =	ssyncadd.s32 $0xFFFFF900  }
0x25: {  	[spmem:s10] =	stream.linear.scatter [tilespmem:s15], [sflag:$0x1], $0x700, $0x38;
	[tilespmem:$0x55E0] =	vst v63  }
0x26: {  	_ =	swait.ge [sflag:s16], $0x700  }
0x27: {  	[sflag:s16] =	ssyncset.done $0x0  }
0x28: {  	[sflag:s16] =	ssyncadd.s32 $0xFFFFF900  }
0x29: {  	[spmem:s11] =	stream.linear.scatter [tilespmem:s15], [sflag:$0x1], $0x480, $0x38;
	[tilespmem:$0x55E0] =	vst v63  }
0x2a: {  	_ =	swait.ge [sflag:s16], $0x480  }
0x2b: {  	[sflag:s16] =	ssyncset.done $0x0  }
0x2c: {  	[sflag:s16] =	ssyncadd.s32 $0xFFFFFB80  }
0x2d: {  	[tilespmem:s15], [sflag:$0x1] =	stream.linear.gather [hbm4b:s5+s4], $0x700, $0x38;
	[tilespmem:$0x55E0] =	vst v63  }
0x2e: {  	_ =	swait.ge [sflag:s16], $0x700  }
0x2f: {  	[sflag:s16] =	ssyncset.done $0x0  }
0x30: {  	[sflag:s16] =	ssyncadd.s32 $0xFFFFF900  }
0x31: {  	[tilespmem:s17], [sflag:$0x1] =	stream.linear.gather [hbm4b:s12+s4], $0x2760, $0x38;
	[tilespmem:$0x55E0] =	vst v63  }
0x32: {  	_ =	swait.ge [sflag:s16], $0x2760  }
0x33: {  	[sflag:s16] =	ssyncset.done $0x0  }
0x34: {  	[sflag:s16] =	ssyncadd.s32 $0xFFFFD8A0  }
0x35: {  	s22 =	simm.s32 $0x2780;
	[bflag:$0x0] =	sbarrier.arrive $0xFFFF  }
0x36: {  	[spmem:s3] =	stream.indirect.scatter.add.f32 [tilespmem:s15], [sflag:$0x1], $0x10, s22, s18, $0xb8;
	[tilespmem:$0x55E0] =	vst v63  }
0x37: {  	s22 =	simm.s32 $0x1C0;
	_ =	swait.ge [sflag:s16], $0x700  }
.LBB2_2:
0x38: {  	s23 =	sshra.s32 s22, $0x2;
	[sflag:s16] =	ssyncset.done $0x0;
	p0 =	sne.s32 s22, $0x9BC0  }
.Ltmp0:
0x39: {  	s23 =	sadd.s32 $0x2780, s23;
	[sflag:s16] =	ssyncadd.s32 $0xFFFFF900;
	(pc) =	sbr.rel @p0 .LBB2_2-.Ltmp0, $3  }
0x3a: {  	[spmem:s3] =	stream.indirect.scatter.add.f32 [tilespmem:s15], [sflag:$0x1], $0x10, s23, s18, $0xb8;
	[tilespmem:$0x55E0] =	vst v63  }
0x3b: {  	s22 =	sadd.s32 $0x1C0, s22;
	_ =	sdelay $0x1  }
0x3c: {  	_ =	swait.ge [sflag:s16], $0x700  }
0x3d: {  	[sflag:s16] =	ssyncset.done $0x0;
	s21 =	sadd.s32 $0x1, s21  }
0x3e: {  	[sflag:s16] =	ssyncadd.s32 $0xFFFFF900;
	p0 =	sne.s32 s21, s14  }
.Ltmp1:
0x3f: {  	[bflag:$0x0] =	sbarrier.arrive $0xFFFF;
	(pc) =	sbr.rel @p0 .LBB2_1-.Ltmp1, $4  }
0x40: {  	[hbm:s13], [sflag:s19] =	dma.local [spmem:s20], $0x4F0  }
0x41: {  	_ =	swait.ge [sflag:s16], $0x4F0  }
0x42: {  	[sflag:s16] =	ssyncset.done $0x0  }
0x43: {  	[sflag:s16] =	ssyncadd.s32 $0xFFFFFB10  }
0x44: {  	_ =	sfence.sel $0x180000  }
0x45: {  	[bflag:$0x0] =	sbarrier.arrive $0xFFFF  }
0x46: {  	p0 =	sne.s32 s0, $0x0;
	_ =	strace $0x9000004A  }
0x47: {  	s0 =	sadd.s32 @!p0 $0x100000, s2;
	[bflag:$0x2] =	sbarrier.arrive $0xFFFF  }
0x48: {  	[sflag:s0] =	ssyncadd.tile.s32 @!p0 $0x1;
	_ =	shalt  }
.Lfunc_end2:
_tile_overlayer_lowered:
.L_overlay_start_2:
0x49: {  	(tag) =	ssettag $0x2  }
0x4a: {  	s0 =	rddreg [dreg:$0x0];
	s2 =	stileid.u32  }
0x4b: {  	s1 =	rddreg [dreg:$0x1];
	p0 =	sne.s32 s2, $0x0  }
0x4c: {  	s3 =	rddreg [dreg:$0x2];
	[bflag:$0x3] =	sbarrier.arrive $0xFFFF;
	s2 =	simm.s32 @!p0 $0x1C01  }
0x4d: {  	[timem:s3], [sflag:s2] =	dma.local @!p0 [hbm:s0], s1  }
0x4e: {  	s0 =	simm.s32 @!p0 $0x1  }
0x4f: {  	_ =	swait.ge @!p0 [sflag:s0], s1  }
0x50: {  	s1 =	ssub.s32 @!p0 $0x0, s1;
	[sflag:s0] =	ssyncset.done @!p0 $0x0  }
0x51: {  	[sflag:s0] =	ssyncadd.s32 @!p0 s1  }
0x52: {  	[bflag:$0x3] =	sbarrier.arrive $0xFFFF  }
0x53: {  	_ =	shalt  }

</sc_bundles>
